<compile_context>
chip_gen: v7x
topology: tpu7x:2x2x1
jax: 0.10.2.dev20260603
libtpu: 0.0.44.dev20260713+nightly
codegen_flags: <defaults>
</compile_context>

<pallas_src>
import functools

import jax
import jax.numpy as jnp
from jax import lax
from jax.experimental import pallas as pl
from jax.experimental.pallas import tpu as pltpu
from jax.experimental.pallas import tpu_sc as plsc

N = 10000
E = 320000
D = 128
DH = D // 2

NC = 2
NS = 16
NW = NC * NS

CHUNK = 80
NCH = E // NS // CHUNK
NPAIR = NCH // 2

N_AL = 10240
SPT = N_AL // NS
RPW = N // NS
ZROWS = 125
YR = 320

_f32 = jnp.float32
_i32 = jnp.int32

_MESH = plsc.VectorSubcoreMesh(
    core_axis_name="c", subcore_axis_name="s", num_cores=NC, num_subcores=NS)

_SC_PARAMS = pltpu.CompilerParams(use_tc_tiling_on_sc=False)


@functools.partial(
    pl.kernel,
    out_type=(
        jax.ShapeDtypeStruct((NC, N, DH), _f32),
        jax.ShapeDtypeStruct((NC, N), _f32),
        jax.ShapeDtypeStruct((N_AL,), _f32),
        jax.ShapeDtypeStruct((N_AL,), _f32),
        jax.ShapeDtypeStruct((N, DH), _f32),
        jax.ShapeDtypeStruct((N, DH), _f32),
    ),
    mesh=_MESH,
    scratch_types=[
        pltpu.VMEM((NCH, CHUNK), _i32),
        pltpu.VMEM((NCH, CHUNK), _i32),
        pltpu.VMEM((CHUNK, DH), _f32),
        pltpu.VMEM((CHUNK, DH), _f32),
        pltpu.VMEM((CHUNK,), _f32),
        pltpu.VMEM((YR, DH), _f32),
        pltpu.VMEM((SPT,), _f32),
        pltpu.SMEM((SPT,), _f32),
        pltpu.VMEM_SHARED((N + 8, DH), _f32),
        pltpu.VMEM_SHARED((N,), _f32),
        pltpu.VMEM_SHARED((N_AL,), _f32),
        pltpu.VMEM_SHARED((N_AL,), _f32),
        pltpu.SemaphoreType.DMA,
        pltpu.SemaphoreType.DMA,
        pltpu.SemaphoreType.DMA,
    ],
    compiler_params=_SC_PARAMS,
)
def _mega_kernel(src_hbm, dst_hbm, xw_hbm,
                 t_out, u_out, d0_hbm, d1_hbm, y0_hbm, y1_hbm,
                 src_v, dst_v, rows_a, rows_b, vals_v, big_v, work_v,
                 smem_v, t_sh, u_sh, deg_sh, dinv_sh, sem_a, sem_b, sem_u):
    c = lax.axis_index("c")
    s = lax.axis_index("s")

    z = jnp.zeros((16,), _f32)

    def zbig_body(i, _):
        for k in range(DH // 16):
            big_v[i, pl.ds(16 * k, 16)] = z
        return 0

    lax.fori_loop(0, YR, zbig_body, 0)

    def zwork_body(i, _):
        work_v[pl.ds(16 * i, 16)] = z
        return 0

    lax.fori_loop(0, SPT // 16, zwork_body, 0)

    for q in range(RPW // ZROWS):
        pltpu.sync_copy(big_v.at[pl.ds(0, ZROWS)],
                        t_sh.at[pl.ds(s * RPW + q * ZROWS, ZROWS)])
    pltpu.sync_copy(work_v, deg_sh.at[pl.ds(s * SPT, SPT)])

    @pl.when(s < NS - 1)
    def _():
        pltpu.sync_copy(work_v, u_sh.at[pl.ds(s * SPT, SPT)])

    @pl.when(s == NS - 1)
    def _():
        pltpu.sync_copy(work_v.at[pl.ds(0, N - (NS - 1) * SPT)],
                        u_sh.at[pl.ds((NS - 1) * SPT, N - (NS - 1) * SPT)])

    one = jnp.full((16,), 1.0, _f32)
    for k in range(CHUNK // 16):
        work_v[pl.ds(16 * k, 16)] = one

    pltpu.sync_copy(src_hbm.at[s], src_v)
    pltpu.sync_copy(dst_hbm.at[s], dst_v)
    plsc.subcore_barrier()

    HK = 10

    def hist_body(g, _):
        for k in range(HK):
            pltpu.async_copy(work_v.at[pl.ds(0, CHUNK)],
                             deg_sh.at[dst_v.at[g * HK + k]], sem_u,
                             add=True)
        for k in range(HK):
            pltpu.make_async_copy(work_v.at[pl.ds(0, CHUNK)],
                                  deg_sh.at[dst_v.at[g * HK + k]],
                                  sem_u).wait()
        return 0

    lax.fori_loop(0, NCH // HK, hist_body, 0)
    plsc.subcore_barrier()

    pltpu.sync_copy(deg_sh.at[pl.ds(s * SPT, SPT)], work_v)

    def newton_body(i, _):
        d = work_v[pl.ds(16 * i, 16)] + 1.0
        y = jnp.full((16,), 1.0, _f32)
        for _ in range(10):
            y = jnp.where(d * y * y > 2.0, y * 0.5, y)
        for _ in range(5):
            y = y * (1.5 - 0.5 * d * y * y)
        work_v[pl.ds(16 * i, 16)] = y
        for j in range(16):
            smem_v[16 * i + j] = y[j]
        return 0

    lax.fori_loop(0, SPT // 16, newton_body, 0)
    pltpu.sync_copy(work_v, dinv_sh.at[pl.ds(s * SPT, SPT)])

    @pl.when(c == 0)
    def _():
        pltpu.sync_copy(work_v, d0_hbm.at[pl.ds(s * SPT, SPT)])

    @pl.when(c == 1)
    def _():
        pltpu.sync_copy(work_v, d1_hbm.at[pl.ds(s * SPT, SPT)])

    def scale_rows(row0, nrows, soff, col0, y_hbm):
        pltpu.sync_copy(xw_hbm.at[pl.ds(row0, nrows), pl.ds(col0, DH)],
                        big_v.at[pl.ds(0, nrows)])

        def row_body(r, _):
            dv = jnp.full((16,), smem_v[soff + r], _f32)
            for k in range(DH // 16):
                big_v[r, pl.ds(16 * k, 16)] = (
                    big_v[r, pl.ds(16 * k, 16)] * dv)
            return 0

        lax.fori_loop(0, nrows, row_body, 0)
        pltpu.sync_copy(big_v.at[pl.ds(0, nrows)],
                        y_hbm.at[pl.ds(row0, nrows)])

    def scale_half(col0, y_hbm):
        @pl.when(s < NS - 1)
        def _():
            scale_rows(s * SPT, YR, 0, col0, y_hbm)
            scale_rows(s * SPT + YR, YR, YR, col0, y_hbm)

        @pl.when(s == NS - 1)
        def _():
            scale_rows((NS - 1) * SPT, YR, 0, col0, y_hbm)
            scale_rows((NS - 1) * SPT + YR, N - (NS - 1) * SPT - YR, YR,
                       col0, y_hbm)

    @pl.when(c == 0)
    def _():
        scale_half(0, y0_hbm)

    @pl.when(c == 1)
    def _():
        scale_half(DH, y1_hbm)

    plsc.subcore_barrier()

    def start_rows(j, buf, sem):
        @pl.when(c == 0)
        def _():
            pltpu.async_copy(y0_hbm.at[src_v.at[j]], buf, sem)

        @pl.when(c == 1)
        def _():
            pltpu.async_copy(y1_hbm.at[src_v.at[j]], buf, sem)

    def wait_rows(j, buf, sem):
        pltpu.make_async_copy(y0_hbm.at[src_v.at[j]], buf, sem).wait()

    def start_vals(j):
        pltpu.async_copy(dinv_sh.at[dst_v.at[j]], vals_v, sem_u)

    start_rows(0, rows_a, sem_a)

    def body(i, _):
        j0 = 2 * i
        j1 = 2 * i + 1
        jm = j0 + c
        start_rows(j1, rows_b, sem_b)
        start_vals(jm)
        wait_rows(j0, rows_a, sem_a)
        pltpu.sync_copy(rows_a, t_sh.at[dst_v.at[j0]], add=True)

        @pl.when(i < NPAIR - 1)
        def _():
            start_rows(j0 + 2, rows_a, sem_a)

        wait_rows(j1, rows_b, sem_b)
        pltpu.sync_copy(rows_b, t_sh.at[dst_v.at[j1]], add=True)

        pltpu.make_async_copy(dinv_sh.at[dst_v.at[jm]], vals_v, sem_u).wait()
        pltpu.sync_copy(vals_v, u_sh.at[src_v.at[jm]], add=True)
        return 0

    lax.fori_loop(0, NPAIR, body, 0)
    plsc.subcore_barrier()

    pltpu.sync_copy(t_sh.at[pl.ds(s * RPW, RPW)],
                    t_out.at[c, pl.ds(s * RPW, RPW)])

    @pl.when(s == 0)
    def _():
        pltpu.sync_copy(u_sh, u_out.at[c])


def _mm_body(x_ref, w1_ref, xw_ref):
    xw_ref[...] = jnp.dot(x_ref[...], w1_ref[...],
                          preferred_element_type=_f32,
                          precision=lax.Precision.HIGHEST)


def _final_body(t_ref, y0_ref, y1_ref, dinv_ref, dl_ref, u_ref, b1_ref,
                w2_ref, b2_ref, v_ref, out_ref):
    i = pl.program_id(0)
    n_blocks = pl.num_programs(0)
    tp = t_ref[...]
    dv = dinv_ref[...]
    b1 = b1_ref[...]
    m0 = jnp.maximum(dv * tp[0] + y0_ref[...] * dv + b1[:, :DH], 0.0)
    m1 = jnp.maximum(dv * tp[1] + y1_ref[...] * dv + b1[:, DH:], 0.0)
    dl = dl_ref[...][0]
    ul = u_ref[...][:, 0]
    cc = dl * (ul[0] + ul[1] + dl)
    pv0 = jnp.dot(cc, m0, preferred_element_type=_f32,
                  precision=lax.Precision.HIGHEST)
    pv1 = jnp.dot(cc, m1, preferred_element_type=_f32,
                  precision=lax.Precision.HIGHEST)

    @pl.when(i == 0)
    def _():
        v_ref[0] = pv0
        v_ref[1] = pv1

    @pl.when(i > 0)
    def _():
        v_ref[0] = v_ref[0] + pv0
        v_ref[1] = v_ref[1] + pv1

    @pl.when(i == n_blocks - 1)
    def _():
        w2 = w2_ref[...]
        out = (jnp.dot(v_ref[0], w2[:DH, :], preferred_element_type=_f32,
                       precision=lax.Precision.HIGHEST)
               + jnp.dot(v_ref[1], w2[DH:, :], preferred_element_type=_f32,
                         precision=lax.Precision.HIGHEST))
        out_ref[...] = out * (1.0 / N) + b2_ref[...]


def kernel(x, edge_index, W1, b1, W2, b2):
    R = 1000
    G = N // R

    src2 = edge_index[0].reshape(NS, NCH, CHUNK)
    dst2 = edge_index[1].reshape(NS, NCH, CHUNK)

    xw = pl.pallas_call(
        _mm_body,
        grid=(G,),
        in_specs=[
            pl.BlockSpec((R, D), lambda i: (i, 0)),
            pl.BlockSpec((D, D), lambda i: (0, 0)),
        ],
        out_specs=pl.BlockSpec((R, D), lambda i: (i, 0)),
        out_shape=jax.ShapeDtypeStruct((N, D), _f32),
    )(x, W1)

    t_pair, u_pair, d0, _d1, y0, y1 = _mega_kernel(src2, dst2, xw)
    dinv2 = d0[:N].reshape(N, 1)
    dinv_lane = d0[:N].reshape(G, 1, R)
    u_lane = u_pair.reshape(NC, G, 1, R)

    _, out2 = pl.pallas_call(
        _final_body,
        grid=(G,),
        in_specs=[
            pl.BlockSpec((NC, R, DH), lambda i: (0, i, 0)),
            pl.BlockSpec((R, DH), lambda i: (i, 0)),
            pl.BlockSpec((R, DH), lambda i: (i, 0)),
            pl.BlockSpec((R, 1), lambda i: (i, 0)),
            pl.BlockSpec((1, 1, R), lambda i: (i, 0, 0)),
            pl.BlockSpec((NC, 1, 1, R), lambda i: (0, i, 0, 0)),
            pl.BlockSpec((1, D), lambda i: (0, 0)),
            pl.BlockSpec((D, D), lambda i: (0, 0)),
            pl.BlockSpec((1, D), lambda i: (0, 0)),
        ],
        out_specs=[
            pl.BlockSpec((NC, 1, DH), lambda i: (0, 0, 0)),
            pl.BlockSpec((1, D), lambda i: (0, 0)),
        ],
        out_shape=[
            jax.ShapeDtypeStruct((NC, 1, DH), _f32),
            jax.ShapeDtypeStruct((1, D), _f32),
        ],
    )(t_pair, y0, y1, dinv2, dinv_lane, u_lane, b1.reshape(1, D), W2,
      b2.reshape(1, D))

    return out2[0]

# --- scband reference (transcript-rebuilt; emitter-appended) ---
"""Pipeline reference for scband-gnn-48473000903526 (READ-ONLY COPY).

The authoritative reference and input builder live on the scoring server;
editing this copy changes nothing except your own understanding.
"""

import jax, jax.numpy as jnp
import numpy as np

N = 10000
E = 320000
D_IN = 128
D_H = 128


def setup_inputs(seed: int = 0) -> dict:
    key = jax.random.key(seed)
    ks = jax.random.split(key, 6)
    x = jax.random.normal(ks[0], (N, D_IN), dtype=jnp.float32)
    edge_index = jax.random.randint(ks[1], (2, E), 0, N, dtype=jnp.int32)
    # GCNConv learned parameters (glorot init for weights, zeros for bias)
    s1 = (6.0 / (D_IN + D_H)) ** 0.5
    s2 = (6.0 / (D_H + D_H)) ** 0.5
    W1 = jax.random.uniform(ks[2], (D_IN, D_H), dtype=jnp.float32, minval=-s1, maxval=s1)
    b1 = jnp.zeros((D_H,), dtype=jnp.float32)
    W2 = jax.random.uniform(ks[3], (D_H, D_H), dtype=jnp.float32, minval=-s2, maxval=s2)
    b2 = jnp.zeros((D_H,), dtype=jnp.float32)
    return {"x": x, "edge_index": edge_index, "W1": W1, "b1": b1, "W2": W2, "b2": b2}


def _gcn_conv(x, src, dst, W, b):
    # x' = D^{-1/2} (A + I) D^{-1/2} X W + b  (faithful to torch_geometric GCNConv)
    xw = x @ W
    deg = jnp.zeros((N,), dtype=x.dtype).at[dst].add(1.0)
    dinv = jnp.where(deg > 0, jax.lax.rsqrt(jnp.maximum(deg, 1e-12)), 0.0)
    norm = dinv[src] * dinv[dst]
    msgs = jnp.take(xw, src, axis=0) * norm[:, None]
    out = jnp.zeros((N, W.shape[1]), dtype=x.dtype).at[dst].add(msgs)
    return out + b


def reference(x, edge_index, W1, b1, W2, b2):
    loop = jnp.arange(N, dtype=edge_index.dtype)
    src = jnp.concatenate([edge_index[0], loop])
    dst = jnp.concatenate([edge_index[1], loop])
    h = _gcn_conv(x, src, dst, W1, b1)
    h = jax.nn.relu(h)
    h = _gcn_conv(h, src, dst, W2, b2)
    return h.mean(axis=0)

if __name__ == "__main__":
    import jax
    _d = setup_inputs()
    print(jax.jit(kernel)(*tuple(_d.values())))

</pallas_src>

<mosaic_0001>
#map = affine_map<(d0, d1) -> (0, 0, 0)>
#map1 = affine_map<(d0, d1) -> (0, 0)>
#map2 = affine_map<(d0, d1) -> (0)>
module attributes {stable_mosaic.version = 14 : i64} {
  func.func @_mega_kernel(%arg0: i32, %arg1: i32, %arg2: memref<16x250x80xi32, #tpu.memory_space<hbm>>, %arg3: memref<16x250x80xi32, #tpu.memory_space<hbm>>, %arg4: memref<10000x128xf32, #tpu.memory_space<hbm>>, %arg5: memref<2x10000x64xf32, #tpu.memory_space<hbm>>, %arg6: memref<2x10000xf32, #tpu.memory_space<hbm>>, %arg7: memref<10240xf32, #tpu.memory_space<hbm>>, %arg8: memref<10240xf32, #tpu.memory_space<hbm>>, %arg9: memref<10000x64xf32, #tpu.memory_space<hbm>>, %arg10: memref<10000x64xf32, #tpu.memory_space<hbm>>, %arg11: memref<250x80xi32, #tpu.memory_space<vmem>>, %arg12: memref<250x80xi32, #tpu.memory_space<vmem>>, %arg13: memref<80x64xf32, #tpu.memory_space<vmem>>, %arg14: memref<80x64xf32, #tpu.memory_space<vmem>>, %arg15: memref<80xf32, #tpu.memory_space<vmem>>, %arg16: memref<320x64xf32, #tpu.memory_space<vmem>>, %arg17: memref<640xf32, #tpu.memory_space<vmem>>, %arg18: memref<640xf32, #tpu.memory_space<smem>>, %arg19: memref<10008x64xf32, #tpu.memory_space<vmem_shared>>, %arg20: memref<10000xf32, #tpu.memory_space<vmem_shared>>, %arg21: memref<10240xf32, #tpu.memory_space<vmem_shared>>, %arg22: memref<10240xf32, #tpu.memory_space<vmem_shared>>, %arg23: memref<!tpu.dma_semaphore, #tpu.memory_space<semaphore_mem>>, %arg24: memref<!tpu.dma_semaphore, #tpu.memory_space<semaphore_mem>>, %arg25: memref<!tpu.dma_semaphore, #tpu.memory_space<semaphore_mem>>) attributes {dimension_semantics = [#tpu.dimension_semantics<core_parallel>, #tpu.dimension_semantics<subcore_parallel>], iteration_bounds = array<i64: 2, 16>, scalar_prefetch = 0 : i64, scratch_operands = 15 : i64, tpu.core_type = #tpu.core_type<sc_vector_subcore>, window_params = [{transform_indices = #map}, {transform_indices = #map}, {transform_indices = #map1}, {transform_indices = #map}, {transform_indices = #map1}, {transform_indices = #map2}, {transform_indices = #map2}, {transform_indices = #map1}, {transform_indices = #map1}]} {
    %broadcast_in_dim3A = arith.constant 0.000000e+00 : f32
    %broadcast_in_dim3A_0 = vector.broadcast %broadcast_in_dim3A : f32 to vector<16xf32>
    %scan3A = arith.constant 0 : i32
    %scan3A_1 = arith.constant 0 : i32
    %scan3A_2 = arith.constant 320 : i32
    %scan3A_3 = arith.addi %scan3A_1, %scan3A_2 : i32
    %scan3A_4 = arith.constant 1 : i32
    %scan3A_5 = scf.for %scan3A_128 = %scan3A_1 to %scan3A_3 step %scan3A_4 iter_args(%scan3A_129 = %scan3A) -> (i32)  : i32 {
      %swap3A_130 = arith.index_cast %scan3A_128 : i32 to index
      %swap3A_131 = arith.constant 0 : index
      %swap3A_132 = tpu.vector_load %arg16[%swap3A_130, %swap3A_131] {strides = array<i32>} : memref<320x64xf32, #tpu.memory_space<vmem>>, vector<1x16xf32>,
      %swap3A_133 = vector.shape_cast %swap3A_132 : vector<1x16xf32> to vector<16xf32>
      %swap3A_134 = vector.shape_cast %broadcast_in_dim3A_0 : vector<16xf32> to vector<1x16xf32>
      tpu.vector_store %arg16[%swap3A_130, %swap3A_131], %swap3A_134 {strides = array<i32>} : memref<320x64xf32, #tpu.memory_space<vmem>>, vector<1x16xf32>,
      %swap3A_135 = arith.index_cast %scan3A_128 : i32 to index
      %swap3A_136 = arith.constant 16 : index
      %swap3A_137 = tpu.vector_load %arg16[%swap3A_135, %swap3A_136] {strides = array<i32>} : memref<320x64xf32, #tpu.memory_space<vmem>>, vector<1x16xf32>,
      %swap3A_138 = vector.shape_cast %swap3A_137 : vector<1x16xf32> to vector<16xf32>
      %swap3A_139 = vector.shape_cast %broadcast_in_dim3A_0 : vector<16xf32> to vector<1x16xf32>
      tpu.vector_store %arg16[%swap3A_135, %swap3A_136], %swap3A_139 {strides = array<i32>} : memref<320x64xf32, #tpu.memory_space<vmem>>, vector<1x16xf32>,
      %swap3A_140 = arith.index_cast %scan3A_128 : i32 to index
      %swap3A_141 = arith.constant 32 : index
      %swap3A_142 = tpu.vector_load %arg16[%swap3A_140, %swap3A_141] {strides = array<i32>} : memref<320x64xf32, #tpu.memory_space<vmem>>, vector<1x16xf32>,
      %swap3A_143 = vector.shape_cast %swap3A_142 : vector<1x16xf32> to vector<16xf32>
      %swap3A_144 = vector.shape_cast %broadcast_in_dim3A_0 : vector<16xf32> to vector<1x16xf32>
      tpu.vector_store %arg16[%swap3A_140, %swap3A_141], %swap3A_144 {strides = array<i32>} : memref<320x64xf32, #tpu.memory_space<vmem>>, vector<1x16xf32>,
      %swap3A_145 = arith.index_cast %scan3A_128 : i32 to index
      %swap3A_146 = arith.constant 48 : index
      %swap3A_147 = tpu.vector_load %arg16[%swap3A_145, %swap3A_146] {strides = array<i32>} : memref<320x64xf32, #tpu.memory_space<vmem>>, vector<1x16xf32>,
      %swap3A_148 = vector.shape_cast %swap3A_147 : vector<1x16xf32> to vector<16xf32>
      %swap3A_149 = vector.shape_cast %broadcast_in_dim3A_0 : vector<16xf32> to vector<1x16xf32>
      tpu.vector_store %arg16[%swap3A_145, %swap3A_146], %swap3A_149 {strides = array<i32>} : memref<320x64xf32, #tpu.memory_space<vmem>>, vector<1x16xf32>,
      %scan3A_150 = arith.constant 0 : i32
      scf.yield %scan3A_150 : i32
    }
    %scan3A_6 = arith.constant 320 : i32
    %scan3A_7 = arith.constant 0 : i32
    %scan3A_8 = arith.constant 0 : i32
    %scan3A_9 = arith.constant 40 : i32
    %scan3A_10 = arith.addi %scan3A_8, %scan3A_9 : i32
    %scan3A_11 = arith.constant 1 : i32
    %scan3A_12 = scf.for %scan3A_128 = %scan3A_8 to %scan3A_10 step %scan3A_11 iter_args(%scan3A_129 = %scan3A_7) -> (i32)  : i32 {
      %mul3A_130 = arith.constant 16 : i32
      %mul3A_131 = arith.muli %mul3A_130, %scan3A_128 : i32
      %swap3A_132 = arith.index_cast %mul3A_131 : i32 to index
      %swap3A_133 = tpu.vector_load %arg17[%swap3A_132] {strides = array<i32>} : memref<640xf32, #tpu.memory_space<vmem>>, vector<16xf32>,
      %swap3A_134 = vector.shape_cast %swap3A_133 : vector<16xf32> to vector<16xf32>
      %swap3A_135 = vector.shape_cast %broadcast_in_dim3A_0 : vector<16xf32> to vector<16xf32>
      tpu.vector_store %arg17[%swap3A_132], %swap3A_135 {strides = array<i32>} : memref<640xf32, #tpu.memory_space<vmem>>, vector<16xf32>,
      %scan3A_136 = arith.constant 0 : i32
      scf.yield %scan3A_136 : i32
    }
    %scan3A_13 = arith.constant 40 : i32
    %mul3A = arith.constant 625 : i32
    %mul3A_14 = arith.muli %arg1, %mul3A : i32
    %add3A = arith.constant 0 : i32
    %add3A_15 = arith.addi %mul3A_14, %add3A : i32
    "tpu.region"() ({
      %run_scoped3A = tpu.sem_alloc : memref<!tpu.dma_semaphore, #tpu.memory_space<semaphore_mem>>
      %dma_start3A = arith.constant 0 : i32
      %dma_start3A_128 = arith.constant 0 : i32
      %dma_start3A_129 = tpu.memref_slice %arg16[%dma_start3A, %dma_start3A_128] : memref<320x64xf32, #tpu.memory_space<vmem>> -> memref<125x64xf32, #tpu.memory_space<vmem>>
      %dma_start3A_130 = arith.constant 0 : i32
      %dma_start3A_131 = tpu.memref_slice %arg19[%add3A_15, %dma_start3A_130] : memref<10008x64xf32, #tpu.memory_space<vmem_shared>> -> memref<125x64xf32, #tpu.memory_space<vmem_shared>>
      %dma_start3A_132 = arith.constant 0 : i32
      %dma_start3A_133 = tpu.memref_slice %arg19[%add3A_15, %dma_start3A_132] : memref<10008x64xf32, #tpu.memory_space<vmem_shared>> -> memref<125x64xf32, #tpu.memory_space<vmem_shared>>
      %dma_start3A_134 = arith.constant 0 : i32
      %dma_start3A_135 = arith.constant 0 : i32
      %dma_start3A_136 = tpu.memref_slice %arg16[%dma_start3A_134, %dma_start3A_135] : memref<320x64xf32, #tpu.memory_space<vmem>> -> memref<125x64xf32, #tpu.memory_space<vmem>>
      tpu.enqueue_dma source(%dma_start3A_136 : memref<125x64xf32, #tpu.memory_space<vmem>>) target(%dma_start3A_133 : memref<125x64xf32, #tpu.memory_space<vmem_shared>>) target_semaphore(%run_scoped3A : memref<!tpu.dma_semaphore, #tpu.memory_space<semaphore_mem>>)
      %dma_wait3A = arith.constant 0 : i32
      %dma_wait3A_137 = arith.constant 0 : i32
      %dma_wait3A_138 = tpu.memref_slice %arg16[%dma_wait3A, %dma_wait3A_137] : memref<320x64xf32, #tpu.memory_space<vmem>> -> memref<125x64xf32, #tpu.memory_space<vmem>>
      %dma_wait3A_139 = arith.constant 0 : i32
      %dma_wait3A_140 = tpu.memref_slice %arg19[%add3A_15, %dma_wait3A_139] : memref<10008x64xf32, #tpu.memory_space<vmem_shared>> -> memref<125x64xf32, #tpu.memory_space<vmem_shared>>
      %dma_wait3A_141 = arith.constant 0 : i32
      %dma_wait3A_142 = tpu.memref_slice %arg19[%add3A_15, %dma_wait3A_141] : memref<10008x64xf32, #tpu.memory_space<vmem_shared>> -> memref<125x64xf32, #tpu.memory_space<vmem_shared>>
      %dma_wait3A_143 = arith.constant 0 : i32
      %dma_wait3A_144 = arith.constant 0 : i32
      %dma_wait3A_145 = tpu.memref_slice %arg16[%dma_wait3A_143, %dma_wait3A_144] : memref<320x64xf32, #tpu.memory_space<vmem>> -> memref<125x64xf32, #tpu.memory_space<vmem>>
      tpu.wait_dma2 semaphore(%run_scoped3A : memref<!tpu.dma_semaphore, #tpu.memory_space<semaphore_mem>>) src(%dma_wait3A_145 : memref<125x64xf32, #tpu.memory_space<vmem>>) dst(%dma_wait3A_142 : memref<125x64xf32, #tpu.memory_space<vmem_shared>>)
      tpu.yield
    }) : () -> ()
    %mul3A_16 = arith.constant 625 : i32
    %mul3A_17 = arith.muli %arg1, %mul3A_16 : i32
    %add3A_18 = arith.constant 125 : i32
    %add3A_19 = arith.addi %mul3A_17, %add3A_18 : i32
    "tpu.region"() ({
      %run_scoped3A = tpu.sem_alloc : memref<!tpu.dma_semaphore, #tpu.memory_space<semaphore_mem>>
      %dma_start3A = arith.constant 0 : i32
      %dma_start3A_128 = arith.constant 0 : i32
      %dma_start3A_129 = tpu.memref_slice %arg16[%dma_start3A, %dma_start3A_128] : memref<320x64xf32, #tpu.memory_space<vmem>> -> memref<125x64xf32, #tpu.memory_space<vmem>>
      %dma_start3A_130 = arith.constant 0 : i32
      %dma_start3A_131 = tpu.memref_slice %arg19[%add3A_19, %dma_start3A_130] : memref<10008x64xf32, #tpu.memory_space<vmem_shared>> -> memref<125x64xf32, #tpu.memory_space<vmem_shared>>
      %dma_start3A_132 = arith.constant 0 : i32
      %dma_start3A_133 = tpu.memref_slice %arg19[%add3A_19, %dma_start3A_132] : memref<10008x64xf32, #tpu.memory_space<vmem_shared>> -> memref<125x64xf32, #tpu.memory_space<vmem_shared>>
      %dma_start3A_134 = arith.constant 0 : i32
      %dma_start3A_135 = arith.constant 0 : i32
      %dma_start3A_136 = tpu.memref_slice %arg16[%dma_start3A_134, %dma_start3A_135] : memref<320x64xf32, #tpu.memory_space<vmem>> -> memref<125x64xf32, #tpu.memory_space<vmem>>
      tpu.enqueue_dma source(%dma_start3A_136 : memref<125x64xf32, #tpu.memory_space<vmem>>) target(%dma_start3A_133 : memref<125x64xf32, #tpu.memory_space<vmem_shared>>) target_semaphore(%run_scoped3A : memref<!tpu.dma_semaphore, #tpu.memory_space<semaphore_mem>>)
      %dma_wait3A = arith.constant 0 : i32
      %dma_wait3A_137 = arith.constant 0 : i32
      %dma_wait3A_138 = tpu.memref_slice %arg16[%dma_wait3A, %dma_wait3A_137] : memref<320x64xf32, #tpu.memory_space<vmem>> -> memref<125x64xf32, #tpu.memory_space<vmem>>
      %dma_wait3A_139 = arith.constant 0 : i32
      %dma_wait3A_140 = tpu.memref_slice %arg19[%add3A_19, %dma_wait3A_139] : memref<10008x64xf32, #tpu.memory_space<vmem_shared>> -> memref<125x64xf32, #tpu.memory_space<vmem_shared>>
      %dma_wait3A_141 = arith.constant 0 : i32
      %dma_wait3A_142 = tpu.memref_slice %arg19[%add3A_19, %dma_wait3A_141] : memref<10008x64xf32, #tpu.memory_space<vmem_shared>> -> memref<125x64xf32, #tpu.memory_space<vmem_shared>>
      %dma_wait3A_143 = arith.constant 0 : i32
      %dma_wait3A_144 = arith.constant 0 : i32
      %dma_wait3A_145 = tpu.memref_slice %arg16[%dma_wait3A_143, %dma_wait3A_144] : memref<320x64xf32, #tpu.memory_space<vmem>> -> memref<125x64xf32, #tpu.memory_space<vmem>>
      tpu.wait_dma2 semaphore(%run_scoped3A : memref<!tpu.dma_semaphore, #tpu.memory_space<semaphore_mem>>) src(%dma_wait3A_145 : memref<125x64xf32, #tpu.memory_space<vmem>>) dst(%dma_wait3A_142 : memref<125x64xf32, #tpu.memory_space<vmem_shared>>)
      tpu.yield
    }) : () -> ()
    %mul3A_20 = arith.constant 625 : i32
    %mul3A_21 = arith.muli %arg1, %mul3A_20 : i32
    %add3A_22 = arith.constant 250 : i32
    %add3A_23 = arith.addi %mul3A_21, %add3A_22 : i32
    "tpu.region"() ({
      %run_scoped3A = tpu.sem_alloc : memref<!tpu.dma_semaphore, #tpu.memory_space<semaphore_mem>>
      %dma_start3A = arith.constant 0 : i32
      %dma_start3A_128 = arith.constant 0 : i32
      %dma_start3A_129 = tpu.memref_slice %arg16[%dma_start3A, %dma_start3A_128] : memref<320x64xf32, #tpu.memory_space<vmem>> -> memref<125x64xf32, #tpu.memory_space<vmem>>
      %dma_start3A_130 = arith.constant 0 : i32
      %dma_start3A_131 = tpu.memref_slice %arg19[%add3A_23, %dma_start3A_130] : memref<10008x64xf32, #tpu.memory_space<vmem_shared>> -> memref<125x64xf32, #tpu.memory_space<vmem_shared>>
      %dma_start3A_132 = arith.constant 0 : i32
      %dma_start3A_133 = tpu.memref_slice %arg19[%add3A_23, %dma_start3A_132] : memref<10008x64xf32, #tpu.memory_space<vmem_shared>> -> memref<125x64xf32, #tpu.memory_space<vmem_shared>>
      %dma_start3A_134 = arith.constant 0 : i32
      %dma_start3A_135 = arith.constant 0 : i32
      %dma_start3A_136 = tpu.memref_slice %arg16[%dma_start3A_134, %dma_start3A_135] : memref<320x64xf32, #tpu.memory_space<vmem>> -> memref<125x64xf32, #tpu.memory_space<vmem>>
      tpu.enqueue_dma source(%dma_start3A_136 : memref<125x64xf32, #tpu.memory_space<vmem>>) target(%dma_start3A_133 : memref<125x64xf32, #tpu.memory_space<vmem_shared>>) target_semaphore(%run_scoped3A : memref<!tpu.dma_semaphore, #tpu.memory_space<semaphore_mem>>)
      %dma_wait3A = arith.constant 0 : i32
      %dma_wait3A_137 = arith.constant 0 : i32
      %dma_wait3A_138 = tpu.memref_slice %arg16[%dma_wait3A, %dma_wait3A_137] : memref<320x64xf32, #tpu.memory_space<vmem>> -> memref<125x64xf32, #tpu.memory_space<vmem>>
      %dma_wait3A_139 = arith.constant 0 : i32
      %dma_wait3A_140 = tpu.memref_slice %arg19[%add3A_23, %dma_wait3A_139] : memref<10008x64xf32, #tpu.memory_space<vmem_shared>> -> memref<125x64xf32, #tpu.memory_space<vmem_shared>>
      %dma_wait3A_141 = arith.constant 0 : i32
      %dma_wait3A_142 = tpu.memref_slice %arg19[%add3A_23, %dma_wait3A_141] : memref<10008x64xf32, #tpu.memory_space<vmem_shared>> -> memref<125x64xf32, #tpu.memory_space<vmem_shared>>
      %dma_wait3A_143 = arith.constant 0 : i32
      %dma_wait3A_144 = arith.constant 0 : i32
      %dma_wait3A_145 = tpu.memref_slice %arg16[%dma_wait3A_143, %dma_wait3A_144] : memref<320x64xf32, #tpu.memory_space<vmem>> -> memref<125x64xf32, #tpu.memory_space<vmem>>
      tpu.wait_dma2 semaphore(%run_scoped3A : memref<!tpu.dma_semaphore, #tpu.memory_space<semaphore_mem>>) src(%dma_wait3A_145 : memref<125x64xf32, #tpu.memory_space<vmem>>) dst(%dma_wait3A_142 : memref<125x64xf32, #tpu.memory_space<vmem_shared>>)
      tpu.yield
    }) : () -> ()
    %mul3A_24 = arith.constant 625 : i32
    %mul3A_25 = arith.muli %arg1, %mul3A_24 : i32
    %add3A_26 = arith.constant 375 : i32
    %add3A_27 = arith.addi %mul3A_25, %add3A_26 : i32
    "tpu.region"() ({
      %run_scoped3A = tpu.sem_alloc : memref<!tpu.dma_semaphore, #tpu.memory_space<semaphore_mem>>
      %dma_start3A = arith.constant 0 : i32
      %dma_start3A_128 = arith.constant 0 : i32
      %dma_start3A_129 = tpu.memref_slice %arg16[%dma_start3A, %dma_start3A_128] : memref<320x64xf32, #tpu.memory_space<vmem>> -> memref<125x64xf32, #tpu.memory_space<vmem>>
      %dma_start3A_130 = arith.constant 0 : i32
      %dma_start3A_131 = tpu.memref_slice %arg19[%add3A_27, %dma_start3A_130] : memref<10008x64xf32, #tpu.memory_space<vmem_shared>> -> memref<125x64xf32, #tpu.memory_space<vmem_shared>>
      %dma_start3A_132 = arith.constant 0 : i32
      %dma_start3A_133 = tpu.memref_slice %arg19[%add3A_27, %dma_start3A_132] : memref<10008x64xf32, #tpu.memory_space<vmem_shared>> -> memref<125x64xf32, #tpu.memory_space<vmem_shared>>
      %dma_start3A_134 = arith.constant 0 : i32
      %dma_start3A_135 = arith.constant 0 : i32
      %dma_start3A_136 = tpu.memref_slice %arg16[%dma_start3A_134, %dma_start3A_135] : memref<320x64xf32, #tpu.memory_space<vmem>> -> memref<125x64xf32, #tpu.memory_space<vmem>>
      tpu.enqueue_dma source(%dma_start3A_136 : memref<125x64xf32, #tpu.memory_space<vmem>>) target(%dma_start3A_133 : memref<125x64xf32, #tpu.memory_space<vmem_shared>>) target_semaphore(%run_scoped3A : memref<!tpu.dma_semaphore, #tpu.memory_space<semaphore_mem>>)
      %dma_wait3A = arith.constant 0 : i32
      %dma_wait3A_137 = arith.constant 0 : i32
      %dma_wait3A_138 = tpu.memref_slice %arg16[%dma_wait3A, %dma_wait3A_137] : memref<320x64xf32, #tpu.memory_space<vmem>> -> memref<125x64xf32, #tpu.memory_space<vmem>>
      %dma_wait3A_139 = arith.constant 0 : i32
      %dma_wait3A_140 = tpu.memref_slice %arg19[%add3A_27, %dma_wait3A_139] : memref<10008x64xf32, #tpu.memory_space<vmem_shared>> -> memref<125x64xf32, #tpu.memory_space<vmem_shared>>
      %dma_wait3A_141 = arith.constant 0 : i32
      %dma_wait3A_142 = tpu.memref_slice %arg19[%add3A_27, %dma_wait3A_141] : memref<10008x64xf32, #tpu.memory_space<vmem_shared>> -> memref<125x64xf32, #tpu.memory_space<vmem_shared>>
      %dma_wait3A_143 = arith.constant 0 : i32
      %dma_wait3A_144 = arith.constant 0 : i32
      %dma_wait3A_145 = tpu.memref_slice %arg16[%dma_wait3A_143, %dma_wait3A_144] : memref<320x64xf32, #tpu.memory_space<vmem>> -> memref<125x64xf32, #tpu.memory_space<vmem>>
      tpu.wait_dma2 semaphore(%run_scoped3A : memref<!tpu.dma_semaphore, #tpu.memory_space<semaphore_mem>>) src(%dma_wait3A_145 : memref<125x64xf32, #tpu.memory_space<vmem>>) dst(%dma_wait3A_142 : memref<125x64xf32, #tpu.memory_space<vmem_shared>>)
      tpu.yield
    }) : () -> ()
    %mul3A_28 = arith.constant 625 : i32
    %mul3A_29 = arith.muli %arg1, %mul3A_28 : i32
    %add3A_30 = arith.constant 500 : i32
    %add3A_31 = arith.addi %mul3A_29, %add3A_30 : i32
    "tpu.region"() ({
      %run_scoped3A = tpu.sem_alloc : memref<!tpu.dma_semaphore, #tpu.memory_space<semaphore_mem>>
      %dma_start3A = arith.constant 0 : i32
      %dma_start3A_128 = arith.constant 0 : i32
      %dma_start3A_129 = tpu.memref_slice %arg16[%dma_start3A, %dma_start3A_128] : memref<320x64xf32, #tpu.memory_space<vmem>> -> memref<125x64xf32, #tpu.memory_space<vmem>>
      %dma_start3A_130 = arith.constant 0 : i32
      %dma_start3A_131 = tpu.memref_slice %arg19[%add3A_31, %dma_start3A_130] : memref<10008x64xf32, #tpu.memory_space<vmem_shared>> -> memref<125x64xf32, #tpu.memory_space<vmem_shared>>
      %dma_start3A_132 = arith.constant 0 : i32
      %dma_start3A_133 = tpu.memref_slice %arg19[%add3A_31, %dma_start3A_132] : memref<10008x64xf32, #tpu.memory_space<vmem_shared>> -> memref<125x64xf32, #tpu.memory_space<vmem_shared>>
      %dma_start3A_134 = arith.constant 0 : i32
      %dma_start3A_135 = arith.constant 0 : i32
      %dma_start3A_136 = tpu.memref_slice %arg16[%dma_start3A_134, %dma_start3A_135] : memref<320x64xf32, #tpu.memory_space<vmem>> -> memref<125x64xf32, #tpu.memory_space<vmem>>
      tpu.enqueue_dma source(%dma_start3A_136 : memref<125x64xf32, #tpu.memory_space<vmem>>) target(%dma_start3A_133 : memref<125x64xf32, #tpu.memory_space<vmem_shared>>) target_semaphore(%run_scoped3A : memref<!tpu.dma_semaphore, #tpu.memory_space<semaphore_mem>>)
      %dma_wait3A = arith.constant 0 : i32
      %dma_wait3A_137 = arith.constant 0 : i32
      %dma_wait3A_138 = tpu.memref_slice %arg16[%dma_wait3A, %dma_wait3A_137] : memref<320x64xf32, #tpu.memory_space<vmem>> -> memref<125x64xf32, #tpu.memory_space<vmem>>
      %dma_wait3A_139 = arith.constant 0 : i32
      %dma_wait3A_140 = tpu.memref_slice %arg19[%add3A_31, %dma_wait3A_139] : memref<10008x64xf32, #tpu.memory_space<vmem_shared>> -> memref<125x64xf32, #tpu.memory_space<vmem_shared>>
      %dma_wait3A_141 = arith.constant 0 : i32
      %dma_wait3A_142 = tpu.memref_slice %arg19[%add3A_31, %dma_wait3A_141] : memref<10008x64xf32, #tpu.memory_space<vmem_shared>> -> memref<125x64xf32, #tpu.memory_space<vmem_shared>>
      %dma_wait3A_143 = arith.constant 0 : i32
      %dma_wait3A_144 = arith.constant 0 : i32
      %dma_wait3A_145 = tpu.memref_slice %arg16[%dma_wait3A_143, %dma_wait3A_144] : memref<320x64xf32, #tpu.memory_space<vmem>> -> memref<125x64xf32, #tpu.memory_space<vmem>>
      tpu.wait_dma2 semaphore(%run_scoped3A : memref<!tpu.dma_semaphore, #tpu.memory_space<semaphore_mem>>) src(%dma_wait3A_145 : memref<125x64xf32, #tpu.memory_space<vmem>>) dst(%dma_wait3A_142 : memref<125x64xf32, #tpu.memory_space<vmem_shared>>)
      tpu.yield
    }) : () -> ()
    %mul3A_32 = arith.constant 640 : i32
    %mul3A_33 = arith.muli %arg1, %mul3A_32 : i32
    "tpu.region"() ({
      %run_scoped3A = tpu.sem_alloc : memref<!tpu.dma_semaphore, #tpu.memory_space<semaphore_mem>>
      %dma_start3A = tpu.memref_slice %arg21[%mul3A_33] : memref<10240xf32, #tpu.memory_space<vmem_shared>> -> memref<640xf32, #tpu.memory_space<vmem_shared>>
      %dma_start3A_128 = tpu.memref_slice %arg21[%mul3A_33] : memref<10240xf32, #tpu.memory_space<vmem_shared>> -> memref<640xf32, #tpu.memory_space<vmem_shared>>
      tpu.enqueue_dma source(%arg17 : memref<640xf32, #tpu.memory_space<vmem>>) target(%dma_start3A_128 : memref<640xf32, #tpu.memory_space<vmem_shared>>) target_semaphore(%run_scoped3A : memref<!tpu.dma_semaphore, #tpu.memory_space<semaphore_mem>>)
      %dma_wait3A = tpu.memref_slice %arg21[%mul3A_33] : memref<10240xf32, #tpu.memory_space<vmem_shared>> -> memref<640xf32, #tpu.memory_space<vmem_shared>>
      %dma_wait3A_129 = tpu.memref_slice %arg21[%mul3A_33] : memref<10240xf32, #tpu.memory_space<vmem_shared>> -> memref<640xf32, #tpu.memory_space<vmem_shared>>
      tpu.wait_dma2 semaphore(%run_scoped3A : memref<!tpu.dma_semaphore, #tpu.memory_space<semaphore_mem>>) src(%arg17 : memref<640xf32, #tpu.memory_space<vmem>>) dst(%dma_wait3A_129 : memref<640xf32, #tpu.memory_space<vmem_shared>>)
      tpu.yield
    }) : () -> ()
    %lt3A = arith.constant 15 : i32
    %lt3A_34 = arith.cmpi slt, %arg1, %lt3A : i32
    %convert_element_type3A = arith.extui %lt3A_34 : i1 to i32
    %cond3A = arith.constant 0 : i32
    %cond3A_35 = arith.cmpi ne, %convert_element_type3A, %cond3A : i32
    scf.if %cond3A_35 {
      %mul3A_128 = arith.constant 640 : i32
      %mul3A_129 = arith.muli %arg1, %mul3A_128 : i32
      "tpu.region"() ({
        %run_scoped3A = tpu.sem_alloc : memref<!tpu.dma_semaphore, #tpu.memory_space<semaphore_mem>>
        %dma_start3A = tpu.memref_slice %arg20[%mul3A_129] : memref<10000xf32, #tpu.memory_space<vmem_shared>> -> memref<640xf32, #tpu.memory_space<vmem_shared>>
        %dma_start3A_130 = tpu.memref_slice %arg20[%mul3A_129] : memref<10000xf32, #tpu.memory_space<vmem_shared>> -> memref<640xf32, #tpu.memory_space<vmem_shared>>
        tpu.enqueue_dma source(%arg17 : memref<640xf32, #tpu.memory_space<vmem>>) target(%dma_start3A_130 : memref<640xf32, #tpu.memory_space<vmem_shared>>) target_semaphore(%run_scoped3A : memref<!tpu.dma_semaphore, #tpu.memory_space<semaphore_mem>>)
        %dma_wait3A = tpu.memref_slice %arg20[%mul3A_129] : memref<10000xf32, #tpu.memory_space<vmem_shared>> -> memref<640xf32, #tpu.memory_space<vmem_shared>>
        %dma_wait3A_131 = tpu.memref_slice %arg20[%mul3A_129] : memref<10000xf32, #tpu.memory_space<vmem_shared>> -> memref<640xf32, #tpu.memory_space<vmem_shared>>
        tpu.wait_dma2 semaphore(%run_scoped3A : memref<!tpu.dma_semaphore, #tpu.memory_space<semaphore_mem>>) src(%arg17 : memref<640xf32, #tpu.memory_space<vmem>>) dst(%dma_wait3A_131 : memref<640xf32, #tpu.memory_space<vmem_shared>>)
        tpu.yield
      }) : () -> ()
    } else {
    }
    %eq3A = arith.constant 15 : i32
    %eq3A_36 = arith.cmpi eq, %arg1, %eq3A : i32
    %convert_element_type3A_37 = arith.extui %eq3A_36 : i1 to i32
    %cond3A_38 = arith.constant 0 : i32
    %cond3A_39 = arith.cmpi ne, %convert_element_type3A_37, %cond3A_38 : i32
    scf.if %cond3A_39 {
      "tpu.region"() ({
        %run_scoped3A = tpu.sem_alloc : memref<!tpu.dma_semaphore, #tpu.memory_space<semaphore_mem>>
        %dma_start3A = arith.constant 0 : i32
        %dma_start3A_128 = tpu.memref_slice %arg17[%dma_start3A] : memref<640xf32, #tpu.memory_space<vmem>> -> memref<400xf32, #tpu.memory_space<vmem>>
        %dma_start3A_129 = arith.constant 9600 : i32
        %dma_start3A_130 = tpu.memref_slice %arg20[%dma_start3A_129] : memref<10000xf32, #tpu.memory_space<vmem_shared>> -> memref<400xf32, #tpu.memory_space<vmem_shared>>
        %dma_start3A_131 = arith.constant 9600 : i32
        %dma_start3A_132 = tpu.memref_slice %arg20[%dma_start3A_131] : memref<10000xf32, #tpu.memory_space<vmem_shared>> -> memref<400xf32, #tpu.memory_space<vmem_shared>>
        %dma_start3A_133 = arith.constant 0 : i32
        %dma_start3A_134 = tpu.memref_slice %arg17[%dma_start3A_133] : memref<640xf32, #tpu.memory_space<vmem>> -> memref<400xf32, #tpu.memory_space<vmem>>
        tpu.enqueue_dma source(%dma_start3A_134 : memref<400xf32, #tpu.memory_space<vmem>>) target(%dma_start3A_132 : memref<400xf32, #tpu.memory_space<vmem_shared>>) target_semaphore(%run_scoped3A : memref<!tpu.dma_semaphore, #tpu.memory_space<semaphore_mem>>)
        %dma_wait3A = arith.constant 0 : i32
        %dma_wait3A_135 = tpu.memref_slice %arg17[%dma_wait3A] : memref<640xf32, #tpu.memory_space<vmem>> -> memref<400xf32, #tpu.memory_space<vmem>>
        %dma_wait3A_136 = arith.constant 9600 : i32
        %dma_wait3A_137 = tpu.memref_slice %arg20[%dma_wait3A_136] : memref<10000xf32, #tpu.memory_space<vmem_shared>> -> memref<400xf32, #tpu.memory_space<vmem_shared>>
        %dma_wait3A_138 = arith.constant 9600 : i32
        %dma_wait3A_139 = tpu.memref_slice %arg20[%dma_wait3A_138] : memref<10000xf32, #tpu.memory_space<vmem_shared>> -> memref<400xf32, #tpu.memory_space<vmem_shared>>
        %dma_wait3A_140 = arith.constant 0 : i32
        %dma_wait3A_141 = tpu.memref_slice %arg17[%dma_wait3A_140] : memref<640xf32, #tpu.memory_space<vmem>> -> memref<400xf32, #tpu.memory_space<vmem>>
        tpu.wait_dma2 semaphore(%run_scoped3A : memref<!tpu.dma_semaphore, #tpu.memory_space<semaphore_mem>>) src(%dma_wait3A_141 : memref<400xf32, #tpu.memory_space<vmem>>) dst(%dma_wait3A_139 : memref<400xf32, #tpu.memory_space<vmem_shared>>)
        tpu.yield
      }) : () -> ()
    } else {
    }
    %broadcast_in_dim3A_40 = arith.constant 1.000000e+00 : f32
    %broadcast_in_dim3A_41 = vector.broadcast %broadcast_in_dim3A_40 : f32 to vector<16xf32>
    %swap3A = arith.constant 0 : index
    %swap3A_42 = tpu.vector_load %arg17[%swap3A] {strides = array<i32>} : memref<640xf32, #tpu.memory_space<vmem>>, vector<16xf32>,
    %swap3A_43 = vector.shape_cast %swap3A_42 : vector<16xf32> to vector<16xf32>
    %swap3A_44 = vector.shape_cast %broadcast_in_dim3A_41 : vector<16xf32> to vector<16xf32>
    tpu.vector_store %arg17[%swap3A], %swap3A_44 {strides = array<i32>} : memref<640xf32, #tpu.memory_space<vmem>>, vector<16xf32>,
    %swap3A_45 = arith.constant 16 : index
    %swap3A_46 = tpu.vector_load %arg17[%swap3A_45] {strides = array<i32>} : memref<640xf32, #tpu.memory_space<vmem>>, vector<16xf32>,
    %swap3A_47 = vector.shape_cast %swap3A_46 : vector<16xf32> to vector<16xf32>
    %swap3A_48 = vector.shape_cast %broadcast_in_dim3A_41 : vector<16xf32> to vector<16xf32>
    tpu.vector_store %arg17[%swap3A_45], %swap3A_48 {strides = array<i32>} : memref<640xf32, #tpu.memory_space<vmem>>, vector<16xf32>,
    %swap3A_49 = arith.constant 32 : index
    %swap3A_50 = tpu.vector_load %arg17[%swap3A_49] {strides = array<i32>} : memref<640xf32, #tpu.memory_space<vmem>>, vector<16xf32>,
    %swap3A_51 = vector.shape_cast %swap3A_50 : vector<16xf32> to vector<16xf32>
    %swap3A_52 = vector.shape_cast %broadcast_in_dim3A_41 : vector<16xf32> to vector<16xf32>
    tpu.vector_store %arg17[%swap3A_49], %swap3A_52 {strides = array<i32>} : memref<640xf32, #tpu.memory_space<vmem>>, vector<16xf32>,
    %swap3A_53 = arith.constant 48 : index
    %swap3A_54 = tpu.vector_load %arg17[%swap3A_53] {strides = array<i32>} : memref<640xf32, #tpu.memory_space<vmem>>, vector<16xf32>,
    %swap3A_55 = vector.shape_cast %swap3A_54 : vector<16xf32> to vector<16xf32>
    %swap3A_56 = vector.shape_cast %broadcast_in_dim3A_41 : vector<16xf32> to vector<16xf32>
    tpu.vector_store %arg17[%swap3A_53], %swap3A_56 {strides = array<i32>} : memref<640xf32, #tpu.memory_space<vmem>>, vector<16xf32>,
    %swap3A_57 = arith.constant 64 : index
    %swap3A_58 = tpu.vector_load %arg17[%swap3A_57] {strides = array<i32>} : memref<640xf32, #tpu.memory_space<vmem>>, vector<16xf32>,
    %swap3A_59 = vector.shape_cast %swap3A_58 : vector<16xf32> to vector<16xf32>
    %swap3A_60 = vector.shape_cast %broadcast_in_dim3A_41 : vector<16xf32> to vector<16xf32>
    tpu.vector_store %arg17[%swap3A_57], %swap3A_60 {strides = array<i32>} : memref<640xf32, #tpu.memory_space<vmem>>, vector<16xf32>,
    "tpu.region"() ({
      %run_scoped3A = tpu.sem_alloc : memref<!tpu.dma_semaphore, #tpu.memory_space<semaphore_mem>>
      %dma_start3A = arith.constant 0 : i32
      %dma_start3A_128 = arith.constant 0 : i32
      %dma_start3A_129 = tpu.memref_slice %arg2[%arg1, %dma_start3A, %dma_start3A_128] : memref<16x250x80xi32, #tpu.memory_space<hbm>> -> memref<1x250x80xi32, #tpu.memory_space<hbm>>
      %dma_start3A_130 = tpu.memref_squeeze %dma_start3A_129 : memref<1x250x80xi32, #tpu.memory_space<hbm>> -> memref<250x80xi32, #tpu.memory_space<hbm>>
      %dma_start3A_131 = arith.constant 0 : i32
      %dma_start3A_132 = arith.constant 0 : i32
      %dma_start3A_133 = tpu.memref_slice %arg2[%arg1, %dma_start3A_131, %dma_start3A_132] : memref<16x250x80xi32, #tpu.memory_space<hbm>> -> memref<1x250x80xi32, #tpu.memory_space<hbm>>
      %dma_start3A_134 = tpu.memref_squeeze %dma_start3A_133 : memref<1x250x80xi32, #tpu.memory_space<hbm>> -> memref<250x80xi32, #tpu.memory_space<hbm>>
      tpu.enqueue_dma source(%dma_start3A_134 : memref<250x80xi32, #tpu.memory_space<hbm>>) target(%arg11 : memref<250x80xi32, #tpu.memory_space<vmem>>) target_semaphore(%run_scoped3A : memref<!tpu.dma_semaphore, #tpu.memory_space<semaphore_mem>>)
      %dma_wait3A = arith.constant 0 : i32
      %dma_wait3A_135 = arith.constant 0 : i32
      %dma_wait3A_136 = tpu.memref_slice %arg2[%arg1, %dma_wait3A, %dma_wait3A_135] : memref<16x250x80xi32, #tpu.memory_space<hbm>> -> memref<1x250x80xi32, #tpu.memory_space<hbm>>
      %dma_wait3A_137 = tpu.memref_squeeze %dma_wait3A_136 : memref<1x250x80xi32, #tpu.memory_space<hbm>> -> memref<250x80xi32, #tpu.memory_space<hbm>>
      %dma_wait3A_138 = arith.constant 0 : i32
      %dma_wait3A_139 = arith.constant 0 : i32
      %dma_wait3A_140 = tpu.memref_slice %arg2[%arg1, %dma_wait3A_138, %dma_wait3A_139] : memref<16x250x80xi32, #tpu.memory_space<hbm>> -> memref<1x250x80xi32, #tpu.memory_space<hbm>>
      %dma_wait3A_141 = tpu.memref_squeeze %dma_wait3A_140 : memref<1x250x80xi32, #tpu.memory_space<hbm>> -> memref<250x80xi32, #tpu.memory_space<hbm>>
      tpu.wait_dma2 semaphore(%run_scoped3A : memref<!tpu.dma_semaphore, #tpu.memory_space<semaphore_mem>>) src(%dma_wait3A_141 : memref<250x80xi32, #tpu.memory_space<hbm>>) dst(%arg11 : memref<250x80xi32, #tpu.memory_space<vmem>>)
      tpu.yield
    }) : () -> ()
    "tpu.region"() ({
      %run_scoped3A = tpu.sem_alloc : memref<!tpu.dma_semaphore, #tpu.memory_space<semaphore_mem>>
      %dma_start3A = arith.constant 0 : i32
      %dma_start3A_128 = arith.constant 0 : i32
      %dma_start3A_129 = tpu.memref_slice %arg3[%arg1, %dma_start3A, %dma_start3A_128] : memref<16x250x80xi32, #tpu.memory_space<hbm>> -> memref<1x250x80xi32, #tpu.memory_space<hbm>>
      %dma_start3A_130 = tpu.memref_squeeze %dma_start3A_129 : memref<1x250x80xi32, #tpu.memory_space<hbm>> -> memref<250x80xi32, #tpu.memory_space<hbm>>
      %dma_start3A_131 = arith.constant 0 : i32
      %dma_start3A_132 = arith.constant 0 : i32
      %dma_start3A_133 = tpu.memref_slice %arg3[%arg1, %dma_start3A_131, %dma_start3A_132] : memref<16x250x80xi32, #tpu.memory_space<hbm>> -> memref<1x250x80xi32, #tpu.memory_space<hbm>>
      %dma_start3A_134 = tpu.memref_squeeze %dma_start3A_133 : memref<1x250x80xi32, #tpu.memory_space<hbm>> -> memref<250x80xi32, #tpu.memory_space<hbm>>
      tpu.enqueue_dma source(%dma_start3A_134 : memref<250x80xi32, #tpu.memory_space<hbm>>) target(%arg12 : memref<250x80xi32, #tpu.memory_space<vmem>>) target_semaphore(%run_scoped3A : memref<!tpu.dma_semaphore, #tpu.memory_space<semaphore_mem>>)
      %dma_wait3A = arith.constant 0 : i32
      %dma_wait3A_135 = arith.constant 0 : i32
      %dma_wait3A_136 = tpu.memref_slice %arg3[%arg1, %dma_wait3A, %dma_wait3A_135] : memref<16x250x80xi32, #tpu.memory_space<hbm>> -> memref<1x250x80xi32, #tpu.memory_space<hbm>>
      %dma_wait3A_137 = tpu.memref_squeeze %dma_wait3A_136 : memref<1x250x80xi32, #tpu.memory_space<hbm>> -> memref<250x80xi32, #tpu.memory_space<hbm>>
      %dma_wait3A_138 = arith.constant 0 : i32
      %dma_wait3A_139 = arith.constant 0 : i32
      %dma_wait3A_140 = tpu.memref_slice %arg3[%arg1, %dma_wait3A_138, %dma_wait3A_139] : memref<16x250x80xi32, #tpu.memory_space<hbm>> -> memref<1x250x80xi32, #tpu.memory_space<hbm>>
      %dma_wait3A_141 = tpu.memref_squeeze %dma_wait3A_140 : memref<1x250x80xi32, #tpu.memory_space<hbm>> -> memref<250x80xi32, #tpu.memory_space<hbm>>
      tpu.wait_dma2 semaphore(%run_scoped3A : memref<!tpu.dma_semaphore, #tpu.memory_space<semaphore_mem>>) src(%dma_wait3A_141 : memref<250x80xi32, #tpu.memory_space<hbm>>) dst(%arg12 : memref<250x80xi32, #tpu.memory_space<vmem>>)
      tpu.yield
    }) : () -> ()
    %barrier3A = arith.constant 0 : index
    tpu.barrier barrier_id(%barrier3A)
    %scan3A_61 = arith.constant 0 : i32
    %scan3A_62 = arith.constant 0 : i32
    %scan3A_63 = arith.constant 25 : i32
    %scan3A_64 = arith.addi %scan3A_62, %scan3A_63 : i32
    %scan3A_65 = arith.constant 1 : i32
    %scan3A_66 = scf.for %scan3A_128 = %scan3A_62 to %scan3A_64 step %scan3A_65 iter_args(%scan3A_129 = %scan3A_61) -> (i32)  : i32 {
      %mul3A_130 = arith.constant 10 : i32
      %mul3A_131 = arith.muli %scan3A_128, %mul3A_130 : i32
      %add3A_132 = arith.constant 0 : i32
      %add3A_133 = arith.addi %mul3A_131, %add3A_132 : i32
      %dma_start3A = arith.constant 0 : i32
      %dma_start3A_134 = tpu.memref_slice %arg17[%dma_start3A] : memref<640xf32, #tpu.memory_space<vmem>> -> memref<80xf32, #tpu.memory_space<vmem>>
      %dma_start3A_135 = arith.constant 0 : i32
      %dma_start3A_136 = tpu.memref_slice %arg12[%add3A_133, %dma_start3A_135] : memref<250x80xi32, #tpu.memory_space<vmem>> -> memref<1x80xi32, #tpu.memory_space<vmem>>
      %dma_start3A_137 = tpu.memref_squeeze %dma_start3A_136 : memref<1x80xi32, #tpu.memory_space<vmem>> -> memref<80xi32, #tpu.memory_space<vmem>>
      %dma_start3A_138 = arith.constant 0 : i32
      %dma_start3A_139 = tpu.memref_slice %arg21[%dma_start3A_138] : memref<10240xf32, #tpu.memory_space<vmem_shared>> -> memref<10240xf32, #tpu.memory_space<vmem_shared>>
      tpu.enqueue_indirect_dma source(%dma_start3A_134 : memref<80xf32, #tpu.memory_space<vmem>>) target(%dma_start3A_139 : memref<10240xf32, #tpu.memory_space<vmem_shared>>) offsets(%dma_start3A_137 : memref<80xi32, #tpu.memory_space<vmem>>) semaphore(%arg25 : memref<!tpu.dma_semaphore, #tpu.memory_space<semaphore_mem>>) {add = true}
      %mul3A_140 = arith.constant 10 : i32
      %mul3A_141 = arith.muli %scan3A_128, %mul3A_140 : i32
      %add3A_142 = arith.constant 1 : i32
      %add3A_143 = arith.addi %mul3A_141, %add3A_142 : i32
      %dma_start3A_144 = arith.constant 0 : i32
      %dma_start3A_145 = tpu.memref_slice %arg17[%dma_start3A_144] : memref<640xf32, #tpu.memory_space<vmem>> -> memref<80xf32, #tpu.memory_space<vmem>>
      %dma_start3A_146 = arith.constant 0 : i32
      %dma_start3A_147 = tpu.memref_slice %arg12[%add3A_143, %dma_start3A_146] : memref<250x80xi32, #tpu.memory_space<vmem>> -> memref<1x80xi32, #tpu.memory_space<vmem>>
      %dma_start3A_148 = tpu.memref_squeeze %dma_start3A_147 : memref<1x80xi32, #tpu.memory_space<vmem>> -> memref<80xi32, #tpu.memory_space<vmem>>
      %dma_start3A_149 = arith.constant 0 : i32
      %dma_start3A_150 = tpu.memref_slice %arg21[%dma_start3A_149] : memref<10240xf32, #tpu.memory_space<vmem_shared>> -> memref<10240xf32, #tpu.memory_space<vmem_shared>>
      tpu.enqueue_indirect_dma source(%dma_start3A_145 : memref<80xf32, #tpu.memory_space<vmem>>) target(%dma_start3A_150 : memref<10240xf32, #tpu.memory_space<vmem_shared>>) offsets(%dma_start3A_148 : memref<80xi32, #tpu.memory_space<vmem>>) semaphore(%arg25 : memref<!tpu.dma_semaphore, #tpu.memory_space<semaphore_mem>>) {add = true}
      %mul3A_151 = arith.constant 10 : i32
      %mul3A_152 = arith.muli %scan3A_128, %mul3A_151 : i32
      %add3A_153 = arith.constant 2 : i32
      %add3A_154 = arith.addi %mul3A_152, %add3A_153 : i32
      %dma_start3A_155 = arith.constant 0 : i32
      %dma_start3A_156 = tpu.memref_slice %arg17[%dma_start3A_155] : memref<640xf32, #tpu.memory_space<vmem>> -> memref<80xf32, #tpu.memory_space<vmem>>
      %dma_start3A_157 = arith.constant 0 : i32
      %dma_start3A_158 = tpu.memref_slice %arg12[%add3A_154, %dma_start3A_157] : memref<250x80xi32, #tpu.memory_space<vmem>> -> memref<1x80xi32, #tpu.memory_space<vmem>>
      %dma_start3A_159 = tpu.memref_squeeze %dma_start3A_158 : memref<1x80xi32, #tpu.memory_space<vmem>> -> memref<80xi32, #tpu.memory_space<vmem>>
      %dma_start3A_160 = arith.constant 0 : i32
      %dma_start3A_161 = tpu.memref_slice %arg21[%dma_start3A_160] : memref<10240xf32, #tpu.memory_space<vmem_shared>> -> memref<10240xf32, #tpu.memory_space<vmem_shared>>
      tpu.enqueue_indirect_dma source(%dma_start3A_156 : memref<80xf32, #tpu.memory_space<vmem>>) target(%dma_start3A_161 : memref<10240xf32, #tpu.memory_space<vmem_shared>>) offsets(%dma_start3A_159 : memref<80xi32, #tpu.memory_space<vmem>>) semaphore(%arg25 : memref<!tpu.dma_semaphore, #tpu.memory_space<semaphore_mem>>) {add = true}
      %mul3A_162 = arith.constant 10 : i32
      %mul3A_163 = arith.muli %scan3A_128, %mul3A_162 : i32
      %add3A_164 = arith.constant 3 : i32
      %add3A_165 = arith.addi %mul3A_163, %add3A_164 : i32
      %dma_start3A_166 = arith.constant 0 : i32
      %dma_start3A_167 = tpu.memref_slice %arg17[%dma_start3A_166] : memref<640xf32, #tpu.memory_space<vmem>> -> memref<80xf32, #tpu.memory_space<vmem>>
      %dma_start3A_168 = arith.constant 0 : i32
      %dma_start3A_169 = tpu.memref_slice %arg12[%add3A_165, %dma_start3A_168] : memref<250x80xi32, #tpu.memory_space<vmem>> -> memref<1x80xi32, #tpu.memory_space<vmem>>
      %dma_start3A_170 = tpu.memref_squeeze %dma_start3A_169 : memref<1x80xi32, #tpu.memory_space<vmem>> -> memref<80xi32, #tpu.memory_space<vmem>>
      %dma_start3A_171 = arith.constant 0 : i32
      %dma_start3A_172 = tpu.memref_slice %arg21[%dma_start3A_171] : memref<10240xf32, #tpu.memory_space<vmem_shared>> -> memref<10240xf32, #tpu.memory_space<vmem_shared>>
      tpu.enqueue_indirect_dma source(%dma_start3A_167 : memref<80xf32, #tpu.memory_space<vmem>>) target(%dma_start3A_172 : memref<10240xf32, #tpu.memory_space<vmem_shared>>) offsets(%dma_start3A_170 : memref<80xi32, #tpu.memory_space<vmem>>) semaphore(%arg25 : memref<!tpu.dma_semaphore, #tpu.memory_space<semaphore_mem>>) {add = true}
      %mul3A_173 = arith.constant 10 : i32
      %mul3A_174 = arith.muli %scan3A_128, %mul3A_173 : i32
      %add3A_175 = arith.constant 4 : i32
      %add3A_176 = arith.addi %mul3A_174, %add3A_175 : i32
      %dma_start3A_177 = arith.constant 0 : i32
      %dma_start3A_178 = tpu.memref_slice %arg17[%dma_start3A_177] : memref<640xf32, #tpu.memory_space<vmem>> -> memref<80xf32, #tpu.memory_space<vmem>>
      %dma_start3A_179 = arith.constant 0 : i32
      %dma_start3A_180 = tpu.memref_slice %arg12[%add3A_176, %dma_start3A_179] : memref<250x80xi32, #tpu.memory_space<vmem>> -> memref<1x80xi32, #tpu.memory_space<vmem>>
      %dma_start3A_181 = tpu.memref_squeeze %dma_start3A_180 : memref<1x80xi32, #tpu.memory_space<vmem>> -> memref<80xi32, #tpu.memory_space<vmem>>
      %dma_start3A_182 = arith.constant 0 : i32
      %dma_start3A_183 = tpu.memref_slice %arg21[%dma_start3A_182] : memref<10240xf32, #tpu.memory_space<vmem_shared>> -> memref<10240xf32, #tpu.memory_space<vmem_shared>>
      tpu.enqueue_indirect_dma source(%dma_start3A_178 : memref<80xf32, #tpu.memory_space<vmem>>) target(%dma_start3A_183 : memref<10240xf32, #tpu.memory_space<vmem_shared>>) offsets(%dma_start3A_181 : memref<80xi32, #tpu.memory_space<vmem>>) semaphore(%arg25 : memref<!tpu.dma_semaphore, #tpu.memory_space<semaphore_mem>>) {add = true}
      %mul3A_184 = arith.constant 10 : i32
      %mul3A_185 = arith.muli %scan3A_128, %mul3A_184 : i32
      %add3A_186 = arith.constant 5 : i32
      %add3A_187 = arith.addi %mul3A_185, %add3A_186 : i32
      %dma_start3A_188 = arith.constant 0 : i32
      %dma_start3A_189 = tpu.memref_slice %arg17[%dma_start3A_188] : memref<640xf32, #tpu.memory_space<vmem>> -> memref<80xf32, #tpu.memory_space<vmem>>
      %dma_start3A_190 = arith.constant 0 : i32
      %dma_start3A_191 = tpu.memref_slice %arg12[%add3A_187, %dma_start3A_190] : memref<250x80xi32, #tpu.memory_space<vmem>> -> memref<1x80xi32, #tpu.memory_space<vmem>>
      %dma_start3A_192 = tpu.memref_squeeze %dma_start3A_191 : memref<1x80xi32, #tpu.memory_space<vmem>> -> memref<80xi32, #tpu.memory_space<vmem>>
      %dma_start3A_193 = arith.constant 0 : i32
      %dma_start3A_194 = tpu.memref_slice %arg21[%dma_start3A_193] : memref<10240xf32, #tpu.memory_space<vmem_shared>> -> memref<10240xf32, #tpu.memory_space<vmem_shared>>
      tpu.enqueue_indirect_dma source(%dma_start3A_189 : memref<80xf32, #tpu.memory_space<vmem>>) target(%dma_start3A_194 : memref<10240xf32, #tpu.memory_space<vmem_shared>>) offsets(%dma_start3A_192 : memref<80xi32, #tpu.memory_space<vmem>>) semaphore(%arg25 : memref<!tpu.dma_semaphore, #tpu.memory_space<semaphore_mem>>) {add = true}
      %mul3A_195 = arith.constant 10 : i32
      %mul3A_196 = arith.muli %scan3A_128, %mul3A_195 : i32
      %add3A_197 = arith.constant 6 : i32
      %add3A_198 = arith.addi %mul3A_196, %add3A_197 : i32
      %dma_start3A_199 = arith.constant 0 : i32
      %dma_start3A_200 = tpu.memref_slice %arg17[%dma_start3A_199] : memref<640xf32, #tpu.memory_space<vmem>> -> memref<80xf32, #tpu.memory_space<vmem>>
      %dma_start3A_201 = arith.constant 0 : i32
      %dma_start3A_202 = tpu.memref_slice %arg12[%add3A_198, %dma_start3A_201] : memref<250x80xi32, #tpu.memory_space<vmem>> -> memref<1x80xi32, #tpu.memory_space<vmem>>
      %dma_start3A_203 = tpu.memref_squeeze %dma_start3A_202 : memref<1x80xi32, #tpu.memory_space<vmem>> -> memref<80xi32, #tpu.memory_space<vmem>>
      %dma_start3A_204 = arith.constant 0 : i32
      %dma_start3A_205 = tpu.memref_slice %arg21[%dma_start3A_204] : memref<10240xf32, #tpu.memory_space<vmem_shared>> -> memref<10240xf32, #tpu.memory_space<vmem_shared>>
      tpu.enqueue_indirect_dma source(%dma_start3A_200 : memref<80xf32, #tpu.memory_space<vmem>>) target(%dma_start3A_205 : memref<10240xf32, #tpu.memory_space<vmem_shared>>) offsets(%dma_start3A_203 : memref<80xi32, #tpu.memory_space<vmem>>) semaphore(%arg25 : memref<!tpu.dma_semaphore, #tpu.memory_space<semaphore_mem>>) {add = true}
      %mul3A_206 = arith.constant 10 : i32
      %mul3A_207 = arith.muli %scan3A_128, %mul3A_206 : i32
      %add3A_208 = arith.constant 7 : i32
      %add3A_209 = arith.addi %mul3A_207, %add3A_208 : i32
      %dma_start3A_210 = arith.constant 0 : i32
      %dma_start3A_211 = tpu.memref_slice %arg17[%dma_start3A_210] : memref<640xf32, #tpu.memory_space<vmem>> -> memref<80xf32, #tpu.memory_space<vmem>>
      %dma_start3A_212 = arith.constant 0 : i32
      %dma_start3A_213 = tpu.memref_slice %arg12[%add3A_209, %dma_start3A_212] : memref<250x80xi32, #tpu.memory_space<vmem>> -> memref<1x80xi32, #tpu.memory_space<vmem>>
      %dma_start3A_214 = tpu.memref_squeeze %dma_start3A_213 : memref<1x80xi32, #tpu.memory_space<vmem>> -> memref<80xi32, #tpu.memory_space<vmem>>
      %dma_start3A_215 = arith.constant 0 : i32
      %dma_start3A_216 = tpu.memref_slice %arg21[%dma_start3A_215] : memref<10240xf32, #tpu.memory_space<vmem_shared>> -> memref<10240xf32, #tpu.memory_space<vmem_shared>>
      tpu.enqueue_indirect_dma source(%dma_start3A_211 : memref<80xf32, #tpu.memory_space<vmem>>) target(%dma_start3A_216 : memref<10240xf32, #tpu.memory_space<vmem_shared>>) offsets(%dma_start3A_214 : memref<80xi32, #tpu.memory_space<vmem>>) semaphore(%arg25 : memref<!tpu.dma_semaphore, #tpu.memory_space<semaphore_mem>>) {add = true}
      %mul3A_217 = arith.constant 10 : i32
      %mul3A_218 = arith.muli %scan3A_128, %mul3A_217 : i32
      %add3A_219 = arith.constant 8 : i32
      %add3A_220 = arith.addi %mul3A_218, %add3A_219 : i32
      %dma_start3A_221 = arith.constant 0 : i32
      %dma_start3A_222 = tpu.memref_slice %arg17[%dma_start3A_221] : memref<640xf32, #tpu.memory_space<vmem>> -> memref<80xf32, #tpu.memory_space<vmem>>
      %dma_start3A_223 = arith.constant 0 : i32
      %dma_start3A_224 = tpu.memref_slice %arg12[%add3A_220, %dma_start3A_223] : memref<250x80xi32, #tpu.memory_space<vmem>> -> memref<1x80xi32, #tpu.memory_space<vmem>>
      %dma_start3A_225 = tpu.memref_squeeze %dma_start3A_224 : memref<1x80xi32, #tpu.memory_space<vmem>> -> memref<80xi32, #tpu.memory_space<vmem>>
      %dma_start3A_226 = arith.constant 0 : i32
      %dma_start3A_227 = tpu.memref_slice %arg21[%dma_start3A_226] : memref<10240xf32, #tpu.memory_space<vmem_shared>> -> memref<10240xf32, #tpu.memory_space<vmem_shared>>
      tpu.enqueue_indirect_dma source(%dma_start3A_222 : memref<80xf32, #tpu.memory_space<vmem>>) target(%dma_start3A_227 : memref<10240xf32, #tpu.memory_space<vmem_shared>>) offsets(%dma_start3A_225 : memref<80xi32, #tpu.memory_space<vmem>>) semaphore(%arg25 : memref<!tpu.dma_semaphore, #tpu.memory_space<semaphore_mem>>) {add = true}
      %mul3A_228 = arith.constant 10 : i32
      %mul3A_229 = arith.muli %scan3A_128, %mul3A_228 : i32
      %add3A_230 = arith.constant 9 : i32
      %add3A_231 = arith.addi %mul3A_229, %add3A_230 : i32
      %dma_start3A_232 = arith.constant 0 : i32
      %dma_start3A_233 = tpu.memref_slice %arg17[%dma_start3A_232] : memref<640xf32, #tpu.memory_space<vmem>> -> memref<80xf32, #tpu.memory_space<vmem>>
      %dma_start3A_234 = arith.constant 0 : i32
      %dma_start3A_235 = tpu.memref_slice %arg12[%add3A_231, %dma_start3A_234] : memref<250x80xi32, #tpu.memory_space<vmem>> -> memref<1x80xi32, #tpu.memory_space<vmem>>
      %dma_start3A_236 = tpu.memref_squeeze %dma_start3A_235 : memref<1x80xi32, #tpu.memory_space<vmem>> -> memref<80xi32, #tpu.memory_space<vmem>>
      %dma_start3A_237 = arith.constant 0 : i32
      %dma_start3A_238 = tpu.memref_slice %arg21[%dma_start3A_237] : memref<10240xf32, #tpu.memory_space<vmem_shared>> -> memref<10240xf32, #tpu.memory_space<vmem_shared>>
      tpu.enqueue_indirect_dma source(%dma_start3A_233 : memref<80xf32, #tpu.memory_space<vmem>>) target(%dma_start3A_238 : memref<10240xf32, #tpu.memory_space<vmem_shared>>) offsets(%dma_start3A_236 : memref<80xi32, #tpu.memory_space<vmem>>) semaphore(%arg25 : memref<!tpu.dma_semaphore, #tpu.memory_space<semaphore_mem>>) {add = true}
      %mul3A_239 = arith.constant 10 : i32
      %mul3A_240 = arith.muli %scan3A_128, %mul3A_239 : i32
      %add3A_241 = arith.constant 0 : i32
      %add3A_242 = arith.addi %mul3A_240, %add3A_241 : i32
      %dma_wait3A = arith.constant 0 : i32
      %dma_wait3A_243 = tpu.memref_slice %arg17[%dma_wait3A] : memref<640xf32, #tpu.memory_space<vmem>> -> memref<80xf32, #tpu.memory_space<vmem>>
      %dma_wait3A_244 = arith.constant 0 : i32
      %dma_wait3A_245 = tpu.memref_slice %arg12[%add3A_242, %dma_wait3A_244] : memref<250x80xi32, #tpu.memory_space<vmem>> -> memref<1x80xi32, #tpu.memory_space<vmem>>
      %dma_wait3A_246 = tpu.memref_squeeze %dma_wait3A_245 : memref<1x80xi32, #tpu.memory_space<vmem>> -> memref<80xi32, #tpu.memory_space<vmem>>
      %dma_wait3A_247 = arith.constant 0 : i32
      %dma_wait3A_248 = tpu.memref_slice %arg21[%dma_wait3A_247] : memref<10240xf32, #tpu.memory_space<vmem_shared>> -> memref<10240xf32, #tpu.memory_space<vmem_shared>>
      tpu.wait_indirect_dma semaphore(%arg25 : memref<!tpu.dma_semaphore, #tpu.memory_space<semaphore_mem>>) src(%dma_wait3A_243 : memref<80xf32, #tpu.memory_space<vmem>>) dst(%dma_wait3A_248 : memref<10240xf32, #tpu.memory_space<vmem_shared>>)
      %mul3A_249 = arith.constant 10 : i32
      %mul3A_250 = arith.muli %scan3A_128, %mul3A_249 : i32
      %add3A_251 = arith.constant 1 : i32
      %add3A_252 = arith.addi %mul3A_250, %add3A_251 : i32
      %dma_wait3A_253 = arith.constant 0 : i32
      %dma_wait3A_254 = tpu.memref_slice %arg17[%dma_wait3A_253] : memref<640xf32, #tpu.memory_space<vmem>> -> memref<80xf32, #tpu.memory_space<vmem>>
      %dma_wait3A_255 = arith.constant 0 : i32
      %dma_wait3A_256 = tpu.memref_slice %arg12[%add3A_252, %dma_wait3A_255] : memref<250x80xi32, #tpu.memory_space<vmem>> -> memref<1x80xi32, #tpu.memory_space<vmem>>
      %dma_wait3A_257 = tpu.memref_squeeze %dma_wait3A_256 : memref<1x80xi32, #tpu.memory_space<vmem>> -> memref<80xi32, #tpu.memory_space<vmem>>
      %dma_wait3A_258 = arith.constant 0 : i32
      %dma_wait3A_259 = tpu.memref_slice %arg21[%dma_wait3A_258] : memref<10240xf32, #tpu.memory_space<vmem_shared>> -> memref<10240xf32, #tpu.memory_space<vmem_shared>>
      tpu.wait_indirect_dma semaphore(%arg25 : memref<!tpu.dma_semaphore, #tpu.memory_space<semaphore_mem>>) src(%dma_wait3A_254 : memref<80xf32, #tpu.memory_space<vmem>>) dst(%dma_wait3A_259 : memref<10240xf32, #tpu.memory_space<vmem_shared>>)
      %mul3A_260 = arith.constant 10 : i32
      %mul3A_261 = arith.muli %scan3A_128, %mul3A_260 : i32
      %add3A_262 = arith.constant 2 : i32
      %add3A_263 = arith.addi %mul3A_261, %add3A_262 : i32
      %dma_wait3A_264 = arith.constant 0 : i32
      %dma_wait3A_265 = tpu.memref_slice %arg17[%dma_wait3A_264] : memref<640xf32, #tpu.memory_space<vmem>> -> memref<80xf32, #tpu.memory_space<vmem>>
      %dma_wait3A_266 = arith.constant 0 : i32
      %dma_wait3A_267 = tpu.memref_slice %arg12[%add3A_263, %dma_wait3A_266] : memref<250x80xi32, #tpu.memory_space<vmem>> -> memref<1x80xi32, #tpu.memory_space<vmem>>
      %dma_wait3A_268 = tpu.memref_squeeze %dma_wait3A_267 : memref<1x80xi32, #tpu.memory_space<vmem>> -> memref<80xi32, #tpu.memory_space<vmem>>
      %dma_wait3A_269 = arith.constant 0 : i32
      %dma_wait3A_270 = tpu.memref_slice %arg21[%dma_wait3A_269] : memref<10240xf32, #tpu.memory_space<vmem_shared>> -> memref<10240xf32, #tpu.memory_space<vmem_shared>>
      tpu.wait_indirect_dma semaphore(%arg25 : memref<!tpu.dma_semaphore, #tpu.memory_space<semaphore_mem>>) src(%dma_wait3A_265 : memref<80xf32, #tpu.memory_space<vmem>>) dst(%dma_wait3A_270 : memref<10240xf32, #tpu.memory_space<vmem_shared>>)
      %mul3A_271 = arith.constant 10 : i32
      %mul3A_272 = arith.muli %scan3A_128, %mul3A_271 : i32
      %add3A_273 = arith.constant 3 : i32
      %add3A_274 = arith.addi %mul3A_272, %add3A_273 : i32
      %dma_wait3A_275 = arith.constant 0 : i32
      %dma_wait3A_276 = tpu.memref_slice %arg17[%dma_wait3A_275] : memref<640xf32, #tpu.memory_space<vmem>> -> memref<80xf32, #tpu.memory_space<vmem>>
      %dma_wait3A_277 = arith.constant 0 : i32
      %dma_wait3A_278 = tpu.memref_slice %arg12[%add3A_274, %dma_wait3A_277] : memref<250x80xi32, #tpu.memory_space<vmem>> -> memref<1x80xi32, #tpu.memory_space<vmem>>
      %dma_wait3A_279 = tpu.memref_squeeze %dma_wait3A_278 : memref<1x80xi32, #tpu.memory_space<vmem>> -> memref<80xi32, #tpu.memory_space<vmem>>
      %dma_wait3A_280 = arith.constant 0 : i32
      %dma_wait3A_281 = tpu.memref_slice %arg21[%dma_wait3A_280] : memref<10240xf32, #tpu.memory_space<vmem_shared>> -> memref<10240xf32, #tpu.memory_space<vmem_shared>>
      tpu.wait_indirect_dma semaphore(%arg25 : memref<!tpu.dma_semaphore, #tpu.memory_space<semaphore_mem>>) src(%dma_wait3A_276 : memref<80xf32, #tpu.memory_space<vmem>>) dst(%dma_wait3A_281 : memref<10240xf32, #tpu.memory_space<vmem_shared>>)
      %mul3A_282 = arith.constant 10 : i32
      %mul3A_283 = arith.muli %scan3A_128, %mul3A_282 : i32
      %add3A_284 = arith.constant 4 : i32
      %add3A_285 = arith.addi %mul3A_283, %add3A_284 : i32
      %dma_wait3A_286 = arith.constant 0 : i32
      %dma_wait3A_287 = tpu.memref_slice %arg17[%dma_wait3A_286] : memref<640xf32, #tpu.memory_space<vmem>> -> memref<80xf32, #tpu.memory_space<vmem>>
      %dma_wait3A_288 = arith.constant 0 : i32
      %dma_wait3A_289 = tpu.memref_slice %arg12[%add3A_285, %dma_wait3A_288] : memref<250x80xi32, #tpu.memory_space<vmem>> -> memref<1x80xi32, #tpu.memory_space<vmem>>
      %dma_wait3A_290 = tpu.memref_squeeze %dma_wait3A_289 : memref<1x80xi32, #tpu.memory_space<vmem>> -> memref<80xi32, #tpu.memory_space<vmem>>
      %dma_wait3A_291 = arith.constant 0 : i32
      %dma_wait3A_292 = tpu.memref_slice %arg21[%dma_wait3A_291] : memref<10240xf32, #tpu.memory_space<vmem_shared>> -> memref<10240xf32, #tpu.memory_space<vmem_shared>>
      tpu.wait_indirect_dma semaphore(%arg25 : memref<!tpu.dma_semaphore, #tpu.memory_space<semaphore_mem>>) src(%dma_wait3A_287 : memref<80xf32, #tpu.memory_space<vmem>>) dst(%dma_wait3A_292 : memref<10240xf32, #tpu.memory_space<vmem_shared>>)
      %mul3A_293 = arith.constant 10 : i32
      %mul3A_294 = arith.muli %scan3A_128, %mul3A_293 : i32
      %add3A_295 = arith.constant 5 : i32
      %add3A_296 = arith.addi %mul3A_294, %add3A_295 : i32
      %dma_wait3A_297 = arith.constant 0 : i32
      %dma_wait3A_298 = tpu.memref_slice %arg17[%dma_wait3A_297] : memref<640xf32, #tpu.memory_space<vmem>> -> memref<80xf32, #tpu.memory_space<vmem>>
      %dma_wait3A_299 = arith.constant 0 : i32
      %dma_wait3A_300 = tpu.memref_slice %arg12[%add3A_296, %dma_wait3A_299] : memref<250x80xi32, #tpu.memory_space<vmem>> -> memref<1x80xi32, #tpu.memory_space<vmem>>
      %dma_wait3A_301 = tpu.memref_squeeze %dma_wait3A_300 : memref<1x80xi32, #tpu.memory_space<vmem>> -> memref<80xi32, #tpu.memory_space<vmem>>
      %dma_wait3A_302 = arith.constant 0 : i32
      %dma_wait3A_303 = tpu.memref_slice %arg21[%dma_wait3A_302] : memref<10240xf32, #tpu.memory_space<vmem_shared>> -> memref<10240xf32, #tpu.memory_space<vmem_shared>>
      tpu.wait_indirect_dma semaphore(%arg25 : memref<!tpu.dma_semaphore, #tpu.memory_space<semaphore_mem>>) src(%dma_wait3A_298 : memref<80xf32, #tpu.memory_space<vmem>>) dst(%dma_wait3A_303 : memref<10240xf32, #tpu.memory_space<vmem_shared>>)
      %mul3A_304 = arith.constant 10 : i32
      %mul3A_305 = arith.muli %scan3A_128, %mul3A_304 : i32
      %add3A_306 = arith.constant 6 : i32
      %add3A_307 = arith.addi %mul3A_305, %add3A_306 : i32
      %dma_wait3A_308 = arith.constant 0 : i32
      %dma_wait3A_309 = tpu.memref_slice %arg17[%dma_wait3A_308] : memref<640xf32, #tpu.memory_space<vmem>> -> memref<80xf32, #tpu.memory_space<vmem>>
      %dma_wait3A_310 = arith.constant 0 : i32
      %dma_wait3A_311 = tpu.memref_slice %arg12[%add3A_307, %dma_wait3A_310] : memref<250x80xi32, #tpu.memory_space<vmem>> -> memref<1x80xi32, #tpu.memory_space<vmem>>
      %dma_wait3A_312 = tpu.memref_squeeze %dma_wait3A_311 : memref<1x80xi32, #tpu.memory_space<vmem>> -> memref<80xi32, #tpu.memory_space<vmem>>
      %dma_wait3A_313 = arith.constant 0 : i32
      %dma_wait3A_314 = tpu.memref_slice %arg21[%dma_wait3A_313] : memref<10240xf32, #tpu.memory_space<vmem_shared>> -> memref<10240xf32, #tpu.memory_space<vmem_shared>>
      tpu.wait_indirect_dma semaphore(%arg25 : memref<!tpu.dma_semaphore, #tpu.memory_space<semaphore_mem>>) src(%dma_wait3A_309 : memref<80xf32, #tpu.memory_space<vmem>>) dst(%dma_wait3A_314 : memref<10240xf32, #tpu.memory_space<vmem_shared>>)
      %mul3A_315 = arith.constant 10 : i32
      %mul3A_316 = arith.muli %scan3A_128, %mul3A_315 : i32
      %add3A_317 = arith.constant 7 : i32
      %add3A_318 = arith.addi %mul3A_316, %add3A_317 : i32
      %dma_wait3A_319 = arith.constant 0 : i32
      %dma_wait3A_320 = tpu.memref_slice %arg17[%dma_wait3A_319] : memref<640xf32, #tpu.memory_space<vmem>> -> memref<80xf32, #tpu.memory_space<vmem>>
      %dma_wait3A_321 = arith.constant 0 : i32
      %dma_wait3A_322 = tpu.memref_slice %arg12[%add3A_318, %dma_wait3A_321] : memref<250x80xi32, #tpu.memory_space<vmem>> -> memref<1x80xi32, #tpu.memory_space<vmem>>
      %dma_wait3A_323 = tpu.memref_squeeze %dma_wait3A_322 : memref<1x80xi32, #tpu.memory_space<vmem>> -> memref<80xi32, #tpu.memory_space<vmem>>
      %dma_wait3A_324 = arith.constant 0 : i32
      %dma_wait3A_325 = tpu.memref_slice %arg21[%dma_wait3A_324] : memref<10240xf32, #tpu.memory_space<vmem_shared>> -> memref<10240xf32, #tpu.memory_space<vmem_shared>>
      tpu.wait_indirect_dma semaphore(%arg25 : memref<!tpu.dma_semaphore, #tpu.memory_space<semaphore_mem>>) src(%dma_wait3A_320 : memref<80xf32, #tpu.memory_space<vmem>>) dst(%dma_wait3A_325 : memref<10240xf32, #tpu.memory_space<vmem_shared>>)
      %mul3A_326 = arith.constant 10 : i32
      %mul3A_327 = arith.muli %scan3A_128, %mul3A_326 : i32
      %add3A_328 = arith.constant 8 : i32
      %add3A_329 = arith.addi %mul3A_327, %add3A_328 : i32
      %dma_wait3A_330 = arith.constant 0 : i32
      %dma_wait3A_331 = tpu.memref_slice %arg17[%dma_wait3A_330] : memref<640xf32, #tpu.memory_space<vmem>> -> memref<80xf32, #tpu.memory_space<vmem>>
      %dma_wait3A_332 = arith.constant 0 : i32
      %dma_wait3A_333 = tpu.memref_slice %arg12[%add3A_329, %dma_wait3A_332] : memref<250x80xi32, #tpu.memory_space<vmem>> -> memref<1x80xi32, #tpu.memory_space<vmem>>
      %dma_wait3A_334 = tpu.memref_squeeze %dma_wait3A_333 : memref<1x80xi32, #tpu.memory_space<vmem>> -> memref<80xi32, #tpu.memory_space<vmem>>
      %dma_wait3A_335 = arith.constant 0 : i32
      %dma_wait3A_336 = tpu.memref_slice %arg21[%dma_wait3A_335] : memref<10240xf32, #tpu.memory_space<vmem_shared>> -> memref<10240xf32, #tpu.memory_space<vmem_shared>>
      tpu.wait_indirect_dma semaphore(%arg25 : memref<!tpu.dma_semaphore, #tpu.memory_space<semaphore_mem>>) src(%dma_wait3A_331 : memref<80xf32, #tpu.memory_space<vmem>>) dst(%dma_wait3A_336 : memref<10240xf32, #tpu.memory_space<vmem_shared>>)
      %mul3A_337 = arith.constant 10 : i32
      %mul3A_338 = arith.muli %scan3A_128, %mul3A_337 : i32
      %add3A_339 = arith.constant 9 : i32
      %add3A_340 = arith.addi %mul3A_338, %add3A_339 : i32
      %dma_wait3A_341 = arith.constant 0 : i32
      %dma_wait3A_342 = tpu.memref_slice %arg17[%dma_wait3A_341] : memref<640xf32, #tpu.memory_space<vmem>> -> memref<80xf32, #tpu.memory_space<vmem>>
      %dma_wait3A_343 = arith.constant 0 : i32
      %dma_wait3A_344 = tpu.memref_slice %arg12[%add3A_340, %dma_wait3A_343] : memref<250x80xi32, #tpu.memory_space<vmem>> -> memref<1x80xi32, #tpu.memory_space<vmem>>
      %dma_wait3A_345 = tpu.memref_squeeze %dma_wait3A_344 : memref<1x80xi32, #tpu.memory_space<vmem>> -> memref<80xi32, #tpu.memory_space<vmem>>
      %dma_wait3A_346 = arith.constant 0 : i32
      %dma_wait3A_347 = tpu.memref_slice %arg21[%dma_wait3A_346] : memref<10240xf32, #tpu.memory_space<vmem_shared>> -> memref<10240xf32, #tpu.memory_space<vmem_shared>>
      tpu.wait_indirect_dma semaphore(%arg25 : memref<!tpu.dma_semaphore, #tpu.memory_space<semaphore_mem>>) src(%dma_wait3A_342 : memref<80xf32, #tpu.memory_space<vmem>>) dst(%dma_wait3A_347 : memref<10240xf32, #tpu.memory_space<vmem_shared>>)
      %scan3A_348 = arith.constant 0 : i32
      scf.yield %scan3A_348 : i32
    }
    %scan3A_67 = arith.constant 25 : i32
    %barrier3A_68 = arith.constant 0 : index
    tpu.barrier barrier_id(%barrier3A_68)
    %mul3A_69 = arith.constant 640 : i32
    %mul3A_70 = arith.muli %arg1, %mul3A_69 : i32
    "tpu.region"() ({
      %run_scoped3A = tpu.sem_alloc : memref<!tpu.dma_semaphore, #tpu.memory_space<semaphore_mem>>
      %dma_start3A = tpu.memref_slice %arg21[%mul3A_70] : memref<10240xf32, #tpu.memory_space<vmem_shared>> -> memref<640xf32, #tpu.memory_space<vmem_shared>>
      %dma_start3A_128 = tpu.memref_slice %arg21[%mul3A_70] : memref<10240xf32, #tpu.memory_space<vmem_shared>> -> memref<640xf32, #tpu.memory_space<vmem_shared>>
      tpu.enqueue_dma source(%dma_start3A_128 : memref<640xf32, #tpu.memory_space<vmem_shared>>) target(%arg17 : memref<640xf32, #tpu.memory_space<vmem>>) target_semaphore(%run_scoped3A : memref<!tpu.dma_semaphore, #tpu.memory_space<semaphore_mem>>)
      %dma_wait3A = tpu.memref_slice %arg21[%mul3A_70] : memref<10240xf32, #tpu.memory_space<vmem_shared>> -> memref<640xf32, #tpu.memory_space<vmem_shared>>
      %dma_wait3A_129 = tpu.memref_slice %arg21[%mul3A_70] : memref<10240xf32, #tpu.memory_space<vmem_shared>> -> memref<640xf32, #tpu.memory_space<vmem_shared>>
      tpu.wait_dma2 semaphore(%run_scoped3A : memref<!tpu.dma_semaphore, #tpu.memory_space<semaphore_mem>>) src(%dma_wait3A_129 : memref<640xf32, #tpu.memory_space<vmem_shared>>) dst(%arg17 : memref<640xf32, #tpu.memory_space<vmem>>)
      tpu.yield
    }) : () -> ()
    %scan3A_71 = arith.constant 0 : i32
    %scan3A_72 = arith.constant 0 : i32
    %scan3A_73 = arith.constant 40 : i32
    %scan3A_74 = arith.addi %scan3A_72, %scan3A_73 : i32
    %scan3A_75 = arith.constant 1 : i32
    %scan3A_76 = scf.for %scan3A_128 = %scan3A_72 to %scan3A_74 step %scan3A_75 iter_args(%scan3A_129 = %scan3A_71) -> (i32)  : i32 {
      %mul3A_130 = arith.constant 16 : i32
      %mul3A_131 = arith.muli %mul3A_130, %scan3A_128 : i32
      %get3A = arith.index_cast %mul3A_131 : i32 to index
      %get3A_132 = tpu.vector_load %arg17[%get3A] {strides = array<i32>} : memref<640xf32, #tpu.memory_space<vmem>>, vector<16xf32>,
      %get3A_133 = vector.shape_cast %get3A_132 : vector<16xf32> to vector<16xf32>
      %add3A_134 = arith.constant 1.000000e+00 : f32
      %add3A_135 = vector.broadcast %add3A_134 : f32 to vector<16xf32>
      %add3A_136 = arith.addf %get3A_133, %add3A_135 : vector<16xf32>
      %broadcast_in_dim3A_137 = arith.constant 1.000000e+00 : f32
      %broadcast_in_dim3A_138 = vector.broadcast %broadcast_in_dim3A_137 : f32 to vector<16xf32>
      %mul3A_139 = arith.mulf %add3A_136, %broadcast_in_dim3A_138 : vector<16xf32>
      %mul3A_140 = arith.mulf %mul3A_139, %broadcast_in_dim3A_138 : vector<16xf32>
      %gt3A = arith.constant 2.000000e+00 : f32
      %gt3A_141 = vector.broadcast %gt3A : f32 to vector<16xf32>
      %gt3A_142 = arith.cmpf ogt, %mul3A_140, %gt3A_141 : vector<16xf32>
      %mul3A_143 = arith.constant 5.000000e-01 : f32
      %mul3A_144 = vector.broadcast %mul3A_143 : f32 to vector<16xf32>
      %mul3A_145 = arith.mulf %broadcast_in_dim3A_138, %mul3A_144 : vector<16xf32>
      %select_n3A = arith.select %gt3A_142, %mul3A_145, %broadcast_in_dim3A_138 : vector<16xi1>, vector<16xf32>
      %mul3A_146 = arith.mulf %add3A_136, %select_n3A : vector<16xf32>
      %mul3A_147 = arith.mulf %mul3A_146, %select_n3A : vector<16xf32>
      %gt3A_148 = arith.constant 2.000000e+00 : f32
      %gt3A_149 = vector.broadcast %gt3A_148 : f32 to vector<16xf32>
      %gt3A_150 = arith.cmpf ogt, %mul3A_147, %gt3A_149 : vector<16xf32>
      %mul3A_151 = arith.constant 5.000000e-01 : f32
      %mul3A_152 = vector.broadcast %mul3A_151 : f32 to vector<16xf32>
      %mul3A_153 = arith.mulf %select_n3A, %mul3A_152 : vector<16xf32>
      %select_n3A_154 = arith.select %gt3A_150, %mul3A_153, %select_n3A : vector<16xi1>, vector<16xf32>
      %mul3A_155 = arith.mulf %add3A_136, %select_n3A_154 : vector<16xf32>
      %mul3A_156 = arith.mulf %mul3A_155, %select_n3A_154 : vector<16xf32>
      %gt3A_157 = arith.constant 2.000000e+00 : f32
      %gt3A_158 = vector.broadcast %gt3A_157 : f32 to vector<16xf32>
      %gt3A_159 = arith.cmpf ogt, %mul3A_156, %gt3A_158 : vector<16xf32>
      %mul3A_160 = arith.constant 5.000000e-01 : f32
      %mul3A_161 = vector.broadcast %mul3A_160 : f32 to vector<16xf32>
      %mul3A_162 = arith.mulf %select_n3A_154, %mul3A_161 : vector<16xf32>
      %select_n3A_163 = arith.select %gt3A_159, %mul3A_162, %select_n3A_154 : vector<16xi1>, vector<16xf32>
      %mul3A_164 = arith.mulf %add3A_136, %select_n3A_163 : vector<16xf32>
      %mul3A_165 = arith.mulf %mul3A_164, %select_n3A_163 : vector<16xf32>
      %gt3A_166 = arith.constant 2.000000e+00 : f32
      %gt3A_167 = vector.broadcast %gt3A_166 : f32 to vector<16xf32>
      %gt3A_168 = arith.cmpf ogt, %mul3A_165, %gt3A_167 : vector<16xf32>
      %mul3A_169 = arith.constant 5.000000e-01 : f32
      %mul3A_170 = vector.broadcast %mul3A_169 : f32 to vector<16xf32>
      %mul3A_171 = arith.mulf %select_n3A_163, %mul3A_170 : vector<16xf32>
      %select_n3A_172 = arith.select %gt3A_168, %mul3A_171, %select_n3A_163 : vector<16xi1>, vector<16xf32>
      %mul3A_173 = arith.mulf %add3A_136, %select_n3A_172 : vector<16xf32>
      %mul3A_174 = arith.mulf %mul3A_173, %select_n3A_172 : vector<16xf32>
      %gt3A_175 = arith.constant 2.000000e+00 : f32
      %gt3A_176 = vector.broadcast %gt3A_175 : f32 to vector<16xf32>
      %gt3A_177 = arith.cmpf ogt, %mul3A_174, %gt3A_176 : vector<16xf32>
      %mul3A_178 = arith.constant 5.000000e-01 : f32
      %mul3A_179 = vector.broadcast %mul3A_178 : f32 to vector<16xf32>
      %mul3A_180 = arith.mulf %select_n3A_172, %mul3A_179 : vector<16xf32>
      %select_n3A_181 = arith.select %gt3A_177, %mul3A_180, %select_n3A_172 : vector<16xi1>, vector<16xf32>
      %mul3A_182 = arith.mulf %add3A_136, %select_n3A_181 : vector<16xf32>
      %mul3A_183 = arith.mulf %mul3A_182, %select_n3A_181 : vector<16xf32>
      %gt3A_184 = arith.constant 2.000000e+00 : f32
      %gt3A_185 = vector.broadcast %gt3A_184 : f32 to vector<16xf32>
      %gt3A_186 = arith.cmpf ogt, %mul3A_183, %gt3A_185 : vector<16xf32>
      %mul3A_187 = arith.constant 5.000000e-01 : f32
      %mul3A_188 = vector.broadcast %mul3A_187 : f32 to vector<16xf32>
      %mul3A_189 = arith.mulf %select_n3A_181, %mul3A_188 : vector<16xf32>
      %select_n3A_190 = arith.select %gt3A_186, %mul3A_189, %select_n3A_181 : vector<16xi1>, vector<16xf32>
      %mul3A_191 = arith.mulf %add3A_136, %select_n3A_190 : vector<16xf32>
      %mul3A_192 = arith.mulf %mul3A_191, %select_n3A_190 : vector<16xf32>
      %gt3A_193 = arith.constant 2.000000e+00 : f32
      %gt3A_194 = vector.broadcast %gt3A_193 : f32 to vector<16xf32>
      %gt3A_195 = arith.cmpf ogt, %mul3A_192, %gt3A_194 : vector<16xf32>
      %mul3A_196 = arith.constant 5.000000e-01 : f32
      %mul3A_197 = vector.broadcast %mul3A_196 : f32 to vector<16xf32>
      %mul3A_198 = arith.mulf %select_n3A_190, %mul3A_197 : vector<16xf32>
      %select_n3A_199 = arith.select %gt3A_195, %mul3A_198, %select_n3A_190 : vector<16xi1>, vector<16xf32>
      %mul3A_200 = arith.mulf %add3A_136, %select_n3A_199 : vector<16xf32>
      %mul3A_201 = arith.mulf %mul3A_200, %select_n3A_199 : vector<16xf32>
      %gt3A_202 = arith.constant 2.000000e+00 : f32
      %gt3A_203 = vector.broadcast %gt3A_202 : f32 to vector<16xf32>
      %gt3A_204 = arith.cmpf ogt, %mul3A_201, %gt3A_203 : vector<16xf32>
      %mul3A_205 = arith.constant 5.000000e-01 : f32
      %mul3A_206 = vector.broadcast %mul3A_205 : f32 to vector<16xf32>
      %mul3A_207 = arith.mulf %select_n3A_199, %mul3A_206 : vector<16xf32>
      %select_n3A_208 = arith.select %gt3A_204, %mul3A_207, %select_n3A_199 : vector<16xi1>, vector<16xf32>
      %mul3A_209 = arith.mulf %add3A_136, %select_n3A_208 : vector<16xf32>
      %mul3A_210 = arith.mulf %mul3A_209, %select_n3A_208 : vector<16xf32>
      %gt3A_211 = arith.constant 2.000000e+00 : f32
      %gt3A_212 = vector.broadcast %gt3A_211 : f32 to vector<16xf32>
      %gt3A_213 = arith.cmpf ogt, %mul3A_210, %gt3A_212 : vector<16xf32>
      %mul3A_214 = arith.constant 5.000000e-01 : f32
      %mul3A_215 = vector.broadcast %mul3A_214 : f32 to vector<16xf32>
      %mul3A_216 = arith.mulf %select_n3A_208, %mul3A_215 : vector<16xf32>
      %select_n3A_217 = arith.select %gt3A_213, %mul3A_216, %select_n3A_208 : vector<16xi1>, vector<16xf32>
      %mul3A_218 = arith.mulf %add3A_136, %select_n3A_217 : vector<16xf32>
      %mul3A_219 = arith.mulf %mul3A_218, %select_n3A_217 : vector<16xf32>
      %gt3A_220 = arith.constant 2.000000e+00 : f32
      %gt3A_221 = vector.broadcast %gt3A_220 : f32 to vector<16xf32>
      %gt3A_222 = arith.cmpf ogt, %mul3A_219, %gt3A_221 : vector<16xf32>
      %mul3A_223 = arith.constant 5.000000e-01 : f32
      %mul3A_224 = vector.broadcast %mul3A_223 : f32 to vector<16xf32>
      %mul3A_225 = arith.mulf %select_n3A_217, %mul3A_224 : vector<16xf32>
      %select_n3A_226 = arith.select %gt3A_222, %mul3A_225, %select_n3A_217 : vector<16xi1>, vector<16xf32>
      %mul3A_227 = arith.constant 5.000000e-01 : f32
      %mul3A_228 = vector.broadcast %mul3A_227 : f32 to vector<16xf32>
      %mul3A_229 = arith.mulf %mul3A_228, %add3A_136 : vector<16xf32>
      %mul3A_230 = arith.mulf %mul3A_229, %select_n3A_226 : vector<16xf32>
      %mul3A_231 = arith.mulf %mul3A_230, %select_n3A_226 : vector<16xf32>
      %sub3A = arith.constant 1.500000e+00 : f32
      %sub3A_232 = vector.broadcast %sub3A : f32 to vector<16xf32>
      %sub3A_233 = arith.subf %sub3A_232, %mul3A_231 : vector<16xf32>
      %mul3A_234 = arith.mulf %select_n3A_226, %sub3A_233 : vector<16xf32>
      %mul3A_235 = arith.constant 5.000000e-01 : f32
      %mul3A_236 = vector.broadcast %mul3A_235 : f32 to vector<16xf32>
      %mul3A_237 = arith.mulf %mul3A_236, %add3A_136 : vector<16xf32>
      %mul3A_238 = arith.mulf %mul3A_237, %mul3A_234 : vector<16xf32>
      %mul3A_239 = arith.mulf %mul3A_238, %mul3A_234 : vector<16xf32>
      %sub3A_240 = arith.constant 1.500000e+00 : f32
      %sub3A_241 = vector.broadcast %sub3A_240 : f32 to vector<16xf32>
      %sub3A_242 = arith.subf %sub3A_241, %mul3A_239 : vector<16xf32>
      %mul3A_243 = arith.mulf %mul3A_234, %sub3A_242 : vector<16xf32>
      %mul3A_244 = arith.constant 5.000000e-01 : f32
      %mul3A_245 = vector.broadcast %mul3A_244 : f32 to vector<16xf32>
      %mul3A_246 = arith.mulf %mul3A_245, %add3A_136 : vector<16xf32>
      %mul3A_247 = arith.mulf %mul3A_246, %mul3A_243 : vector<16xf32>
      %mul3A_248 = arith.mulf %mul3A_247, %mul3A_243 : vector<16xf32>
      %sub3A_249 = arith.constant 1.500000e+00 : f32
      %sub3A_250 = vector.broadcast %sub3A_249 : f32 to vector<16xf32>
      %sub3A_251 = arith.subf %sub3A_250, %mul3A_248 : vector<16xf32>
      %mul3A_252 = arith.mulf %mul3A_243, %sub3A_251 : vector<16xf32>
      %mul3A_253 = arith.constant 5.000000e-01 : f32
      %mul3A_254 = vector.broadcast %mul3A_253 : f32 to vector<16xf32>
      %mul3A_255 = arith.mulf %mul3A_254, %add3A_136 : vector<16xf32>
      %mul3A_256 = arith.mulf %mul3A_255, %mul3A_252 : vector<16xf32>
      %mul3A_257 = arith.mulf %mul3A_256, %mul3A_252 : vector<16xf32>
      %sub3A_258 = arith.constant 1.500000e+00 : f32
      %sub3A_259 = vector.broadcast %sub3A_258 : f32 to vector<16xf32>
      %sub3A_260 = arith.subf %sub3A_259, %mul3A_257 : vector<16xf32>
      %mul3A_261 = arith.mulf %mul3A_252, %sub3A_260 : vector<16xf32>
      %mul3A_262 = arith.constant 5.000000e-01 : f32
      %mul3A_263 = vector.broadcast %mul3A_262 : f32 to vector<16xf32>
      %mul3A_264 = arith.mulf %mul3A_263, %add3A_136 : vector<16xf32>
      %mul3A_265 = arith.mulf %mul3A_264, %mul3A_261 : vector<16xf32>
      %mul3A_266 = arith.mulf %mul3A_265, %mul3A_261 : vector<16xf32>
      %sub3A_267 = arith.constant 1.500000e+00 : f32
      %sub3A_268 = vector.broadcast %sub3A_267 : f32 to vector<16xf32>
      %sub3A_269 = arith.subf %sub3A_268, %mul3A_266 : vector<16xf32>
      %mul3A_270 = arith.mulf %mul3A_261, %sub3A_269 : vector<16xf32>
      %mul3A_271 = arith.constant 16 : i32
      %mul3A_272 = arith.muli %mul3A_271, %scan3A_128 : i32
      %swap3A_273 = arith.index_cast %mul3A_272 : i32 to index
      %swap3A_274 = tpu.vector_load %arg17[%swap3A_273] {strides = array<i32>} : memref<640xf32, #tpu.memory_space<vmem>>, vector<16xf32>,
      %swap3A_275 = vector.shape_cast %swap3A_274 : vector<16xf32> to vector<16xf32>
      %swap3A_276 = vector.shape_cast %mul3A_270 : vector<16xf32> to vector<16xf32>
      tpu.vector_store %arg17[%swap3A_273], %swap3A_276 {strides = array<i32>} : memref<640xf32, #tpu.memory_space<vmem>>, vector<16xf32>,
      %slice3A = vector.extract_strided_slice %mul3A_270 {offsets = [0], sizes = [1], strides = [1]} : vector<16xf32> to vector<1xf32>
      %squeeze3A = vector.extract %slice3A[0] : f32 from vector<1xf32>
      %mul3A_277 = arith.constant 16 : i32
      %mul3A_278 = arith.muli %mul3A_277, %scan3A_128 : i32
      %add3A_279 = arith.constant 0 : i32
      %add3A_280 = arith.addi %mul3A_278, %add3A_279 : i32
      %swap3A_281 = arith.index_cast %add3A_280 : i32 to index
      %swap3A_282 = memref.load %arg18[%swap3A_281] : memref<640xf32, #tpu.memory_space<smem>>
      memref.store %squeeze3A, %arg18[%swap3A_281] : memref<640xf32, #tpu.memory_space<smem>>
      %slice3A_283 = vector.extract_strided_slice %mul3A_270 {offsets = [1], sizes = [1], strides = [1]} : vector<16xf32> to vector<1xf32>
      %squeeze3A_284 = vector.extract %slice3A_283[0] : f32 from vector<1xf32>
      %mul3A_285 = arith.constant 16 : i32
      %mul3A_286 = arith.muli %mul3A_285, %scan3A_128 : i32
      %add3A_287 = arith.constant 1 : i32
      %add3A_288 = arith.addi %mul3A_286, %add3A_287 : i32
      %swap3A_289 = arith.index_cast %add3A_288 : i32 to index
      %swap3A_290 = memref.load %arg18[%swap3A_289] : memref<640xf32, #tpu.memory_space<smem>>
      memref.store %squeeze3A_284, %arg18[%swap3A_289] : memref<640xf32, #tpu.memory_space<smem>>
      %slice3A_291 = vector.extract_strided_slice %mul3A_270 {offsets = [2], sizes = [1], strides = [1]} : vector<16xf32> to vector<1xf32>
      %squeeze3A_292 = vector.extract %slice3A_291[0] : f32 from vector<1xf32>
      %mul3A_293 = arith.constant 16 : i32
      %mul3A_294 = arith.muli %mul3A_293, %scan3A_128 : i32
      %add3A_295 = arith.constant 2 : i32
      %add3A_296 = arith.addi %mul3A_294, %add3A_295 : i32
      %swap3A_297 = arith.index_cast %add3A_296 : i32 to index
      %swap3A_298 = memref.load %arg18[%swap3A_297] : memref<640xf32, #tpu.memory_space<smem>>
      memref.store %squeeze3A_292, %arg18[%swap3A_297] : memref<640xf32, #tpu.memory_space<smem>>
      %slice3A_299 = vector.extract_strided_slice %mul3A_270 {offsets = [3], sizes = [1], strides = [1]} : vector<16xf32> to vector<1xf32>
      %squeeze3A_300 = vector.extract %slice3A_299[0] : f32 from vector<1xf32>
      %mul3A_301 = arith.constant 16 : i32
      %mul3A_302 = arith.muli %mul3A_301, %scan3A_128 : i32
      %add3A_303 = arith.constant 3 : i32
      %add3A_304 = arith.addi %mul3A_302, %add3A_303 : i32
      %swap3A_305 = arith.index_cast %add3A_304 : i32 to index
      %swap3A_306 = memref.load %arg18[%swap3A_305] : memref<640xf32, #tpu.memory_space<smem>>
      memref.store %squeeze3A_300, %arg18[%swap3A_305] : memref<640xf32, #tpu.memory_space<smem>>
      %slice3A_307 = vector.extract_strided_slice %mul3A_270 {offsets = [4], sizes = [1], strides = [1]} : vector<16xf32> to vector<1xf32>
      %squeeze3A_308 = vector.extract %slice3A_307[0] : f32 from vector<1xf32>
      %mul3A_309 = arith.constant 16 : i32
      %mul3A_310 = arith.muli %mul3A_309, %scan3A_128 : i32
      %add3A_311 = arith.constant 4 : i32
      %add3A_312 = arith.addi %mul3A_310, %add3A_311 : i32
      %swap3A_313 = arith.index_cast %add3A_312 : i32 to index
      %swap3A_314 = memref.load %arg18[%swap3A_313] : memref<640xf32, #tpu.memory_space<smem>>
      memref.store %squeeze3A_308, %arg18[%swap3A_313] : memref<640xf32, #tpu.memory_space<smem>>
      %slice3A_315 = vector.extract_strided_slice %mul3A_270 {offsets = [5], sizes = [1], strides = [1]} : vector<16xf32> to vector<1xf32>
      %squeeze3A_316 = vector.extract %slice3A_315[0] : f32 from vector<1xf32>
      %mul3A_317 = arith.constant 16 : i32
      %mul3A_318 = arith.muli %mul3A_317, %scan3A_128 : i32
      %add3A_319 = arith.constant 5 : i32
      %add3A_320 = arith.addi %mul3A_318, %add3A_319 : i32
      %swap3A_321 = arith.index_cast %add3A_320 : i32 to index
      %swap3A_322 = memref.load %arg18[%swap3A_321] : memref<640xf32, #tpu.memory_space<smem>>
      memref.store %squeeze3A_316, %arg18[%swap3A_321] : memref<640xf32, #tpu.memory_space<smem>>
      %slice3A_323 = vector.extract_strided_slice %mul3A_270 {offsets = [6], sizes = [1], strides = [1]} : vector<16xf32> to vector<1xf32>
      %squeeze3A_324 = vector.extract %slice3A_323[0] : f32 from vector<1xf32>
      %mul3A_325 = arith.constant 16 : i32
      %mul3A_326 = arith.muli %mul3A_325, %scan3A_128 : i32
      %add3A_327 = arith.constant 6 : i32
      %add3A_328 = arith.addi %mul3A_326, %add3A_327 : i32
      %swap3A_329 = arith.index_cast %add3A_328 : i32 to index
      %swap3A_330 = memref.load %arg18[%swap3A_329] : memref<640xf32, #tpu.memory_space<smem>>
      memref.store %squeeze3A_324, %arg18[%swap3A_329] : memref<640xf32, #tpu.memory_space<smem>>
      %slice3A_331 = vector.extract_strided_slice %mul3A_270 {offsets = [7], sizes = [1], strides = [1]} : vector<16xf32> to vector<1xf32>
      %squeeze3A_332 = vector.extract %slice3A_331[0] : f32 from vector<1xf32>
      %mul3A_333 = arith.constant 16 : i32
      %mul3A_334 = arith.muli %mul3A_333, %scan3A_128 : i32
      %add3A_335 = arith.constant 7 : i32
      %add3A_336 = arith.addi %mul3A_334, %add3A_335 : i32
      %swap3A_337 = arith.index_cast %add3A_336 : i32 to index
      %swap3A_338 = memref.load %arg18[%swap3A_337] : memref<640xf32, #tpu.memory_space<smem>>
      memref.store %squeeze3A_332, %arg18[%swap3A_337] : memref<640xf32, #tpu.memory_space<smem>>
      %slice3A_339 = vector.extract_strided_slice %mul3A_270 {offsets = [8], sizes = [1], strides = [1]} : vector<16xf32> to vector<1xf32>
      %squeeze3A_340 = vector.extract %slice3A_339[0] : f32 from vector<1xf32>
      %mul3A_341 = arith.constant 16 : i32
      %mul3A_342 = arith.muli %mul3A_341, %scan3A_128 : i32
      %add3A_343 = arith.constant 8 : i32
      %add3A_344 = arith.addi %mul3A_342, %add3A_343 : i32
      %swap3A_345 = arith.index_cast %add3A_344 : i32 to index
      %swap3A_346 = memref.load %arg18[%swap3A_345] : memref<640xf32, #tpu.memory_space<smem>>
      memref.store %squeeze3A_340, %arg18[%swap3A_345] : memref<640xf32, #tpu.memory_space<smem>>
      %slice3A_347 = vector.extract_strided_slice %mul3A_270 {offsets = [9], sizes = [1], strides = [1]} : vector<16xf32> to vector<1xf32>
      %squeeze3A_348 = vector.extract %slice3A_347[0] : f32 from vector<1xf32>
      %mul3A_349 = arith.constant 16 : i32
      %mul3A_350 = arith.muli %mul3A_349, %scan3A_128 : i32
      %add3A_351 = arith.constant 9 : i32
      %add3A_352 = arith.addi %mul3A_350, %add3A_351 : i32
      %swap3A_353 = arith.index_cast %add3A_352 : i32 to index
      %swap3A_354 = memref.load %arg18[%swap3A_353] : memref<640xf32, #tpu.memory_space<smem>>
      memref.store %squeeze3A_348, %arg18[%swap3A_353] : memref<640xf32, #tpu.memory_space<smem>>
      %slice3A_355 = vector.extract_strided_slice %mul3A_270 {offsets = [10], sizes = [1], strides = [1]} : vector<16xf32> to vector<1xf32>
      %squeeze3A_356 = vector.extract %slice3A_355[0] : f32 from vector<1xf32>
      %mul3A_357 = arith.constant 16 : i32
      %mul3A_358 = arith.muli %mul3A_357, %scan3A_128 : i32
      %add3A_359 = arith.constant 10 : i32
      %add3A_360 = arith.addi %mul3A_358, %add3A_359 : i32
      %swap3A_361 = arith.index_cast %add3A_360 : i32 to index
      %swap3A_362 = memref.load %arg18[%swap3A_361] : memref<640xf32, #tpu.memory_space<smem>>
      memref.store %squeeze3A_356, %arg18[%swap3A_361] : memref<640xf32, #tpu.memory_space<smem>>
      %slice3A_363 = vector.extract_strided_slice %mul3A_270 {offsets = [11], sizes = [1], strides = [1]} : vector<16xf32> to vector<1xf32>
      %squeeze3A_364 = vector.extract %slice3A_363[0] : f32 from vector<1xf32>
      %mul3A_365 = arith.constant 16 : i32
      %mul3A_366 = arith.muli %mul3A_365, %scan3A_128 : i32
      %add3A_367 = arith.constant 11 : i32
      %add3A_368 = arith.addi %mul3A_366, %add3A_367 : i32
      %swap3A_369 = arith.index_cast %add3A_368 : i32 to index
      %swap3A_370 = memref.load %arg18[%swap3A_369] : memref<640xf32, #tpu.memory_space<smem>>
      memref.store %squeeze3A_364, %arg18[%swap3A_369] : memref<640xf32, #tpu.memory_space<smem>>
      %slice3A_371 = vector.extract_strided_slice %mul3A_270 {offsets = [12], sizes = [1], strides = [1]} : vector<16xf32> to vector<1xf32>
      %squeeze3A_372 = vector.extract %slice3A_371[0] : f32 from vector<1xf32>
      %mul3A_373 = arith.constant 16 : i32
      %mul3A_374 = arith.muli %mul3A_373, %scan3A_128 : i32
      %add3A_375 = arith.constant 12 : i32
      %add3A_376 = arith.addi %mul3A_374, %add3A_375 : i32
      %swap3A_377 = arith.index_cast %add3A_376 : i32 to index
      %swap3A_378 = memref.load %arg18[%swap3A_377] : memref<640xf32, #tpu.memory_space<smem>>
      memref.store %squeeze3A_372, %arg18[%swap3A_377] : memref<640xf32, #tpu.memory_space<smem>>
      %slice3A_379 = vector.extract_strided_slice %mul3A_270 {offsets = [13], sizes = [1], strides = [1]} : vector<16xf32> to vector<1xf32>
      %squeeze3A_380 = vector.extract %slice3A_379[0] : f32 from vector<1xf32>
      %mul3A_381 = arith.constant 16 : i32
      %mul3A_382 = arith.muli %mul3A_381, %scan3A_128 : i32
      %add3A_383 = arith.constant 13 : i32
      %add3A_384 = arith.addi %mul3A_382, %add3A_383 : i32
      %swap3A_385 = arith.index_cast %add3A_384 : i32 to index
      %swap3A_386 = memref.load %arg18[%swap3A_385] : memref<640xf32, #tpu.memory_space<smem>>
      memref.store %squeeze3A_380, %arg18[%swap3A_385] : memref<640xf32, #tpu.memory_space<smem>>
      %slice3A_387 = vector.extract_strided_slice %mul3A_270 {offsets = [14], sizes = [1], strides = [1]} : vector<16xf32> to vector<1xf32>
      %squeeze3A_388 = vector.extract %slice3A_387[0] : f32 from vector<1xf32>
      %mul3A_389 = arith.constant 16 : i32
      %mul3A_390 = arith.muli %mul3A_389, %scan3A_128 : i32
      %add3A_391 = arith.constant 14 : i32
      %add3A_392 = arith.addi %mul3A_390, %add3A_391 : i32
      %swap3A_393 = arith.index_cast %add3A_392 : i32 to index
      %swap3A_394 = memref.load %arg18[%swap3A_393] : memref<640xf32, #tpu.memory_space<smem>>
      memref.store %squeeze3A_388, %arg18[%swap3A_393] : memref<640xf32, #tpu.memory_space<smem>>
      %slice3A_395 = vector.extract_strided_slice %mul3A_270 {offsets = [15], sizes = [1], strides = [1]} : vector<16xf32> to vector<1xf32>
      %squeeze3A_396 = vector.extract %slice3A_395[0] : f32 from vector<1xf32>
      %mul3A_397 = arith.constant 16 : i32
      %mul3A_398 = arith.muli %mul3A_397, %scan3A_128 : i32
      %add3A_399 = arith.constant 15 : i32
      %add3A_400 = arith.addi %mul3A_398, %add3A_399 : i32
      %swap3A_401 = arith.index_cast %add3A_400 : i32 to index
      %swap3A_402 = memref.load %arg18[%swap3A_401] : memref<640xf32, #tpu.memory_space<smem>>
      memref.store %squeeze3A_396, %arg18[%swap3A_401] : memref<640xf32, #tpu.memory_space<smem>>
      %scan3A_403 = arith.constant 0 : i32
      scf.yield %scan3A_403 : i32
    }
    %scan3A_77 = arith.constant 40 : i32
    %mul3A_78 = arith.constant 640 : i32
    %mul3A_79 = arith.muli %arg1, %mul3A_78 : i32
    "tpu.region"() ({
      %run_scoped3A = tpu.sem_alloc : memref<!tpu.dma_semaphore, #tpu.memory_space<semaphore_mem>>
      %dma_start3A = tpu.memref_slice %arg22[%mul3A_79] : memref<10240xf32, #tpu.memory_space<vmem_shared>> -> memref<640xf32, #tpu.memory_space<vmem_shared>>
      %dma_start3A_128 = tpu.memref_slice %arg22[%mul3A_79] : memref<10240xf32, #tpu.memory_space<vmem_shared>> -> memref<640xf32, #tpu.memory_space<vmem_shared>>
      tpu.enqueue_dma source(%arg17 : memref<640xf32, #tpu.memory_space<vmem>>) target(%dma_start3A_128 : memref<640xf32, #tpu.memory_space<vmem_shared>>) target_semaphore(%run_scoped3A : memref<!tpu.dma_semaphore, #tpu.memory_space<semaphore_mem>>)
      %dma_wait3A = tpu.memref_slice %arg22[%mul3A_79] : memref<10240xf32, #tpu.memory_space<vmem_shared>> -> memref<640xf32, #tpu.memory_space<vmem_shared>>
      %dma_wait3A_129 = tpu.memref_slice %arg22[%mul3A_79] : memref<10240xf32, #tpu.memory_space<vmem_shared>> -> memref<640xf32, #tpu.memory_space<vmem_shared>>
      tpu.wait_dma2 semaphore(%run_scoped3A : memref<!tpu.dma_semaphore, #tpu.memory_space<semaphore_mem>>) src(%arg17 : memref<640xf32, #tpu.memory_space<vmem>>) dst(%dma_wait3A_129 : memref<640xf32, #tpu.memory_space<vmem_shared>>)
      tpu.yield
    }) : () -> ()
    %eq3A_80 = arith.constant 0 : i32
    %eq3A_81 = arith.cmpi eq, %arg0, %eq3A_80 : i32
    %convert_element_type3A_82 = arith.extui %eq3A_81 : i1 to i32
    %cond3A_83 = arith.constant 0 : i32
    %cond3A_84 = arith.cmpi ne, %convert_element_type3A_82, %cond3A_83 : i32
    scf.if %cond3A_84 {
      %mul3A_128 = arith.constant 640 : i32
      %mul3A_129 = arith.muli %arg1, %mul3A_128 : i32
      "tpu.region"() ({
        %run_scoped3A = tpu.sem_alloc : memref<!tpu.dma_semaphore, #tpu.memory_space<semaphore_mem>>
        %dma_start3A = tpu.memref_slice %arg7[%mul3A_129] : memref<10240xf32, #tpu.memory_space<hbm>> -> memref<640xf32, #tpu.memory_space<hbm>>
        %dma_start3A_130 = tpu.memref_slice %arg7[%mul3A_129] : memref<10240xf32, #tpu.memory_space<hbm>> -> memref<640xf32, #tpu.memory_space<hbm>>
        tpu.enqueue_dma source(%arg17 : memref<640xf32, #tpu.memory_space<vmem>>) target(%dma_start3A_130 : memref<640xf32, #tpu.memory_space<hbm>>) target_semaphore(%run_scoped3A : memref<!tpu.dma_semaphore, #tpu.memory_space<semaphore_mem>>)
        %dma_wait3A = tpu.memref_slice %arg7[%mul3A_129] : memref<10240xf32, #tpu.memory_space<hbm>> -> memref<640xf32, #tpu.memory_space<hbm>>
        %dma_wait3A_131 = tpu.memref_slice %arg7[%mul3A_129] : memref<10240xf32, #tpu.memory_space<hbm>> -> memref<640xf32, #tpu.memory_space<hbm>>
        tpu.wait_dma2 semaphore(%run_scoped3A : memref<!tpu.dma_semaphore, #tpu.memory_space<semaphore_mem>>) src(%arg17 : memref<640xf32, #tpu.memory_space<vmem>>) dst(%dma_wait3A_131 : memref<640xf32, #tpu.memory_space<hbm>>)
        tpu.yield
      }) : () -> ()
    } else {
    }
    %eq3A_85 = arith.constant 1 : i32
    %eq3A_86 = arith.cmpi eq, %arg0, %eq3A_85 : i32
    %convert_element_type3A_87 = arith.extui %eq3A_86 : i1 to i32
    %cond3A_88 = arith.constant 0 : i32
    %cond3A_89 = arith.cmpi ne, %convert_element_type3A_87, %cond3A_88 : i32
    scf.if %cond3A_89 {
      %mul3A_128 = arith.constant 640 : i32
      %mul3A_129 = arith.muli %arg1, %mul3A_128 : i32
      "tpu.region"() ({
        %run_scoped3A = tpu.sem_alloc : memref<!tpu.dma_semaphore, #tpu.memory_space<semaphore_mem>>
        %dma_start3A = tpu.memref_slice %arg8[%mul3A_129] : memref<10240xf32, #tpu.memory_space<hbm>> -> memref<640xf32, #tpu.memory_space<hbm>>
        %dma_start3A_130 = tpu.memref_slice %arg8[%mul3A_129] : memref<10240xf32, #tpu.memory_space<hbm>> -> memref<640xf32, #tpu.memory_space<hbm>>
        tpu.enqueue_dma source(%arg17 : memref<640xf32, #tpu.memory_space<vmem>>) target(%dma_start3A_130 : memref<640xf32, #tpu.memory_space<hbm>>) target_semaphore(%run_scoped3A : memref<!tpu.dma_semaphore, #tpu.memory_space<semaphore_mem>>)
        %dma_wait3A = tpu.memref_slice %arg8[%mul3A_129] : memref<10240xf32, #tpu.memory_space<hbm>> -> memref<640xf32, #tpu.memory_space<hbm>>
        %dma_wait3A_131 = tpu.memref_slice %arg8[%mul3A_129] : memref<10240xf32, #tpu.memory_space<hbm>> -> memref<640xf32, #tpu.memory_space<hbm>>
        tpu.wait_dma2 semaphore(%run_scoped3A : memref<!tpu.dma_semaphore, #tpu.memory_space<semaphore_mem>>) src(%arg17 : memref<640xf32, #tpu.memory_space<vmem>>) dst(%dma_wait3A_131 : memref<640xf32, #tpu.memory_space<hbm>>)
        tpu.yield
      }) : () -> ()
    } else {
    }
    %eq3A_90 = arith.constant 0 : i32
    %eq3A_91 = arith.cmpi eq, %arg0, %eq3A_90 : i32
    %convert_element_type3A_92 = arith.extui %eq3A_91 : i1 to i32
    %cond3A_93 = arith.constant 0 : i32
    %cond3A_94 = arith.cmpi ne, %convert_element_type3A_92, %cond3A_93 : i32
    scf.if %cond3A_94 {
      %lt3A_128 = arith.constant 15 : i32
      %lt3A_129 = arith.cmpi slt, %arg1, %lt3A_128 : i32
      %convert_element_type3A_130 = arith.extui %lt3A_129 : i1 to i32
      %cond3A_131 = arith.constant 0 : i32
      %cond3A_132 = arith.cmpi ne, %convert_element_type3A_130, %cond3A_131 : i32
      scf.if %cond3A_132 {
        %mul3A_138 = arith.constant 640 : i32
        %mul3A_139 = arith.muli %arg1, %mul3A_138 : i32
        "tpu.region"() ({
          %run_scoped3A = tpu.sem_alloc : memref<!tpu.dma_semaphore, #tpu.memory_space<semaphore_mem>>
          %dma_start3A = arith.constant 0 : i32
          %dma_start3A_158 = arith.constant 0 : i32
          %dma_start3A_159 = tpu.memref_slice %arg16[%dma_start3A, %dma_start3A_158] : memref<320x64xf32, #tpu.memory_space<vmem>> -> memref<320x64xf32, #tpu.memory_space<vmem>>
          %dma_start3A_160 = arith.constant 0 : i32
          %dma_start3A_161 = tpu.memref_slice %arg4[%mul3A_139, %dma_start3A_160] : memref<10000x128xf32, #tpu.memory_space<hbm>> -> memref<320x64xf32, #tpu.memory_space<hbm>>
          %dma_start3A_162 = arith.constant 0 : i32
          %dma_start3A_163 = arith.constant 0 : i32
          %dma_start3A_164 = tpu.memref_slice %arg16[%dma_start3A_162, %dma_start3A_163] : memref<320x64xf32, #tpu.memory_space<vmem>> -> memref<320x64xf32, #tpu.memory_space<vmem>>
          %dma_start3A_165 = arith.constant 0 : i32
          %dma_start3A_166 = tpu.memref_slice %arg4[%mul3A_139, %dma_start3A_165] : memref<10000x128xf32, #tpu.memory_space<hbm>> -> memref<320x64xf32, #tpu.memory_space<hbm>>
          tpu.enqueue_dma source(%dma_start3A_166 : memref<320x64xf32, #tpu.memory_space<hbm>>) target(%dma_start3A_164 : memref<320x64xf32, #tpu.memory_space<vmem>>) target_semaphore(%run_scoped3A : memref<!tpu.dma_semaphore, #tpu.memory_space<semaphore_mem>>)
          %dma_wait3A = arith.constant 0 : i32
          %dma_wait3A_167 = arith.constant 0 : i32
          %dma_wait3A_168 = tpu.memref_slice %arg16[%dma_wait3A, %dma_wait3A_167] : memref<320x64xf32, #tpu.memory_space<vmem>> -> memref<320x64xf32, #tpu.memory_space<vmem>>
          %dma_wait3A_169 = arith.constant 0 : i32
          %dma_wait3A_170 = tpu.memref_slice %arg4[%mul3A_139, %dma_wait3A_169] : memref<10000x128xf32, #tpu.memory_space<hbm>> -> memref<320x64xf32, #tpu.memory_space<hbm>>
          %dma_wait3A_171 = arith.constant 0 : i32
          %dma_wait3A_172 = arith.constant 0 : i32
          %dma_wait3A_173 = tpu.memref_slice %arg16[%dma_wait3A_171, %dma_wait3A_172] : memref<320x64xf32, #tpu.memory_space<vmem>> -> memref<320x64xf32, #tpu.memory_space<vmem>>
          %dma_wait3A_174 = arith.constant 0 : i32
          %dma_wait3A_175 = tpu.memref_slice %arg4[%mul3A_139, %dma_wait3A_174] : memref<10000x128xf32, #tpu.memory_space<hbm>> -> memref<320x64xf32, #tpu.memory_space<hbm>>
          tpu.wait_dma2 semaphore(%run_scoped3A : memref<!tpu.dma_semaphore, #tpu.memory_space<semaphore_mem>>) src(%dma_wait3A_175 : memref<320x64xf32, #tpu.memory_space<hbm>>) dst(%dma_wait3A_173 : memref<320x64xf32, #tpu.memory_space<vmem>>)
          tpu.yield
        }) : () -> ()
        %scan3A_140 = arith.constant 0 : i32
        %scan3A_141 = arith.constant 0 : i32
        %scan3A_142 = arith.constant 320 : i32
        %scan3A_143 = arith.addi %scan3A_141, %scan3A_142 : i32
        %scan3A_144 = arith.constant 1 : i32
        %scan3A_145 = scf.for %scan3A_158 = %scan3A_141 to %scan3A_143 step %scan3A_144 iter_args(%scan3A_159 = %scan3A_140) -> (i32)  : i32 {
          %add3A_160 = arith.constant 0 : i32
          %add3A_161 = arith.addi %add3A_160, %scan3A_158 : i32
          %get3A = arith.index_cast %add3A_161 : i32 to index
          %get3A_162 = memref.load %arg18[%get3A] : memref<640xf32, #tpu.memory_space<smem>>
          %broadcast_in_dim3A_163 = vector.broadcast %get3A_162 : f32 to vector<16xf32>
          %get3A_164 = arith.index_cast %scan3A_158 : i32 to index
          %get3A_165 = arith.constant 0 : index
          %get3A_166 = tpu.vector_load %arg16[%get3A_164, %get3A_165] {strides = array<i32>} : memref<320x64xf32, #tpu.memory_space<vmem>>, vector<1x16xf32>,
          %get3A_167 = vector.shape_cast %get3A_166 : vector<1x16xf32> to vector<16xf32>
          %mul3A_168 = arith.mulf %get3A_167, %broadcast_in_dim3A_163 : vector<16xf32>
          %swap3A_169 = arith.index_cast %scan3A_158 : i32 to index
          %swap3A_170 = arith.constant 0 : index
          %swap3A_171 = tpu.vector_load %arg16[%swap3A_169, %swap3A_170] {strides = array<i32>} : memref<320x64xf32, #tpu.memory_space<vmem>>, vector<1x16xf32>,
          %swap3A_172 = vector.shape_cast %swap3A_171 : vector<1x16xf32> to vector<16xf32>
          %swap3A_173 = vector.shape_cast %mul3A_168 : vector<16xf32> to vector<1x16xf32>
          tpu.vector_store %arg16[%swap3A_169, %swap3A_170], %swap3A_173 {strides = array<i32>} : memref<320x64xf32, #tpu.memory_space<vmem>>, vector<1x16xf32>,
          %get3A_174 = arith.index_cast %scan3A_158 : i32 to index
          %get3A_175 = arith.constant 16 : index
          %get3A_176 = tpu.vector_load %arg16[%get3A_174, %get3A_175] {strides = array<i32>} : memref<320x64xf32, #tpu.memory_space<vmem>>, vector<1x16xf32>,
          %get3A_177 = vector.shape_cast %get3A_176 : vector<1x16xf32> to vector<16xf32>
          %mul3A_178 = arith.mulf %get3A_177, %broadcast_in_dim3A_163 : vector<16xf32>
          %swap3A_179 = arith.index_cast %scan3A_158 : i32 to index
          %swap3A_180 = arith.constant 16 : index
          %swap3A_181 = tpu.vector_load %arg16[%swap3A_179, %swap3A_180] {strides = array<i32>} : memref<320x64xf32, #tpu.memory_space<vmem>>, vector<1x16xf32>,
          %swap3A_182 = vector.shape_cast %swap3A_181 : vector<1x16xf32> to vector<16xf32>
          %swap3A_183 = vector.shape_cast %mul3A_178 : vector<16xf32> to vector<1x16xf32>
          tpu.vector_store %arg16[%swap3A_179, %swap3A_180], %swap3A_183 {strides = array<i32>} : memref<320x64xf32, #tpu.memory_space<vmem>>, vector<1x16xf32>,
          %get3A_184 = arith.index_cast %scan3A_158 : i32 to index
          %get3A_185 = arith.constant 32 : index
          %get3A_186 = tpu.vector_load %arg16[%get3A_184, %get3A_185] {strides = array<i32>} : memref<320x64xf32, #tpu.memory_space<vmem>>, vector<1x16xf32>,
          %get3A_187 = vector.shape_cast %get3A_186 : vector<1x16xf32> to vector<16xf32>
          %mul3A_188 = arith.mulf %get3A_187, %broadcast_in_dim3A_163 : vector<16xf32>
          %swap3A_189 = arith.index_cast %scan3A_158 : i32 to index
          %swap3A_190 = arith.constant 32 : index
          %swap3A_191 = tpu.vector_load %arg16[%swap3A_189, %swap3A_190] {strides = array<i32>} : memref<320x64xf32, #tpu.memory_space<vmem>>, vector<1x16xf32>,
          %swap3A_192 = vector.shape_cast %swap3A_191 : vector<1x16xf32> to vector<16xf32>
          %swap3A_193 = vector.shape_cast %mul3A_188 : vector<16xf32> to vector<1x16xf32>
          tpu.vector_store %arg16[%swap3A_189, %swap3A_190], %swap3A_193 {strides = array<i32>} : memref<320x64xf32, #tpu.memory_space<vmem>>, vector<1x16xf32>,
          %get3A_194 = arith.index_cast %scan3A_158 : i32 to index
          %get3A_195 = arith.constant 48 : index
          %get3A_196 = tpu.vector_load %arg16[%get3A_194, %get3A_195] {strides = array<i32>} : memref<320x64xf32, #tpu.memory_space<vmem>>, vector<1x16xf32>,
          %get3A_197 = vector.shape_cast %get3A_196 : vector<1x16xf32> to vector<16xf32>
          %mul3A_198 = arith.mulf %get3A_197, %broadcast_in_dim3A_163 : vector<16xf32>
          %swap3A_199 = arith.index_cast %scan3A_158 : i32 to index
          %swap3A_200 = arith.constant 48 : index
          %swap3A_201 = tpu.vector_load %arg16[%swap3A_199, %swap3A_200] {strides = array<i32>} : memref<320x64xf32, #tpu.memory_space<vmem>>, vector<1x16xf32>,
          %swap3A_202 = vector.shape_cast %swap3A_201 : vector<1x16xf32> to vector<16xf32>
          %swap3A_203 = vector.shape_cast %mul3A_198 : vector<16xf32> to vector<1x16xf32>
          tpu.vector_store %arg16[%swap3A_199, %swap3A_200], %swap3A_203 {strides = array<i32>} : memref<320x64xf32, #tpu.memory_space<vmem>>, vector<1x16xf32>,
          %scan3A_204 = arith.constant 0 : i32
          scf.yield %scan3A_204 : i32
        }
        %scan3A_146 = arith.constant 320 : i32
        "tpu.region"() ({
          %run_scoped3A = tpu.sem_alloc : memref<!tpu.dma_semaphore, #tpu.memory_space<semaphore_mem>>
          %dma_start3A = arith.constant 0 : i32
          %dma_start3A_158 = arith.constant 0 : i32
          %dma_start3A_159 = tpu.memref_slice %arg16[%dma_start3A, %dma_start3A_158] : memref<320x64xf32, #tpu.memory_space<vmem>> -> memref<320x64xf32, #tpu.memory_space<vmem>>
          %dma_start3A_160 = arith.constant 0 : i32
          %dma_start3A_161 = tpu.memref_slice %arg9[%mul3A_139, %dma_start3A_160] : memref<10000x64xf32, #tpu.memory_space<hbm>> -> memref<320x64xf32, #tpu.memory_space<hbm>>
          %dma_start3A_162 = arith.constant 0 : i32
          %dma_start3A_163 = tpu.memref_slice %arg9[%mul3A_139, %dma_start3A_162] : memref<10000x64xf32, #tpu.memory_space<hbm>> -> memref<320x64xf32, #tpu.memory_space<hbm>>
          %dma_start3A_164 = arith.constant 0 : i32
          %dma_start3A_165 = arith.constant 0 : i32
          %dma_start3A_166 = tpu.memref_slice %arg16[%dma_start3A_164, %dma_start3A_165] : memref<320x64xf32, #tpu.memory_space<vmem>> -> memref<320x64xf32, #tpu.memory_space<vmem>>
          tpu.enqueue_dma source(%dma_start3A_166 : memref<320x64xf32, #tpu.memory_space<vmem>>) target(%dma_start3A_163 : memref<320x64xf32, #tpu.memory_space<hbm>>) target_semaphore(%run_scoped3A : memref<!tpu.dma_semaphore, #tpu.memory_space<semaphore_mem>>)
          %dma_wait3A = arith.constant 0 : i32
          %dma_wait3A_167 = arith.constant 0 : i32
          %dma_wait3A_168 = tpu.memref_slice %arg16[%dma_wait3A, %dma_wait3A_167] : memref<320x64xf32, #tpu.memory_space<vmem>> -> memref<320x64xf32, #tpu.memory_space<vmem>>
          %dma_wait3A_169 = arith.constant 0 : i32
          %dma_wait3A_170 = tpu.memref_slice %arg9[%mul3A_139, %dma_wait3A_169] : memref<10000x64xf32, #tpu.memory_space<hbm>> -> memref<320x64xf32, #tpu.memory_space<hbm>>
          %dma_wait3A_171 = arith.constant 0 : i32
          %dma_wait3A_172 = tpu.memref_slice %arg9[%mul3A_139, %dma_wait3A_171] : memref<10000x64xf32, #tpu.memory_space<hbm>> -> memref<320x64xf32, #tpu.memory_space<hbm>>
          %dma_wait3A_173 = arith.constant 0 : i32
          %dma_wait3A_174 = arith.constant 0 : i32
          %dma_wait3A_175 = tpu.memref_slice %arg16[%dma_wait3A_173, %dma_wait3A_174] : memref<320x64xf32, #tpu.memory_space<vmem>> -> memref<320x64xf32, #tpu.memory_space<vmem>>
          tpu.wait_dma2 semaphore(%run_scoped3A : memref<!tpu.dma_semaphore, #tpu.memory_space<semaphore_mem>>) src(%dma_wait3A_175 : memref<320x64xf32, #tpu.memory_space<vmem>>) dst(%dma_wait3A_172 : memref<320x64xf32, #tpu.memory_space<hbm>>)
          tpu.yield
        }) : () -> ()
        %mul3A_147 = arith.constant 640 : i32
        %mul3A_148 = arith.muli %arg1, %mul3A_147 : i32
        %add3A_149 = arith.constant 320 : i32
        %add3A_150 = arith.addi %mul3A_148, %add3A_149 : i32
        "tpu.region"() ({
          %run_scoped3A = tpu.sem_alloc : memref<!tpu.dma_semaphore, #tpu.memory_space<semaphore_mem>>
          %dma_start3A = arith.constant 0 : i32
          %dma_start3A_158 = arith.constant 0 : i32
          %dma_start3A_159 = tpu.memref_slice %arg16[%dma_start3A, %dma_start3A_158] : memref<320x64xf32, #tpu.memory_space<vmem>> -> memref<320x64xf32, #tpu.memory_space<vmem>>
          %dma_start3A_160 = arith.constant 0 : i32
          %dma_start3A_161 = tpu.memref_slice %arg4[%add3A_150, %dma_start3A_160] : memref<10000x128xf32, #tpu.memory_space<hbm>> -> memref<320x64xf32, #tpu.memory_space<hbm>>
          %dma_start3A_162 = arith.constant 0 : i32
          %dma_start3A_163 = arith.constant 0 : i32
          %dma_start3A_164 = tpu.memref_slice %arg16[%dma_start3A_162, %dma_start3A_163] : memref<320x64xf32, #tpu.memory_space<vmem>> -> memref<320x64xf32, #tpu.memory_space<vmem>>
          %dma_start3A_165 = arith.constant 0 : i32
          %dma_start3A_166 = tpu.memref_slice %arg4[%add3A_150, %dma_start3A_165] : memref<10000x128xf32, #tpu.memory_space<hbm>> -> memref<320x64xf32, #tpu.memory_space<hbm>>
          tpu.enqueue_dma source(%dma_start3A_166 : memref<320x64xf32, #tpu.memory_space<hbm>>) target(%dma_start3A_164 : memref<320x64xf32, #tpu.memory_space<vmem>>) target_semaphore(%run_scoped3A : memref<!tpu.dma_semaphore, #tpu.memory_space<semaphore_mem>>)
          %dma_wait3A = arith.constant 0 : i32
          %dma_wait3A_167 = arith.constant 0 : i32
          %dma_wait3A_168 = tpu.memref_slice %arg16[%dma_wait3A, %dma_wait3A_167] : memref<320x64xf32, #tpu.memory_space<vmem>> -> memref<320x64xf32, #tpu.memory_space<vmem>>
          %dma_wait3A_169 = arith.constant 0 : i32
          %dma_wait3A_170 = tpu.memref_slice %arg4[%add3A_150, %dma_wait3A_169] : memref<10000x128xf32, #tpu.memory_space<hbm>> -> memref<320x64xf32, #tpu.memory_space<hbm>>
          %dma_wait3A_171 = arith.constant 0 : i32
          %dma_wait3A_172 = arith.constant 0 : i32
          %dma_wait3A_173 = tpu.memref_slice %arg16[%dma_wait3A_171, %dma_wait3A_172] : memref<320x64xf32, #tpu.memory_space<vmem>> -> memref<320x64xf32, #tpu.memory_space<vmem>>
          %dma_wait3A_174 = arith.constant 0 : i32
          %dma_wait3A_175 = tpu.memref_slice %arg4[%add3A_150, %dma_wait3A_174] : memref<10000x128xf32, #tpu.memory_space<hbm>> -> memref<320x64xf32, #tpu.memory_space<hbm>>
          tpu.wait_dma2 semaphore(%run_scoped3A : memref<!tpu.dma_semaphore, #tpu.memory_space<semaphore_mem>>) src(%dma_wait3A_175 : memref<320x64xf32, #tpu.memory_space<hbm>>) dst(%dma_wait3A_173 : memref<320x64xf32, #tpu.memory_space<vmem>>)
          tpu.yield
        }) : () -> ()
        %scan3A_151 = arith.constant 0 : i32
        %scan3A_152 = arith.constant 0 : i32
        %scan3A_153 = arith.constant 320 : i32
        %scan3A_154 = arith.addi %scan3A_152, %scan3A_153 : i32
        %scan3A_155 = arith.constant 1 : i32
        %scan3A_156 = scf.for %scan3A_158 = %scan3A_152 to %scan3A_154 step %scan3A_155 iter_args(%scan3A_159 = %scan3A_151) -> (i32)  : i32 {
          %add3A_160 = arith.constant 320 : i32
          %add3A_161 = arith.addi %add3A_160, %scan3A_158 : i32
          %get3A = arith.index_cast %add3A_161 : i32 to index
          %get3A_162 = memref.load %arg18[%get3A] : memref<640xf32, #tpu.memory_space<smem>>
          %broadcast_in_dim3A_163 = vector.broadcast %get3A_162 : f32 to vector<16xf32>
          %get3A_164 = arith.index_cast %scan3A_158 : i32 to index
          %get3A_165 = arith.constant 0 : index
          %get3A_166 = tpu.vector_load %arg16[%get3A_164, %get3A_165] {strides = array<i32>} : memref<320x64xf32, #tpu.memory_space<vmem>>, vector<1x16xf32>,
          %get3A_167 = vector.shape_cast %get3A_166 : vector<1x16xf32> to vector<16xf32>
          %mul3A_168 = arith.mulf %get3A_167, %broadcast_in_dim3A_163 : vector<16xf32>
          %swap3A_169 = arith.index_cast %scan3A_158 : i32 to index
          %swap3A_170 = arith.constant 0 : index
          %swap3A_171 = tpu.vector_load %arg16[%swap3A_169, %swap3A_170] {strides = array<i32>} : memref<320x64xf32, #tpu.memory_space<vmem>>, vector<1x16xf32>,
          %swap3A_172 = vector.shape_cast %swap3A_171 : vector<1x16xf32> to vector<16xf32>
          %swap3A_173 = vector.shape_cast %mul3A_168 : vector<16xf32> to vector<1x16xf32>
          tpu.vector_store %arg16[%swap3A_169, %swap3A_170], %swap3A_173 {strides = array<i32>} : memref<320x64xf32, #tpu.memory_space<vmem>>, vector<1x16xf32>,
          %get3A_174 = arith.index_cast %scan3A_158 : i32 to index
          %get3A_175 = arith.constant 16 : index
          %get3A_176 = tpu.vector_load %arg16[%get3A_174, %get3A_175] {strides = array<i32>} : memref<320x64xf32, #tpu.memory_space<vmem>>, vector<1x16xf32>,
          %get3A_177 = vector.shape_cast %get3A_176 : vector<1x16xf32> to vector<16xf32>
          %mul3A_178 = arith.mulf %get3A_177, %broadcast_in_dim3A_163 : vector<16xf32>
          %swap3A_179 = arith.index_cast %scan3A_158 : i32 to index
          %swap3A_180 = arith.constant 16 : index
          %swap3A_181 = tpu.vector_load %arg16[%swap3A_179, %swap3A_180] {strides = array<i32>} : memref<320x64xf32, #tpu.memory_space<vmem>>, vector<1x16xf32>,
          %swap3A_182 = vector.shape_cast %swap3A_181 : vector<1x16xf32> to vector<16xf32>
          %swap3A_183 = vector.shape_cast %mul3A_178 : vector<16xf32> to vector<1x16xf32>
          tpu.vector_store %arg16[%swap3A_179, %swap3A_180], %swap3A_183 {strides = array<i32>} : memref<320x64xf32, #tpu.memory_space<vmem>>, vector<1x16xf32>,
          %get3A_184 = arith.index_cast %scan3A_158 : i32 to index
          %get3A_185 = arith.constant 32 : index
          %get3A_186 = tpu.vector_load %arg16[%get3A_184, %get3A_185] {strides = array<i32>} : memref<320x64xf32, #tpu.memory_space<vmem>>, vector<1x16xf32>,
          %get3A_187 = vector.shape_cast %get3A_186 : vector<1x16xf32> to vector<16xf32>
          %mul3A_188 = arith.mulf %get3A_187, %broadcast_in_dim3A_163 : vector<16xf32>
          %swap3A_189 = arith.index_cast %scan3A_158 : i32 to index
          %swap3A_190 = arith.constant 32 : index
          %swap3A_191 = tpu.vector_load %arg16[%swap3A_189, %swap3A_190] {strides = array<i32>} : memref<320x64xf32, #tpu.memory_space<vmem>>, vector<1x16xf32>,
          %swap3A_192 = vector.shape_cast %swap3A_191 : vector<1x16xf32> to vector<16xf32>
          %swap3A_193 = vector.shape_cast %mul3A_188 : vector<16xf32> to vector<1x16xf32>
          tpu.vector_store %arg16[%swap3A_189, %swap3A_190], %swap3A_193 {strides = array<i32>} : memref<320x64xf32, #tpu.memory_space<vmem>>, vector<1x16xf32>,
          %get3A_194 = arith.index_cast %scan3A_158 : i32 to index
          %get3A_195 = arith.constant 48 : index
          %get3A_196 = tpu.vector_load %arg16[%get3A_194, %get3A_195] {strides = array<i32>} : memref<320x64xf32, #tpu.memory_space<vmem>>, vector<1x16xf32>,
          %get3A_197 = vector.shape_cast %get3A_196 : vector<1x16xf32> to vector<16xf32>
          %mul3A_198 = arith.mulf %get3A_197, %broadcast_in_dim3A_163 : vector<16xf32>
          %swap3A_199 = arith.index_cast %scan3A_158 : i32 to index
          %swap3A_200 = arith.constant 48 : index
          %swap3A_201 = tpu.vector_load %arg16[%swap3A_199, %swap3A_200] {strides = array<i32>} : memref<320x64xf32, #tpu.memory_space<vmem>>, vector<1x16xf32>,
          %swap3A_202 = vector.shape_cast %swap3A_201 : vector<1x16xf32> to vector<16xf32>
          %swap3A_203 = vector.shape_cast %mul3A_198 : vector<16xf32> to vector<1x16xf32>
          tpu.vector_store %arg16[%swap3A_199, %swap3A_200], %swap3A_203 {strides = array<i32>} : memref<320x64xf32, #tpu.memory_space<vmem>>, vector<1x16xf32>,
          %scan3A_204 = arith.constant 0 : i32
          scf.yield %scan3A_204 : i32
        }
        %scan3A_157 = arith.constant 320 : i32
        "tpu.region"() ({
          %run_scoped3A = tpu.sem_alloc : memref<!tpu.dma_semaphore, #tpu.memory_space<semaphore_mem>>
          %dma_start3A = arith.constant 0 : i32
          %dma_start3A_158 = arith.constant 0 : i32
          %dma_start3A_159 = tpu.memref_slice %arg16[%dma_start3A, %dma_start3A_158] : memref<320x64xf32, #tpu.memory_space<vmem>> -> memref<320x64xf32, #tpu.memory_space<vmem>>
          %dma_start3A_160 = arith.constant 0 : i32
          %dma_start3A_161 = tpu.memref_slice %arg9[%add3A_150, %dma_start3A_160] : memref<10000x64xf32, #tpu.memory_space<hbm>> -> memref<320x64xf32, #tpu.memory_space<hbm>>
          %dma_start3A_162 = arith.constant 0 : i32
          %dma_start3A_163 = tpu.memref_slice %arg9[%add3A_150, %dma_start3A_162] : memref<10000x64xf32, #tpu.memory_space<hbm>> -> memref<320x64xf32, #tpu.memory_space<hbm>>
          %dma_start3A_164 = arith.constant 0 : i32
          %dma_start3A_165 = arith.constant 0 : i32
          %dma_start3A_166 = tpu.memref_slice %arg16[%dma_start3A_164, %dma_start3A_165] : memref<320x64xf32, #tpu.memory_space<vmem>> -> memref<320x64xf32, #tpu.memory_space<vmem>>
          tpu.enqueue_dma source(%dma_start3A_166 : memref<320x64xf32, #tpu.memory_space<vmem>>) target(%dma_start3A_163 : memref<320x64xf32, #tpu.memory_space<hbm>>) target_semaphore(%run_scoped3A : memref<!tpu.dma_semaphore, #tpu.memory_space<semaphore_mem>>)
          %dma_wait3A = arith.constant 0 : i32
          %dma_wait3A_167 = arith.constant 0 : i32
          %dma_wait3A_168 = tpu.memref_slice %arg16[%dma_wait3A, %dma_wait3A_167] : memref<320x64xf32, #tpu.memory_space<vmem>> -> memref<320x64xf32, #tpu.memory_space<vmem>>
          %dma_wait3A_169 = arith.constant 0 : i32
          %dma_wait3A_170 = tpu.memref_slice %arg9[%add3A_150, %dma_wait3A_169] : memref<10000x64xf32, #tpu.memory_space<hbm>> -> memref<320x64xf32, #tpu.memory_space<hbm>>
          %dma_wait3A_171 = arith.constant 0 : i32
          %dma_wait3A_172 = tpu.memref_slice %arg9[%add3A_150, %dma_wait3A_171] : memref<10000x64xf32, #tpu.memory_space<hbm>> -> memref<320x64xf32, #tpu.memory_space<hbm>>
          %dma_wait3A_173 = arith.constant 0 : i32
          %dma_wait3A_174 = arith.constant 0 : i32
          %dma_wait3A_175 = tpu.memref_slice %arg16[%dma_wait3A_173, %dma_wait3A_174] : memref<320x64xf32, #tpu.memory_space<vmem>> -> memref<320x64xf32, #tpu.memory_space<vmem>>
          tpu.wait_dma2 semaphore(%run_scoped3A : memref<!tpu.dma_semaphore, #tpu.memory_space<semaphore_mem>>) src(%dma_wait3A_175 : memref<320x64xf32, #tpu.memory_space<vmem>>) dst(%dma_wait3A_172 : memref<320x64xf32, #tpu.memory_space<hbm>>)
          tpu.yield
        }) : () -> ()
      } else {
      }
      %eq3A_133 = arith.constant 15 : i32
      %eq3A_134 = arith.cmpi eq, %arg1, %eq3A_133 : i32
      %convert_element_type3A_135 = arith.extui %eq3A_134 : i1 to i32
      %cond3A_136 = arith.constant 0 : i32
      %cond3A_137 = arith.cmpi ne, %convert_element_type3A_135, %cond3A_136 : i32
      scf.if %cond3A_137 {
        "tpu.region"() ({
          %run_scoped3A = tpu.sem_alloc : memref<!tpu.dma_semaphore, #tpu.memory_space<semaphore_mem>>
          %dma_start3A = arith.constant 0 : i32
          %dma_start3A_152 = arith.constant 0 : i32
          %dma_start3A_153 = tpu.memref_slice %arg16[%dma_start3A, %dma_start3A_152] : memref<320x64xf32, #tpu.memory_space<vmem>> -> memref<320x64xf32, #tpu.memory_space<vmem>>
          %dma_start3A_154 = arith.constant 9600 : i32
          %dma_start3A_155 = arith.constant 0 : i32
          %dma_start3A_156 = tpu.memref_slice %arg4[%dma_start3A_154, %dma_start3A_155] : memref<10000x128xf32, #tpu.memory_space<hbm>> -> memref<320x64xf32, #tpu.memory_space<hbm>>
          %dma_start3A_157 = arith.constant 0 : i32
          %dma_start3A_158 = arith.constant 0 : i32
          %dma_start3A_159 = tpu.memref_slice %arg16[%dma_start3A_157, %dma_start3A_158] : memref<320x64xf32, #tpu.memory_space<vmem>> -> memref<320x64xf32, #tpu.memory_space<vmem>>
          %dma_start3A_160 = arith.constant 9600 : i32
          %dma_start3A_161 = arith.constant 0 : i32
          %dma_start3A_162 = tpu.memref_slice %arg4[%dma_start3A_160, %dma_start3A_161] : memref<10000x128xf32, #tpu.memory_space<hbm>> -> memref<320x64xf32, #tpu.memory_space<hbm>>
          tpu.enqueue_dma source(%dma_start3A_162 : memref<320x64xf32, #tpu.memory_space<hbm>>) target(%dma_start3A_159 : memref<320x64xf32, #tpu.memory_space<vmem>>) target_semaphore(%run_scoped3A : memref<!tpu.dma_semaphore, #tpu.memory_space<semaphore_mem>>)
          %dma_wait3A = arith.constant 0 : i32
          %dma_wait3A_163 = arith.constant 0 : i32
          %dma_wait3A_164 = tpu.memref_slice %arg16[%dma_wait3A, %dma_wait3A_163] : memref<320x64xf32, #tpu.memory_space<vmem>> -> memref<320x64xf32, #tpu.memory_space<vmem>>
          %dma_wait3A_165 = arith.constant 9600 : i32
          %dma_wait3A_166 = arith.constant 0 : i32
          %dma_wait3A_167 = tpu.memref_slice %arg4[%dma_wait3A_165, %dma_wait3A_166] : memref<10000x128xf32, #tpu.memory_space<hbm>> -> memref<320x64xf32, #tpu.memory_space<hbm>>
          %dma_wait3A_168 = arith.constant 0 : i32
          %dma_wait3A_169 = arith.constant 0 : i32
          %dma_wait3A_170 = tpu.memref_slice %arg16[%dma_wait3A_168, %dma_wait3A_169] : memref<320x64xf32, #tpu.memory_space<vmem>> -> memref<320x64xf32, #tpu.memory_space<vmem>>
          %dma_wait3A_171 = arith.constant 9600 : i32
          %dma_wait3A_172 = arith.constant 0 : i32
          %dma_wait3A_173 = tpu.memref_slice %arg4[%dma_wait3A_171, %dma_wait3A_172] : memref<10000x128xf32, #tpu.memory_space<hbm>> -> memref<320x64xf32, #tpu.memory_space<hbm>>
          tpu.wait_dma2 semaphore(%run_scoped3A : memref<!tpu.dma_semaphore, #tpu.memory_space<semaphore_mem>>) src(%dma_wait3A_173 : memref<320x64xf32, #tpu.memory_space<hbm>>) dst(%dma_wait3A_170 : memref<320x64xf32, #tpu.memory_space<vmem>>)
          tpu.yield
        }) : () -> ()
        %scan3A_138 = arith.constant 0 : i32
        %scan3A_139 = arith.constant 0 : i32
        %scan3A_140 = arith.constant 320 : i32
        %scan3A_141 = arith.addi %scan3A_139, %scan3A_140 : i32
        %scan3A_142 = arith.constant 1 : i32
        %scan3A_143 = scf.for %scan3A_152 = %scan3A_139 to %scan3A_141 step %scan3A_142 iter_args(%scan3A_153 = %scan3A_138) -> (i32)  : i32 {
          %add3A_154 = arith.constant 0 : i32
          %add3A_155 = arith.addi %add3A_154, %scan3A_152 : i32
          %get3A = arith.index_cast %add3A_155 : i32 to index
          %get3A_156 = memref.load %arg18[%get3A] : memref<640xf32, #tpu.memory_space<smem>>
          %broadcast_in_dim3A_157 = vector.broadcast %get3A_156 : f32 to vector<16xf32>
          %get3A_158 = arith.index_cast %scan3A_152 : i32 to index
          %get3A_159 = arith.constant 0 : index
          %get3A_160 = tpu.vector_load %arg16[%get3A_158, %get3A_159] {strides = array<i32>} : memref<320x64xf32, #tpu.memory_space<vmem>>, vector<1x16xf32>,
          %get3A_161 = vector.shape_cast %get3A_160 : vector<1x16xf32> to vector<16xf32>
          %mul3A_162 = arith.mulf %get3A_161, %broadcast_in_dim3A_157 : vector<16xf32>
          %swap3A_163 = arith.index_cast %scan3A_152 : i32 to index
          %swap3A_164 = arith.constant 0 : index
          %swap3A_165 = tpu.vector_load %arg16[%swap3A_163, %swap3A_164] {strides = array<i32>} : memref<320x64xf32, #tpu.memory_space<vmem>>, vector<1x16xf32>,
          %swap3A_166 = vector.shape_cast %swap3A_165 : vector<1x16xf32> to vector<16xf32>
          %swap3A_167 = vector.shape_cast %mul3A_162 : vector<16xf32> to vector<1x16xf32>
          tpu.vector_store %arg16[%swap3A_163, %swap3A_164], %swap3A_167 {strides = array<i32>} : memref<320x64xf32, #tpu.memory_space<vmem>>, vector<1x16xf32>,
          %get3A_168 = arith.index_cast %scan3A_152 : i32 to index
          %get3A_169 = arith.constant 16 : index
          %get3A_170 = tpu.vector_load %arg16[%get3A_168, %get3A_169] {strides = array<i32>} : memref<320x64xf32, #tpu.memory_space<vmem>>, vector<1x16xf32>,
          %get3A_171 = vector.shape_cast %get3A_170 : vector<1x16xf32> to vector<16xf32>
          %mul3A_172 = arith.mulf %get3A_171, %broadcast_in_dim3A_157 : vector<16xf32>
          %swap3A_173 = arith.index_cast %scan3A_152 : i32 to index
          %swap3A_174 = arith.constant 16 : index
          %swap3A_175 = tpu.vector_load %arg16[%swap3A_173, %swap3A_174] {strides = array<i32>} : memref<320x64xf32, #tpu.memory_space<vmem>>, vector<1x16xf32>,
          %swap3A_176 = vector.shape_cast %swap3A_175 : vector<1x16xf32> to vector<16xf32>
          %swap3A_177 = vector.shape_cast %mul3A_172 : vector<16xf32> to vector<1x16xf32>
          tpu.vector_store %arg16[%swap3A_173, %swap3A_174], %swap3A_177 {strides = array<i32>} : memref<320x64xf32, #tpu.memory_space<vmem>>, vector<1x16xf32>,
          %get3A_178 = arith.index_cast %scan3A_152 : i32 to index
          %get3A_179 = arith.constant 32 : index
          %get3A_180 = tpu.vector_load %arg16[%get3A_178, %get3A_179] {strides = array<i32>} : memref<320x64xf32, #tpu.memory_space<vmem>>, vector<1x16xf32>,
          %get3A_181 = vector.shape_cast %get3A_180 : vector<1x16xf32> to vector<16xf32>
          %mul3A_182 = arith.mulf %get3A_181, %broadcast_in_dim3A_157 : vector<16xf32>
          %swap3A_183 = arith.index_cast %scan3A_152 : i32 to index
          %swap3A_184 = arith.constant 32 : index
          %swap3A_185 = tpu.vector_load %arg16[%swap3A_183, %swap3A_184] {strides = array<i32>} : memref<320x64xf32, #tpu.memory_space<vmem>>, vector<1x16xf32>,
          %swap3A_186 = vector.shape_cast %swap3A_185 : vector<1x16xf32> to vector<16xf32>
          %swap3A_187 = vector.shape_cast %mul3A_182 : vector<16xf32> to vector<1x16xf32>
          tpu.vector_store %arg16[%swap3A_183, %swap3A_184], %swap3A_187 {strides = array<i32>} : memref<320x64xf32, #tpu.memory_space<vmem>>, vector<1x16xf32>,
          %get3A_188 = arith.index_cast %scan3A_152 : i32 to index
          %get3A_189 = arith.constant 48 : index
          %get3A_190 = tpu.vector_load %arg16[%get3A_188, %get3A_189] {strides = array<i32>} : memref<320x64xf32, #tpu.memory_space<vmem>>, vector<1x16xf32>,
          %get3A_191 = vector.shape_cast %get3A_190 : vector<1x16xf32> to vector<16xf32>
          %mul3A_192 = arith.mulf %get3A_191, %broadcast_in_dim3A_157 : vector<16xf32>
          %swap3A_193 = arith.index_cast %scan3A_152 : i32 to index
          %swap3A_194 = arith.constant 48 : index
          %swap3A_195 = tpu.vector_load %arg16[%swap3A_193, %swap3A_194] {strides = array<i32>} : memref<320x64xf32, #tpu.memory_space<vmem>>, vector<1x16xf32>,
          %swap3A_196 = vector.shape_cast %swap3A_195 : vector<1x16xf32> to vector<16xf32>
          %swap3A_197 = vector.shape_cast %mul3A_192 : vector<16xf32> to vector<1x16xf32>
          tpu.vector_store %arg16[%swap3A_193, %swap3A_194], %swap3A_197 {strides = array<i32>} : memref<320x64xf32, #tpu.memory_space<vmem>>, vector<1x16xf32>,
          %scan3A_198 = arith.constant 0 : i32
          scf.yield %scan3A_198 : i32
        }
        %scan3A_144 = arith.constant 320 : i32
        "tpu.region"() ({
          %run_scoped3A = tpu.sem_alloc : memref<!tpu.dma_semaphore, #tpu.memory_space<semaphore_mem>>
          %dma_start3A = arith.constant 0 : i32
          %dma_start3A_152 = arith.constant 0 : i32
          %dma_start3A_153 = tpu.memref_slice %arg16[%dma_start3A, %dma_start3A_152] : memref<320x64xf32, #tpu.memory_space<vmem>> -> memref<320x64xf32, #tpu.memory_space<vmem>>
          %dma_start3A_154 = arith.constant 9600 : i32
          %dma_start3A_155 = arith.constant 0 : i32
          %dma_start3A_156 = tpu.memref_slice %arg9[%dma_start3A_154, %dma_start3A_155] : memref<10000x64xf32, #tpu.memory_space<hbm>> -> memref<320x64xf32, #tpu.memory_space<hbm>>
          %dma_start3A_157 = arith.constant 9600 : i32
          %dma_start3A_158 = arith.constant 0 : i32
          %dma_start3A_159 = tpu.memref_slice %arg9[%dma_start3A_157, %dma_start3A_158] : memref<10000x64xf32, #tpu.memory_space<hbm>> -> memref<320x64xf32, #tpu.memory_space<hbm>>
          %dma_start3A_160 = arith.constant 0 : i32
          %dma_start3A_161 = arith.constant 0 : i32
          %dma_start3A_162 = tpu.memref_slice %arg16[%dma_start3A_160, %dma_start3A_161] : memref<320x64xf32, #tpu.memory_space<vmem>> -> memref<320x64xf32, #tpu.memory_space<vmem>>
          tpu.enqueue_dma source(%dma_start3A_162 : memref<320x64xf32, #tpu.memory_space<vmem>>) target(%dma_start3A_159 : memref<320x64xf32, #tpu.memory_space<hbm>>) target_semaphore(%run_scoped3A : memref<!tpu.dma_semaphore, #tpu.memory_space<semaphore_mem>>)
          %dma_wait3A = arith.constant 0 : i32
          %dma_wait3A_163 = arith.constant 0 : i32
          %dma_wait3A_164 = tpu.memref_slice %arg16[%dma_wait3A, %dma_wait3A_163] : memref<320x64xf32, #tpu.memory_space<vmem>> -> memref<320x64xf32, #tpu.memory_space<vmem>>
          %dma_wait3A_165 = arith.constant 9600 : i32
          %dma_wait3A_166 = arith.constant 0 : i32
          %dma_wait3A_167 = tpu.memref_slice %arg9[%dma_wait3A_165, %dma_wait3A_166] : memref<10000x64xf32, #tpu.memory_space<hbm>> -> memref<320x64xf32, #tpu.memory_space<hbm>>
          %dma_wait3A_168 = arith.constant 9600 : i32
          %dma_wait3A_169 = arith.constant 0 : i32
          %dma_wait3A_170 = tpu.memref_slice %arg9[%dma_wait3A_168, %dma_wait3A_169] : memref<10000x64xf32, #tpu.memory_space<hbm>> -> memref<320x64xf32, #tpu.memory_space<hbm>>
          %dma_wait3A_171 = arith.constant 0 : i32
          %dma_wait3A_172 = arith.constant 0 : i32
          %dma_wait3A_173 = tpu.memref_slice %arg16[%dma_wait3A_171, %dma_wait3A_172] : memref<320x64xf32, #tpu.memory_space<vmem>> -> memref<320x64xf32, #tpu.memory_space<vmem>>
          tpu.wait_dma2 semaphore(%run_scoped3A : memref<!tpu.dma_semaphore, #tpu.memory_space<semaphore_mem>>) src(%dma_wait3A_173 : memref<320x64xf32, #tpu.memory_space<vmem>>) dst(%dma_wait3A_170 : memref<320x64xf32, #tpu.memory_space<hbm>>)
          tpu.yield
        }) : () -> ()
        "tpu.region"() ({
          %run_scoped3A = tpu.sem_alloc : memref<!tpu.dma_semaphore, #tpu.memory_space<semaphore_mem>>
          %dma_start3A = arith.constant 0 : i32
          %dma_start3A_152 = arith.constant 0 : i32
          %dma_start3A_153 = tpu.memref_slice %arg16[%dma_start3A, %dma_start3A_152] : memref<320x64xf32, #tpu.memory_space<vmem>> -> memref<80x64xf32, #tpu.memory_space<vmem>>
          %dma_start3A_154 = arith.constant 9920 : i32
          %dma_start3A_155 = arith.constant 0 : i32
          %dma_start3A_156 = tpu.memref_slice %arg4[%dma_start3A_154, %dma_start3A_155] : memref<10000x128xf32, #tpu.memory_space<hbm>> -> memref<80x64xf32, #tpu.memory_space<hbm>>
          %dma_start3A_157 = arith.constant 0 : i32
          %dma_start3A_158 = arith.constant 0 : i32
          %dma_start3A_159 = tpu.memref_slice %arg16[%dma_start3A_157, %dma_start3A_158] : memref<320x64xf32, #tpu.memory_space<vmem>> -> memref<80x64xf32, #tpu.memory_space<vmem>>
          %dma_start3A_160 = arith.constant 9920 : i32
          %dma_start3A_161 = arith.constant 0 : i32
          %dma_start3A_162 = tpu.memref_slice %arg4[%dma_start3A_160, %dma_start3A_161] : memref<10000x128xf32, #tpu.memory_space<hbm>> -> memref<80x64xf32, #tpu.memory_space<hbm>>
          tpu.enqueue_dma source(%dma_start3A_162 : memref<80x64xf32, #tpu.memory_space<hbm>>) target(%dma_start3A_159 : memref<80x64xf32, #tpu.memory_space<vmem>>) target_semaphore(%run_scoped3A : memref<!tpu.dma_semaphore, #tpu.memory_space<semaphore_mem>>)
          %dma_wait3A = arith.constant 0 : i32
          %dma_wait3A_163 = arith.constant 0 : i32
          %dma_wait3A_164 = tpu.memref_slice %arg16[%dma_wait3A, %dma_wait3A_163] : memref<320x64xf32, #tpu.memory_space<vmem>> -> memref<80x64xf32, #tpu.memory_space<vmem>>
          %dma_wait3A_165 = arith.constant 9920 : i32
          %dma_wait3A_166 = arith.constant 0 : i32
          %dma_wait3A_167 = tpu.memref_slice %arg4[%dma_wait3A_165, %dma_wait3A_166] : memref<10000x128xf32, #tpu.memory_space<hbm>> -> memref<80x64xf32, #tpu.memory_space<hbm>>
          %dma_wait3A_168 = arith.constant 0 : i32
          %dma_wait3A_169 = arith.constant 0 : i32
          %dma_wait3A_170 = tpu.memref_slice %arg16[%dma_wait3A_168, %dma_wait3A_169] : memref<320x64xf32, #tpu.memory_space<vmem>> -> memref<80x64xf32, #tpu.memory_space<vmem>>
          %dma_wait3A_171 = arith.constant 9920 : i32
          %dma_wait3A_172 = arith.constant 0 : i32
          %dma_wait3A_173 = tpu.memref_slice %arg4[%dma_wait3A_171, %dma_wait3A_172] : memref<10000x128xf32, #tpu.memory_space<hbm>> -> memref<80x64xf32, #tpu.memory_space<hbm>>
          tpu.wait_dma2 semaphore(%run_scoped3A : memref<!tpu.dma_semaphore, #tpu.memory_space<semaphore_mem>>) src(%dma_wait3A_173 : memref<80x64xf32, #tpu.memory_space<hbm>>) dst(%dma_wait3A_170 : memref<80x64xf32, #tpu.memory_space<vmem>>)
          tpu.yield
        }) : () -> ()
        %scan3A_145 = arith.constant 0 : i32
        %scan3A_146 = arith.constant 0 : i32
        %scan3A_147 = arith.constant 80 : i32
        %scan3A_148 = arith.addi %scan3A_146, %scan3A_147 : i32
        %scan3A_149 = arith.constant 1 : i32
        %scan3A_150 = scf.for %scan3A_152 = %scan3A_146 to %scan3A_148 step %scan3A_149 iter_args(%scan3A_153 = %scan3A_145) -> (i32)  : i32 {
          %add3A_154 = arith.constant 320 : i32
          %add3A_155 = arith.addi %add3A_154, %scan3A_152 : i32
          %get3A = arith.index_cast %add3A_155 : i32 to index
          %get3A_156 = memref.load %arg18[%get3A] : memref<640xf32, #tpu.memory_space<smem>>
          %broadcast_in_dim3A_157 = vector.broadcast %get3A_156 : f32 to vector<16xf32>
          %get3A_158 = arith.index_cast %scan3A_152 : i32 to index
          %get3A_159 = arith.constant 0 : index
          %get3A_160 = tpu.vector_load %arg16[%get3A_158, %get3A_159] {strides = array<i32>} : memref<320x64xf32, #tpu.memory_space<vmem>>, vector<1x16xf32>,
          %get3A_161 = vector.shape_cast %get3A_160 : vector<1x16xf32> to vector<16xf32>
          %mul3A_162 = arith.mulf %get3A_161, %broadcast_in_dim3A_157 : vector<16xf32>
          %swap3A_163 = arith.index_cast %scan3A_152 : i32 to index
          %swap3A_164 = arith.constant 0 : index
          %swap3A_165 = tpu.vector_load %arg16[%swap3A_163, %swap3A_164] {strides = array<i32>} : memref<320x64xf32, #tpu.memory_space<vmem>>, vector<1x16xf32>,
          %swap3A_166 = vector.shape_cast %swap3A_165 : vector<1x16xf32> to vector<16xf32>
          %swap3A_167 = vector.shape_cast %mul3A_162 : vector<16xf32> to vector<1x16xf32>
          tpu.vector_store %arg16[%swap3A_163, %swap3A_164], %swap3A_167 {strides = array<i32>} : memref<320x64xf32, #tpu.memory_space<vmem>>, vector<1x16xf32>,
          %get3A_168 = arith.index_cast %scan3A_152 : i32 to index
          %get3A_169 = arith.constant 16 : index
          %get3A_170 = tpu.vector_load %arg16[%get3A_168, %get3A_169] {strides = array<i32>} : memref<320x64xf32, #tpu.memory_space<vmem>>, vector<1x16xf32>,
          %get3A_171 = vector.shape_cast %get3A_170 : vector<1x16xf32> to vector<16xf32>
          %mul3A_172 = arith.mulf %get3A_171, %broadcast_in_dim3A_157 : vector<16xf32>
          %swap3A_173 = arith.index_cast %scan3A_152 : i32 to index
          %swap3A_174 = arith.constant 16 : index
          %swap3A_175 = tpu.vector_load %arg16[%swap3A_173, %swap3A_174] {strides = array<i32>} : memref<320x64xf32, #tpu.memory_space<vmem>>, vector<1x16xf32>,
          %swap3A_176 = vector.shape_cast %swap3A_175 : vector<1x16xf32> to vector<16xf32>
          %swap3A_177 = vector.shape_cast %mul3A_172 : vector<16xf32> to vector<1x16xf32>
          tpu.vector_store %arg16[%swap3A_173, %swap3A_174], %swap3A_177 {strides = array<i32>} : memref<320x64xf32, #tpu.memory_space<vmem>>, vector<1x16xf32>,
          %get3A_178 = arith.index_cast %scan3A_152 : i32 to index
          %get3A_179 = arith.constant 32 : index
          %get3A_180 = tpu.vector_load %arg16[%get3A_178, %get3A_179] {strides = array<i32>} : memref<320x64xf32, #tpu.memory_space<vmem>>, vector<1x16xf32>,
          %get3A_181 = vector.shape_cast %get3A_180 : vector<1x16xf32> to vector<16xf32>
          %mul3A_182 = arith.mulf %get3A_181, %broadcast_in_dim3A_157 : vector<16xf32>
          %swap3A_183 = arith.index_cast %scan3A_152 : i32 to index
          %swap3A_184 = arith.constant 32 : index
          %swap3A_185 = tpu.vector_load %arg16[%swap3A_183, %swap3A_184] {strides = array<i32>} : memref<320x64xf32, #tpu.memory_space<vmem>>, vector<1x16xf32>,
          %swap3A_186 = vector.shape_cast %swap3A_185 : vector<1x16xf32> to vector<16xf32>
          %swap3A_187 = vector.shape_cast %mul3A_182 : vector<16xf32> to vector<1x16xf32>
          tpu.vector_store %arg16[%swap3A_183, %swap3A_184], %swap3A_187 {strides = array<i32>} : memref<320x64xf32, #tpu.memory_space<vmem>>, vector<1x16xf32>,
          %get3A_188 = arith.index_cast %scan3A_152 : i32 to index
          %get3A_189 = arith.constant 48 : index
          %get3A_190 = tpu.vector_load %arg16[%get3A_188, %get3A_189] {strides = array<i32>} : memref<320x64xf32, #tpu.memory_space<vmem>>, vector<1x16xf32>,
          %get3A_191 = vector.shape_cast %get3A_190 : vector<1x16xf32> to vector<16xf32>
          %mul3A_192 = arith.mulf %get3A_191, %broadcast_in_dim3A_157 : vector<16xf32>
          %swap3A_193 = arith.index_cast %scan3A_152 : i32 to index
          %swap3A_194 = arith.constant 48 : index
          %swap3A_195 = tpu.vector_load %arg16[%swap3A_193, %swap3A_194] {strides = array<i32>} : memref<320x64xf32, #tpu.memory_space<vmem>>, vector<1x16xf32>,
          %swap3A_196 = vector.shape_cast %swap3A_195 : vector<1x16xf32> to vector<16xf32>
          %swap3A_197 = vector.shape_cast %mul3A_192 : vector<16xf32> to vector<1x16xf32>
          tpu.vector_store %arg16[%swap3A_193, %swap3A_194], %swap3A_197 {strides = array<i32>} : memref<320x64xf32, #tpu.memory_space<vmem>>, vector<1x16xf32>,
          %scan3A_198 = arith.constant 0 : i32
          scf.yield %scan3A_198 : i32
        }
        %scan3A_151 = arith.constant 80 : i32
        "tpu.region"() ({
          %run_scoped3A = tpu.sem_alloc : memref<!tpu.dma_semaphore, #tpu.memory_space<semaphore_mem>>
          %dma_start3A = arith.constant 0 : i32
          %dma_start3A_152 = arith.constant 0 : i32
          %dma_start3A_153 = tpu.memref_slice %arg16[%dma_start3A, %dma_start3A_152] : memref<320x64xf32, #tpu.memory_space<vmem>> -> memref<80x64xf32, #tpu.memory_space<vmem>>
          %dma_start3A_154 = arith.constant 9920 : i32
          %dma_start3A_155 = arith.constant 0 : i32
          %dma_start3A_156 = tpu.memref_slice %arg9[%dma_start3A_154, %dma_start3A_155] : memref<10000x64xf32, #tpu.memory_space<hbm>> -> memref<80x64xf32, #tpu.memory_space<hbm>>
          %dma_start3A_157 = arith.constant 9920 : i32
          %dma_start3A_158 = arith.constant 0 : i32
          %dma_start3A_159 = tpu.memref_slice %arg9[%dma_start3A_157, %dma_start3A_158] : memref<10000x64xf32, #tpu.memory_space<hbm>> -> memref<80x64xf32, #tpu.memory_space<hbm>>
          %dma_start3A_160 = arith.constant 0 : i32
          %dma_start3A_161 = arith.constant 0 : i32
          %dma_start3A_162 = tpu.memref_slice %arg16[%dma_start3A_160, %dma_start3A_161] : memref<320x64xf32, #tpu.memory_space<vmem>> -> memref<80x64xf32, #tpu.memory_space<vmem>>
          tpu.enqueue_dma source(%dma_start3A_162 : memref<80x64xf32, #tpu.memory_space<vmem>>) target(%dma_start3A_159 : memref<80x64xf32, #tpu.memory_space<hbm>>) target_semaphore(%run_scoped3A : memref<!tpu.dma_semaphore, #tpu.memory_space<semaphore_mem>>)
          %dma_wait3A = arith.constant 0 : i32
          %dma_wait3A_163 = arith.constant 0 : i32
          %dma_wait3A_164 = tpu.memref_slice %arg16[%dma_wait3A, %dma_wait3A_163] : memref<320x64xf32, #tpu.memory_space<vmem>> -> memref<80x64xf32, #tpu.memory_space<vmem>>
          %dma_wait3A_165 = arith.constant 9920 : i32
          %dma_wait3A_166 = arith.constant 0 : i32
          %dma_wait3A_167 = tpu.memref_slice %arg9[%dma_wait3A_165, %dma_wait3A_166] : memref<10000x64xf32, #tpu.memory_space<hbm>> -> memref<80x64xf32, #tpu.memory_space<hbm>>
          %dma_wait3A_168 = arith.constant 9920 : i32
          %dma_wait3A_169 = arith.constant 0 : i32
          %dma_wait3A_170 = tpu.memref_slice %arg9[%dma_wait3A_168, %dma_wait3A_169] : memref<10000x64xf32, #tpu.memory_space<hbm>> -> memref<80x64xf32, #tpu.memory_space<hbm>>
          %dma_wait3A_171 = arith.constant 0 : i32
          %dma_wait3A_172 = arith.constant 0 : i32
          %dma_wait3A_173 = tpu.memref_slice %arg16[%dma_wait3A_171, %dma_wait3A_172] : memref<320x64xf32, #tpu.memory_space<vmem>> -> memref<80x64xf32, #tpu.memory_space<vmem>>
          tpu.wait_dma2 semaphore(%run_scoped3A : memref<!tpu.dma_semaphore, #tpu.memory_space<semaphore_mem>>) src(%dma_wait3A_173 : memref<80x64xf32, #tpu.memory_space<vmem>>) dst(%dma_wait3A_170 : memref<80x64xf32, #tpu.memory_space<hbm>>)
          tpu.yield
        }) : () -> ()
      } else {
      }
    } else {
    }
    %eq3A_95 = arith.constant 1 : i32
    %eq3A_96 = arith.cmpi eq, %arg0, %eq3A_95 : i32
    %convert_element_type3A_97 = arith.extui %eq3A_96 : i1 to i32
    %cond3A_98 = arith.constant 0 : i32
    %cond3A_99 = arith.cmpi ne, %convert_element_type3A_97, %cond3A_98 : i32
    scf.if %cond3A_99 {
      %lt3A_128 = arith.constant 15 : i32
      %lt3A_129 = arith.cmpi slt, %arg1, %lt3A_128 : i32
      %convert_element_type3A_130 = arith.extui %lt3A_129 : i1 to i32
      %cond3A_131 = arith.constant 0 : i32
      %cond3A_132 = arith.cmpi ne, %convert_element_type3A_130, %cond3A_131 : i32
      scf.if %cond3A_132 {
        %mul3A_138 = arith.constant 640 : i32
        %mul3A_139 = arith.muli %arg1, %mul3A_138 : i32
        "tpu.region"() ({
          %run_scoped3A = tpu.sem_alloc : memref<!tpu.dma_semaphore, #tpu.memory_space<semaphore_mem>>
          %dma_start3A = arith.constant 0 : i32
          %dma_start3A_158 = arith.constant 0 : i32
          %dma_start3A_159 = tpu.memref_slice %arg16[%dma_start3A, %dma_start3A_158] : memref<320x64xf32, #tpu.memory_space<vmem>> -> memref<320x64xf32, #tpu.memory_space<vmem>>
          %dma_start3A_160 = arith.constant 64 : i32
          %dma_start3A_161 = tpu.memref_slice %arg4[%mul3A_139, %dma_start3A_160] : memref<10000x128xf32, #tpu.memory_space<hbm>> -> memref<320x64xf32, #tpu.memory_space<hbm>>
          %dma_start3A_162 = arith.constant 0 : i32
          %dma_start3A_163 = arith.constant 0 : i32
          %dma_start3A_164 = tpu.memref_slice %arg16[%dma_start3A_162, %dma_start3A_163] : memref<320x64xf32, #tpu.memory_space<vmem>> -> memref<320x64xf32, #tpu.memory_space<vmem>>
          %dma_start3A_165 = arith.constant 64 : i32
          %dma_start3A_166 = tpu.memref_slice %arg4[%mul3A_139, %dma_start3A_165] : memref<10000x128xf32, #tpu.memory_space<hbm>> -> memref<320x64xf32, #tpu.memory_space<hbm>>
          tpu.enqueue_dma source(%dma_start3A_166 : memref<320x64xf32, #tpu.memory_space<hbm>>) target(%dma_start3A_164 : memref<320x64xf32, #tpu.memory_space<vmem>>) target_semaphore(%run_scoped3A : memref<!tpu.dma_semaphore, #tpu.memory_space<semaphore_mem>>)
          %dma_wait3A = arith.constant 0 : i32
          %dma_wait3A_167 = arith.constant 0 : i32
          %dma_wait3A_168 = tpu.memref_slice %arg16[%dma_wait3A, %dma_wait3A_167] : memref<320x64xf32, #tpu.memory_space<vmem>> -> memref<320x64xf32, #tpu.memory_space<vmem>>
          %dma_wait3A_169 = arith.constant 64 : i32
          %dma_wait3A_170 = tpu.memref_slice %arg4[%mul3A_139, %dma_wait3A_169] : memref<10000x128xf32, #tpu.memory_space<hbm>> -> memref<320x64xf32, #tpu.memory_space<hbm>>
          %dma_wait3A_171 = arith.constant 0 : i32
          %dma_wait3A_172 = arith.constant 0 : i32
          %dma_wait3A_173 = tpu.memref_slice %arg16[%dma_wait3A_171, %dma_wait3A_172] : memref<320x64xf32, #tpu.memory_space<vmem>> -> memref<320x64xf32, #tpu.memory_space<vmem>>
          %dma_wait3A_174 = arith.constant 64 : i32
          %dma_wait3A_175 = tpu.memref_slice %arg4[%mul3A_139, %dma_wait3A_174] : memref<10000x128xf32, #tpu.memory_space<hbm>> -> memref<320x64xf32, #tpu.memory_space<hbm>>
          tpu.wait_dma2 semaphore(%run_scoped3A : memref<!tpu.dma_semaphore, #tpu.memory_space<semaphore_mem>>) src(%dma_wait3A_175 : memref<320x64xf32, #tpu.memory_space<hbm>>) dst(%dma_wait3A_173 : memref<320x64xf32, #tpu.memory_space<vmem>>)
          tpu.yield
        }) : () -> ()
        %scan3A_140 = arith.constant 0 : i32
        %scan3A_141 = arith.constant 0 : i32
        %scan3A_142 = arith.constant 320 : i32
        %scan3A_143 = arith.addi %scan3A_141, %scan3A_142 : i32
        %scan3A_144 = arith.constant 1 : i32
        %scan3A_145 = scf.for %scan3A_158 = %scan3A_141 to %scan3A_143 step %scan3A_144 iter_args(%scan3A_159 = %scan3A_140) -> (i32)  : i32 {
          %add3A_160 = arith.constant 0 : i32
          %add3A_161 = arith.addi %add3A_160, %scan3A_158 : i32
          %get3A = arith.index_cast %add3A_161 : i32 to index
          %get3A_162 = memref.load %arg18[%get3A] : memref<640xf32, #tpu.memory_space<smem>>
          %broadcast_in_dim3A_163 = vector.broadcast %get3A_162 : f32 to vector<16xf32>
          %get3A_164 = arith.index_cast %scan3A_158 : i32 to index
          %get3A_165 = arith.constant 0 : index
          %get3A_166 = tpu.vector_load %arg16[%get3A_164, %get3A_165] {strides = array<i32>} : memref<320x64xf32, #tpu.memory_space<vmem>>, vector<1x16xf32>,
          %get3A_167 = vector.shape_cast %get3A_166 : vector<1x16xf32> to vector<16xf32>
          %mul3A_168 = arith.mulf %get3A_167, %broadcast_in_dim3A_163 : vector<16xf32>
          %swap3A_169 = arith.index_cast %scan3A_158 : i32 to index
          %swap3A_170 = arith.constant 0 : index
          %swap3A_171 = tpu.vector_load %arg16[%swap3A_169, %swap3A_170] {strides = array<i32>} : memref<320x64xf32, #tpu.memory_space<vmem>>, vector<1x16xf32>,
          %swap3A_172 = vector.shape_cast %swap3A_171 : vector<1x16xf32> to vector<16xf32>
          %swap3A_173 = vector.shape_cast %mul3A_168 : vector<16xf32> to vector<1x16xf32>
          tpu.vector_store %arg16[%swap3A_169, %swap3A_170], %swap3A_173 {strides = array<i32>} : memref<320x64xf32, #tpu.memory_space<vmem>>, vector<1x16xf32>,
          %get3A_174 = arith.index_cast %scan3A_158 : i32 to index
          %get3A_175 = arith.constant 16 : index
          %get3A_176 = tpu.vector_load %arg16[%get3A_174, %get3A_175] {strides = array<i32>} : memref<320x64xf32, #tpu.memory_space<vmem>>, vector<1x16xf32>,
          %get3A_177 = vector.shape_cast %get3A_176 : vector<1x16xf32> to vector<16xf32>
          %mul3A_178 = arith.mulf %get3A_177, %broadcast_in_dim3A_163 : vector<16xf32>
          %swap3A_179 = arith.index_cast %scan3A_158 : i32 to index
          %swap3A_180 = arith.constant 16 : index
          %swap3A_181 = tpu.vector_load %arg16[%swap3A_179, %swap3A_180] {strides = array<i32>} : memref<320x64xf32, #tpu.memory_space<vmem>>, vector<1x16xf32>,
          %swap3A_182 = vector.shape_cast %swap3A_181 : vector<1x16xf32> to vector<16xf32>
          %swap3A_183 = vector.shape_cast %mul3A_178 : vector<16xf32> to vector<1x16xf32>
          tpu.vector_store %arg16[%swap3A_179, %swap3A_180], %swap3A_183 {strides = array<i32>} : memref<320x64xf32, #tpu.memory_space<vmem>>, vector<1x16xf32>,
          %get3A_184 = arith.index_cast %scan3A_158 : i32 to index
          %get3A_185 = arith.constant 32 : index
          %get3A_186 = tpu.vector_load %arg16[%get3A_184, %get3A_185] {strides = array<i32>} : memref<320x64xf32, #tpu.memory_space<vmem>>, vector<1x16xf32>,
          %get3A_187 = vector.shape_cast %get3A_186 : vector<1x16xf32> to vector<16xf32>
          %mul3A_188 = arith.mulf %get3A_187, %broadcast_in_dim3A_163 : vector<16xf32>
          %swap3A_189 = arith.index_cast %scan3A_158 : i32 to index
          %swap3A_190 = arith.constant 32 : index
          %swap3A_191 = tpu.vector_load %arg16[%swap3A_189, %swap3A_190] {strides = array<i32>} : memref<320x64xf32, #tpu.memory_space<vmem>>, vector<1x16xf32>,
          %swap3A_192 = vector.shape_cast %swap3A_191 : vector<1x16xf32> to vector<16xf32>
          %swap3A_193 = vector.shape_cast %mul3A_188 : vector<16xf32> to vector<1x16xf32>
          tpu.vector_store %arg16[%swap3A_189, %swap3A_190], %swap3A_193 {strides = array<i32>} : memref<320x64xf32, #tpu.memory_space<vmem>>, vector<1x16xf32>,
          %get3A_194 = arith.index_cast %scan3A_158 : i32 to index
          %get3A_195 = arith.constant 48 : index
          %get3A_196 = tpu.vector_load %arg16[%get3A_194, %get3A_195] {strides = array<i32>} : memref<320x64xf32, #tpu.memory_space<vmem>>, vector<1x16xf32>,
          %get3A_197 = vector.shape_cast %get3A_196 : vector<1x16xf32> to vector<16xf32>
          %mul3A_198 = arith.mulf %get3A_197, %broadcast_in_dim3A_163 : vector<16xf32>
          %swap3A_199 = arith.index_cast %scan3A_158 : i32 to index
          %swap3A_200 = arith.constant 48 : index
          %swap3A_201 = tpu.vector_load %arg16[%swap3A_199, %swap3A_200] {strides = array<i32>} : memref<320x64xf32, #tpu.memory_space<vmem>>, vector<1x16xf32>,
          %swap3A_202 = vector.shape_cast %swap3A_201 : vector<1x16xf32> to vector<16xf32>
          %swap3A_203 = vector.shape_cast %mul3A_198 : vector<16xf32> to vector<1x16xf32>
          tpu.vector_store %arg16[%swap3A_199, %swap3A_200], %swap3A_203 {strides = array<i32>} : memref<320x64xf32, #tpu.memory_space<vmem>>, vector<1x16xf32>,
          %scan3A_204 = arith.constant 0 : i32
          scf.yield %scan3A_204 : i32
        }
        %scan3A_146 = arith.constant 320 : i32
        "tpu.region"() ({
          %run_scoped3A = tpu.sem_alloc : memref<!tpu.dma_semaphore, #tpu.memory_space<semaphore_mem>>
          %dma_start3A = arith.constant 0 : i32
          %dma_start3A_158 = arith.constant 0 : i32
          %dma_start3A_159 = tpu.memref_slice %arg16[%dma_start3A, %dma_start3A_158] : memref<320x64xf32, #tpu.memory_space<vmem>> -> memref<320x64xf32, #tpu.memory_space<vmem>>
          %dma_start3A_160 = arith.constant 0 : i32
          %dma_start3A_161 = tpu.memref_slice %arg10[%mul3A_139, %dma_start3A_160] : memref<10000x64xf32, #tpu.memory_space<hbm>> -> memref<320x64xf32, #tpu.memory_space<hbm>>
          %dma_start3A_162 = arith.constant 0 : i32
          %dma_start3A_163 = tpu.memref_slice %arg10[%mul3A_139, %dma_start3A_162] : memref<10000x64xf32, #tpu.memory_space<hbm>> -> memref<320x64xf32, #tpu.memory_space<hbm>>
          %dma_start3A_164 = arith.constant 0 : i32
          %dma_start3A_165 = arith.constant 0 : i32
          %dma_start3A_166 = tpu.memref_slice %arg16[%dma_start3A_164, %dma_start3A_165] : memref<320x64xf32, #tpu.memory_space<vmem>> -> memref<320x64xf32, #tpu.memory_space<vmem>>
          tpu.enqueue_dma source(%dma_start3A_166 : memref<320x64xf32, #tpu.memory_space<vmem>>) target(%dma_start3A_163 : memref<320x64xf32, #tpu.memory_space<hbm>>) target_semaphore(%run_scoped3A : memref<!tpu.dma_semaphore, #tpu.memory_space<semaphore_mem>>)
          %dma_wait3A = arith.constant 0 : i32
          %dma_wait3A_167 = arith.constant 0 : i32
          %dma_wait3A_168 = tpu.memref_slice %arg16[%dma_wait3A, %dma_wait3A_167] : memref<320x64xf32, #tpu.memory_space<vmem>> -> memref<320x64xf32, #tpu.memory_space<vmem>>
          %dma_wait3A_169 = arith.constant 0 : i32
          %dma_wait3A_170 = tpu.memref_slice %arg10[%mul3A_139, %dma_wait3A_169] : memref<10000x64xf32, #tpu.memory_space<hbm>> -> memref<320x64xf32, #tpu.memory_space<hbm>>
          %dma_wait3A_171 = arith.constant 0 : i32
          %dma_wait3A_172 = tpu.memref_slice %arg10[%mul3A_139, %dma_wait3A_171] : memref<10000x64xf32, #tpu.memory_space<hbm>> -> memref<320x64xf32, #tpu.memory_space<hbm>>
          %dma_wait3A_173 = arith.constant 0 : i32
          %dma_wait3A_174 = arith.constant 0 : i32
          %dma_wait3A_175 = tpu.memref_slice %arg16[%dma_wait3A_173, %dma_wait3A_174] : memref<320x64xf32, #tpu.memory_space<vmem>> -> memref<320x64xf32, #tpu.memory_space<vmem>>
          tpu.wait_dma2 semaphore(%run_scoped3A : memref<!tpu.dma_semaphore, #tpu.memory_space<semaphore_mem>>) src(%dma_wait3A_175 : memref<320x64xf32, #tpu.memory_space<vmem>>) dst(%dma_wait3A_172 : memref<320x64xf32, #tpu.memory_space<hbm>>)
          tpu.yield
        }) : () -> ()
        %mul3A_147 = arith.constant 640 : i32
        %mul3A_148 = arith.muli %arg1, %mul3A_147 : i32
        %add3A_149 = arith.constant 320 : i32
        %add3A_150 = arith.addi %mul3A_148, %add3A_149 : i32
        "tpu.region"() ({
          %run_scoped3A = tpu.sem_alloc : memref<!tpu.dma_semaphore, #tpu.memory_space<semaphore_mem>>
          %dma_start3A = arith.constant 0 : i32
          %dma_start3A_158 = arith.constant 0 : i32
          %dma_start3A_159 = tpu.memref_slice %arg16[%dma_start3A, %dma_start3A_158] : memref<320x64xf32, #tpu.memory_space<vmem>> -> memref<320x64xf32, #tpu.memory_space<vmem>>
          %dma_start3A_160 = arith.constant 64 : i32
          %dma_start3A_161 = tpu.memref_slice %arg4[%add3A_150, %dma_start3A_160] : memref<10000x128xf32, #tpu.memory_space<hbm>> -> memref<320x64xf32, #tpu.memory_space<hbm>>
          %dma_start3A_162 = arith.constant 0 : i32
          %dma_start3A_163 = arith.constant 0 : i32
          %dma_start3A_164 = tpu.memref_slice %arg16[%dma_start3A_162, %dma_start3A_163] : memref<320x64xf32, #tpu.memory_space<vmem>> -> memref<320x64xf32, #tpu.memory_space<vmem>>
          %dma_start3A_165 = arith.constant 64 : i32
          %dma_start3A_166 = tpu.memref_slice %arg4[%add3A_150, %dma_start3A_165] : memref<10000x128xf32, #tpu.memory_space<hbm>> -> memref<320x64xf32, #tpu.memory_space<hbm>>
          tpu.enqueue_dma source(%dma_start3A_166 : memref<320x64xf32, #tpu.memory_space<hbm>>) target(%dma_start3A_164 : memref<320x64xf32, #tpu.memory_space<vmem>>) target_semaphore(%run_scoped3A : memref<!tpu.dma_semaphore, #tpu.memory_space<semaphore_mem>>)
          %dma_wait3A = arith.constant 0 : i32
          %dma_wait3A_167 = arith.constant 0 : i32
          %dma_wait3A_168 = tpu.memref_slice %arg16[%dma_wait3A, %dma_wait3A_167] : memref<320x64xf32, #tpu.memory_space<vmem>> -> memref<320x64xf32, #tpu.memory_space<vmem>>
          %dma_wait3A_169 = arith.constant 64 : i32
          %dma_wait3A_170 = tpu.memref_slice %arg4[%add3A_150, %dma_wait3A_169] : memref<10000x128xf32, #tpu.memory_space<hbm>> -> memref<320x64xf32, #tpu.memory_space<hbm>>
          %dma_wait3A_171 = arith.constant 0 : i32
          %dma_wait3A_172 = arith.constant 0 : i32
          %dma_wait3A_173 = tpu.memref_slice %arg16[%dma_wait3A_171, %dma_wait3A_172] : memref<320x64xf32, #tpu.memory_space<vmem>> -> memref<320x64xf32, #tpu.memory_space<vmem>>
          %dma_wait3A_174 = arith.constant 64 : i32
          %dma_wait3A_175 = tpu.memref_slice %arg4[%add3A_150, %dma_wait3A_174] : memref<10000x128xf32, #tpu.memory_space<hbm>> -> memref<320x64xf32, #tpu.memory_space<hbm>>
          tpu.wait_dma2 semaphore(%run_scoped3A : memref<!tpu.dma_semaphore, #tpu.memory_space<semaphore_mem>>) src(%dma_wait3A_175 : memref<320x64xf32, #tpu.memory_space<hbm>>) dst(%dma_wait3A_173 : memref<320x64xf32, #tpu.memory_space<vmem>>)
          tpu.yield
        }) : () -> ()
        %scan3A_151 = arith.constant 0 : i32
        %scan3A_152 = arith.constant 0 : i32
        %scan3A_153 = arith.constant 320 : i32
        %scan3A_154 = arith.addi %scan3A_152, %scan3A_153 : i32
        %scan3A_155 = arith.constant 1 : i32
        %scan3A_156 = scf.for %scan3A_158 = %scan3A_152 to %scan3A_154 step %scan3A_155 iter_args(%scan3A_159 = %scan3A_151) -> (i32)  : i32 {
          %add3A_160 = arith.constant 320 : i32
          %add3A_161 = arith.addi %add3A_160, %scan3A_158 : i32
          %get3A = arith.index_cast %add3A_161 : i32 to index
          %get3A_162 = memref.load %arg18[%get3A] : memref<640xf32, #tpu.memory_space<smem>>
          %broadcast_in_dim3A_163 = vector.broadcast %get3A_162 : f32 to vector<16xf32>
          %get3A_164 = arith.index_cast %scan3A_158 : i32 to index
          %get3A_165 = arith.constant 0 : index
          %get3A_166 = tpu.vector_load %arg16[%get3A_164, %get3A_165] {strides = array<i32>} : memref<320x64xf32, #tpu.memory_space<vmem>>, vector<1x16xf32>,
          %get3A_167 = vector.shape_cast %get3A_166 : vector<1x16xf32> to vector<16xf32>
          %mul3A_168 = arith.mulf %get3A_167, %broadcast_in_dim3A_163 : vector<16xf32>
          %swap3A_169 = arith.index_cast %scan3A_158 : i32 to index
          %swap3A_170 = arith.constant 0 : index
          %swap3A_171 = tpu.vector_load %arg16[%swap3A_169, %swap3A_170] {strides = array<i32>} : memref<320x64xf32, #tpu.memory_space<vmem>>, vector<1x16xf32>,
          %swap3A_172 = vector.shape_cast %swap3A_171 : vector<1x16xf32> to vector<16xf32>
          %swap3A_173 = vector.shape_cast %mul3A_168 : vector<16xf32> to vector<1x16xf32>
          tpu.vector_store %arg16[%swap3A_169, %swap3A_170], %swap3A_173 {strides = array<i32>} : memref<320x64xf32, #tpu.memory_space<vmem>>, vector<1x16xf32>,
          %get3A_174 = arith.index_cast %scan3A_158 : i32 to index
          %get3A_175 = arith.constant 16 : index
          %get3A_176 = tpu.vector_load %arg16[%get3A_174, %get3A_175] {strides = array<i32>} : memref<320x64xf32, #tpu.memory_space<vmem>>, vector<1x16xf32>,
          %get3A_177 = vector.shape_cast %get3A_176 : vector<1x16xf32> to vector<16xf32>
          %mul3A_178 = arith.mulf %get3A_177, %broadcast_in_dim3A_163 : vector<16xf32>
          %swap3A_179 = arith.index_cast %scan3A_158 : i32 to index
          %swap3A_180 = arith.constant 16 : index
          %swap3A_181 = tpu.vector_load %arg16[%swap3A_179, %swap3A_180] {strides = array<i32>} : memref<320x64xf32, #tpu.memory_space<vmem>>, vector<1x16xf32>,
          %swap3A_182 = vector.shape_cast %swap3A_181 : vector<1x16xf32> to vector<16xf32>
          %swap3A_183 = vector.shape_cast %mul3A_178 : vector<16xf32> to vector<1x16xf32>
          tpu.vector_store %arg16[%swap3A_179, %swap3A_180], %swap3A_183 {strides = array<i32>} : memref<320x64xf32, #tpu.memory_space<vmem>>, vector<1x16xf32>,
          %get3A_184 = arith.index_cast %scan3A_158 : i32 to index
          %get3A_185 = arith.constant 32 : index
          %get3A_186 = tpu.vector_load %arg16[%get3A_184, %get3A_185] {strides = array<i32>} : memref<320x64xf32, #tpu.memory_space<vmem>>, vector<1x16xf32>,
          %get3A_187 = vector.shape_cast %get3A_186 : vector<1x16xf32> to vector<16xf32>
          %mul3A_188 = arith.mulf %get3A_187, %broadcast_in_dim3A_163 : vector<16xf32>
          %swap3A_189 = arith.index_cast %scan3A_158 : i32 to index
          %swap3A_190 = arith.constant 32 : index
          %swap3A_191 = tpu.vector_load %arg16[%swap3A_189, %swap3A_190] {strides = array<i32>} : memref<320x64xf32, #tpu.memory_space<vmem>>, vector<1x16xf32>,
          %swap3A_192 = vector.shape_cast %swap3A_191 : vector<1x16xf32> to vector<16xf32>
          %swap3A_193 = vector.shape_cast %mul3A_188 : vector<16xf32> to vector<1x16xf32>
          tpu.vector_store %arg16[%swap3A_189, %swap3A_190], %swap3A_193 {strides = array<i32>} : memref<320x64xf32, #tpu.memory_space<vmem>>, vector<1x16xf32>,
          %get3A_194 = arith.index_cast %scan3A_158 : i32 to index
          %get3A_195 = arith.constant 48 : index
          %get3A_196 = tpu.vector_load %arg16[%get3A_194, %get3A_195] {strides = array<i32>} : memref<320x64xf32, #tpu.memory_space<vmem>>, vector<1x16xf32>,
          %get3A_197 = vector.shape_cast %get3A_196 : vector<1x16xf32> to vector<16xf32>
          %mul3A_198 = arith.mulf %get3A_197, %broadcast_in_dim3A_163 : vector<16xf32>
          %swap3A_199 = arith.index_cast %scan3A_158 : i32 to index
          %swap3A_200 = arith.constant 48 : index
          %swap3A_201 = tpu.vector_load %arg16[%swap3A_199, %swap3A_200] {strides = array<i32>} : memref<320x64xf32, #tpu.memory_space<vmem>>, vector<1x16xf32>,
          %swap3A_202 = vector.shape_cast %swap3A_201 : vector<1x16xf32> to vector<16xf32>
          %swap3A_203 = vector.shape_cast %mul3A_198 : vector<16xf32> to vector<1x16xf32>
          tpu.vector_store %arg16[%swap3A_199, %swap3A_200], %swap3A_203 {strides = array<i32>} : memref<320x64xf32, #tpu.memory_space<vmem>>, vector<1x16xf32>,
          %scan3A_204 = arith.constant 0 : i32
          scf.yield %scan3A_204 : i32
        }
        %scan3A_157 = arith.constant 320 : i32
        "tpu.region"() ({
          %run_scoped3A = tpu.sem_alloc : memref<!tpu.dma_semaphore, #tpu.memory_space<semaphore_mem>>
          %dma_start3A = arith.constant 0 : i32
          %dma_start3A_158 = arith.constant 0 : i32
          %dma_start3A_159 = tpu.memref_slice %arg16[%dma_start3A, %dma_start3A_158] : memref<320x64xf32, #tpu.memory_space<vmem>> -> memref<320x64xf32, #tpu.memory_space<vmem>>
          %dma_start3A_160 = arith.constant 0 : i32
          %dma_start3A_161 = tpu.memref_slice %arg10[%add3A_150, %dma_start3A_160] : memref<10000x64xf32, #tpu.memory_space<hbm>> -> memref<320x64xf32, #tpu.memory_space<hbm>>
          %dma_start3A_162 = arith.constant 0 : i32
          %dma_start3A_163 = tpu.memref_slice %arg10[%add3A_150, %dma_start3A_162] : memref<10000x64xf32, #tpu.memory_space<hbm>> -> memref<320x64xf32, #tpu.memory_space<hbm>>
          %dma_start3A_164 = arith.constant 0 : i32
          %dma_start3A_165 = arith.constant 0 : i32
          %dma_start3A_166 = tpu.memref_slice %arg16[%dma_start3A_164, %dma_start3A_165] : memref<320x64xf32, #tpu.memory_space<vmem>> -> memref<320x64xf32, #tpu.memory_space<vmem>>
          tpu.enqueue_dma source(%dma_start3A_166 : memref<320x64xf32, #tpu.memory_space<vmem>>) target(%dma_start3A_163 : memref<320x64xf32, #tpu.memory_space<hbm>>) target_semaphore(%run_scoped3A : memref<!tpu.dma_semaphore, #tpu.memory_space<semaphore_mem>>)
          %dma_wait3A = arith.constant 0 : i32
          %dma_wait3A_167 = arith.constant 0 : i32
          %dma_wait3A_168 = tpu.memref_slice %arg16[%dma_wait3A, %dma_wait3A_167] : memref<320x64xf32, #tpu.memory_space<vmem>> -> memref<320x64xf32, #tpu.memory_space<vmem>>
          %dma_wait3A_169 = arith.constant 0 : i32
          %dma_wait3A_170 = tpu.memref_slice %arg10[%add3A_150, %dma_wait3A_169] : memref<10000x64xf32, #tpu.memory_space<hbm>> -> memref<320x64xf32, #tpu.memory_space<hbm>>
          %dma_wait3A_171 = arith.constant 0 : i32
          %dma_wait3A_172 = tpu.memref_slice %arg10[%add3A_150, %dma_wait3A_171] : memref<10000x64xf32, #tpu.memory_space<hbm>> -> memref<320x64xf32, #tpu.memory_space<hbm>>
          %dma_wait3A_173 = arith.constant 0 : i32
          %dma_wait3A_174 = arith.constant 0 : i32
          %dma_wait3A_175 = tpu.memref_slice %arg16[%dma_wait3A_173, %dma_wait3A_174] : memref<320x64xf32, #tpu.memory_space<vmem>> -> memref<320x64xf32, #tpu.memory_space<vmem>>
          tpu.wait_dma2 semaphore(%run_scoped3A : memref<!tpu.dma_semaphore, #tpu.memory_space<semaphore_mem>>) src(%dma_wait3A_175 : memref<320x64xf32, #tpu.memory_space<vmem>>) dst(%dma_wait3A_172 : memref<320x64xf32, #tpu.memory_space<hbm>>)
          tpu.yield
        }) : () -> ()
      } else {
      }
      %eq3A_133 = arith.constant 15 : i32
      %eq3A_134 = arith.cmpi eq, %arg1, %eq3A_133 : i32
      %convert_element_type3A_135 = arith.extui %eq3A_134 : i1 to i32
      %cond3A_136 = arith.constant 0 : i32
      %cond3A_137 = arith.cmpi ne, %convert_element_type3A_135, %cond3A_136 : i32
      scf.if %cond3A_137 {
        "tpu.region"() ({
          %run_scoped3A = tpu.sem_alloc : memref<!tpu.dma_semaphore, #tpu.memory_space<semaphore_mem>>
          %dma_start3A = arith.constant 0 : i32
          %dma_start3A_152 = arith.constant 0 : i32
          %dma_start3A_153 = tpu.memref_slice %arg16[%dma_start3A, %dma_start3A_152] : memref<320x64xf32, #tpu.memory_space<vmem>> -> memref<320x64xf32, #tpu.memory_space<vmem>>
          %dma_start3A_154 = arith.constant 9600 : i32
          %dma_start3A_155 = arith.constant 64 : i32
          %dma_start3A_156 = tpu.memref_slice %arg4[%dma_start3A_154, %dma_start3A_155] : memref<10000x128xf32, #tpu.memory_space<hbm>> -> memref<320x64xf32, #tpu.memory_space<hbm>>
          %dma_start3A_157 = arith.constant 0 : i32
          %dma_start3A_158 = arith.constant 0 : i32
          %dma_start3A_159 = tpu.memref_slice %arg16[%dma_start3A_157, %dma_start3A_158] : memref<320x64xf32, #tpu.memory_space<vmem>> -> memref<320x64xf32, #tpu.memory_space<vmem>>
          %dma_start3A_160 = arith.constant 9600 : i32
          %dma_start3A_161 = arith.constant 64 : i32
          %dma_start3A_162 = tpu.memref_slice %arg4[%dma_start3A_160, %dma_start3A_161] : memref<10000x128xf32, #tpu.memory_space<hbm>> -> memref<320x64xf32, #tpu.memory_space<hbm>>
          tpu.enqueue_dma source(%dma_start3A_162 : memref<320x64xf32, #tpu.memory_space<hbm>>) target(%dma_start3A_159 : memref<320x64xf32, #tpu.memory_space<vmem>>) target_semaphore(%run_scoped3A : memref<!tpu.dma_semaphore, #tpu.memory_space<semaphore_mem>>)
          %dma_wait3A = arith.constant 0 : i32
          %dma_wait3A_163 = arith.constant 0 : i32
          %dma_wait3A_164 = tpu.memref_slice %arg16[%dma_wait3A, %dma_wait3A_163] : memref<320x64xf32, #tpu.memory_space<vmem>> -> memref<320x64xf32, #tpu.memory_space<vmem>>
          %dma_wait3A_165 = arith.constant 9600 : i32
          %dma_wait3A_166 = arith.constant 64 : i32
          %dma_wait3A_167 = tpu.memref_slice %arg4[%dma_wait3A_165, %dma_wait3A_166] : memref<10000x128xf32, #tpu.memory_space<hbm>> -> memref<320x64xf32, #tpu.memory_space<hbm>>
          %dma_wait3A_168 = arith.constant 0 : i32
          %dma_wait3A_169 = arith.constant 0 : i32
          %dma_wait3A_170 = tpu.memref_slice %arg16[%dma_wait3A_168, %dma_wait3A_169] : memref<320x64xf32, #tpu.memory_space<vmem>> -> memref<320x64xf32, #tpu.memory_space<vmem>>
          %dma_wait3A_171 = arith.constant 9600 : i32
          %dma_wait3A_172 = arith.constant 64 : i32
          %dma_wait3A_173 = tpu.memref_slice %arg4[%dma_wait3A_171, %dma_wait3A_172] : memref<10000x128xf32, #tpu.memory_space<hbm>> -> memref<320x64xf32, #tpu.memory_space<hbm>>
          tpu.wait_dma2 semaphore(%run_scoped3A : memref<!tpu.dma_semaphore, #tpu.memory_space<semaphore_mem>>) src(%dma_wait3A_173 : memref<320x64xf32, #tpu.memory_space<hbm>>) dst(%dma_wait3A_170 : memref<320x64xf32, #tpu.memory_space<vmem>>)
          tpu.yield
        }) : () -> ()
        %scan3A_138 = arith.constant 0 : i32
        %scan3A_139 = arith.constant 0 : i32
        %scan3A_140 = arith.constant 320 : i32
        %scan3A_141 = arith.addi %scan3A_139, %scan3A_140 : i32
        %scan3A_142 = arith.constant 1 : i32
        %scan3A_143 = scf.for %scan3A_152 = %scan3A_139 to %scan3A_141 step %scan3A_142 iter_args(%scan3A_153 = %scan3A_138) -> (i32)  : i32 {
          %add3A_154 = arith.constant 0 : i32
          %add3A_155 = arith.addi %add3A_154, %scan3A_152 : i32
          %get3A = arith.index_cast %add3A_155 : i32 to index
          %get3A_156 = memref.load %arg18[%get3A] : memref<640xf32, #tpu.memory_space<smem>>
          %broadcast_in_dim3A_157 = vector.broadcast %get3A_156 : f32 to vector<16xf32>
          %get3A_158 = arith.index_cast %scan3A_152 : i32 to index
          %get3A_159 = arith.constant 0 : index
          %get3A_160 = tpu.vector_load %arg16[%get3A_158, %get3A_159] {strides = array<i32>} : memref<320x64xf32, #tpu.memory_space<vmem>>, vector<1x16xf32>,
          %get3A_161 = vector.shape_cast %get3A_160 : vector<1x16xf32> to vector<16xf32>
          %mul3A_162 = arith.mulf %get3A_161, %broadcast_in_dim3A_157 : vector<16xf32>
          %swap3A_163 = arith.index_cast %scan3A_152 : i32 to index
          %swap3A_164 = arith.constant 0 : index
          %swap3A_165 = tpu.vector_load %arg16[%swap3A_163, %swap3A_164] {strides = array<i32>} : memref<320x64xf32, #tpu.memory_space<vmem>>, vector<1x16xf32>,
          %swap3A_166 = vector.shape_cast %swap3A_165 : vector<1x16xf32> to vector<16xf32>
          %swap3A_167 = vector.shape_cast %mul3A_162 : vector<16xf32> to vector<1x16xf32>
          tpu.vector_store %arg16[%swap3A_163, %swap3A_164], %swap3A_167 {strides = array<i32>} : memref<320x64xf32, #tpu.memory_space<vmem>>, vector<1x16xf32>,
          %get3A_168 = arith.index_cast %scan3A_152 : i32 to index
          %get3A_169 = arith.constant 16 : index
          %get3A_170 = tpu.vector_load %arg16[%get3A_168, %get3A_169] {strides = array<i32>} : memref<320x64xf32, #tpu.memory_space<vmem>>, vector<1x16xf32>,
          %get3A_171 = vector.shape_cast %get3A_170 : vector<1x16xf32> to vector<16xf32>
          %mul3A_172 = arith.mulf %get3A_171, %broadcast_in_dim3A_157 : vector<16xf32>
          %swap3A_173 = arith.index_cast %scan3A_152 : i32 to index
          %swap3A_174 = arith.constant 16 : index
          %swap3A_175 = tpu.vector_load %arg16[%swap3A_173, %swap3A_174] {strides = array<i32>} : memref<320x64xf32, #tpu.memory_space<vmem>>, vector<1x16xf32>,
          %swap3A_176 = vector.shape_cast %swap3A_175 : vector<1x16xf32> to vector<16xf32>
          %swap3A_177 = vector.shape_cast %mul3A_172 : vector<16xf32> to vector<1x16xf32>
          tpu.vector_store %arg16[%swap3A_173, %swap3A_174], %swap3A_177 {strides = array<i32>} : memref<320x64xf32, #tpu.memory_space<vmem>>, vector<1x16xf32>,
          %get3A_178 = arith.index_cast %scan3A_152 : i32 to index
          %get3A_179 = arith.constant 32 : index
          %get3A_180 = tpu.vector_load %arg16[%get3A_178, %get3A_179] {strides = array<i32>} : memref<320x64xf32, #tpu.memory_space<vmem>>, vector<1x16xf32>,
          %get3A_181 = vector.shape_cast %get3A_180 : vector<1x16xf32> to vector<16xf32>
          %mul3A_182 = arith.mulf %get3A_181, %broadcast_in_dim3A_157 : vector<16xf32>
          %swap3A_183 = arith.index_cast %scan3A_152 : i32 to index
          %swap3A_184 = arith.constant 32 : index
          %swap3A_185 = tpu.vector_load %arg16[%swap3A_183, %swap3A_184] {strides = array<i32>} : memref<320x64xf32, #tpu.memory_space<vmem>>, vector<1x16xf32>,
          %swap3A_186 = vector.shape_cast %swap3A_185 : vector<1x16xf32> to vector<16xf32>
          %swap3A_187 = vector.shape_cast %mul3A_182 : vector<16xf32> to vector<1x16xf32>
          tpu.vector_store %arg16[%swap3A_183, %swap3A_184], %swap3A_187 {strides = array<i32>} : memref<320x64xf32, #tpu.memory_space<vmem>>, vector<1x16xf32>,
          %get3A_188 = arith.index_cast %scan3A_152 : i32 to index
          %get3A_189 = arith.constant 48 : index
          %get3A_190 = tpu.vector_load %arg16[%get3A_188, %get3A_189] {strides = array<i32>} : memref<320x64xf32, #tpu.memory_space<vmem>>, vector<1x16xf32>,
          %get3A_191 = vector.shape_cast %get3A_190 : vector<1x16xf32> to vector<16xf32>
          %mul3A_192 = arith.mulf %get3A_191, %broadcast_in_dim3A_157 : vector<16xf32>
          %swap3A_193 = arith.index_cast %scan3A_152 : i32 to index
          %swap3A_194 = arith.constant 48 : index
          %swap3A_195 = tpu.vector_load %arg16[%swap3A_193, %swap3A_194] {strides = array<i32>} : memref<320x64xf32, #tpu.memory_space<vmem>>, vector<1x16xf32>,
          %swap3A_196 = vector.shape_cast %swap3A_195 : vector<1x16xf32> to vector<16xf32>
          %swap3A_197 = vector.shape_cast %mul3A_192 : vector<16xf32> to vector<1x16xf32>
          tpu.vector_store %arg16[%swap3A_193, %swap3A_194], %swap3A_197 {strides = array<i32>} : memref<320x64xf32, #tpu.memory_space<vmem>>, vector<1x16xf32>,
          %scan3A_198 = arith.constant 0 : i32
          scf.yield %scan3A_198 : i32
        }
        %scan3A_144 = arith.constant 320 : i32
        "tpu.region"() ({
          %run_scoped3A = tpu.sem_alloc : memref<!tpu.dma_semaphore, #tpu.memory_space<semaphore_mem>>
          %dma_start3A = arith.constant 0 : i32
          %dma_start3A_152 = arith.constant 0 : i32
          %dma_start3A_153 = tpu.memref_slice %arg16[%dma_start3A, %dma_start3A_152] : memref<320x64xf32, #tpu.memory_space<vmem>> -> memref<320x64xf32, #tpu.memory_space<vmem>>
          %dma_start3A_154 = arith.constant 9600 : i32
          %dma_start3A_155 = arith.constant 0 : i32
          %dma_start3A_156 = tpu.memref_slice %arg10[%dma_start3A_154, %dma_start3A_155] : memref<10000x64xf32, #tpu.memory_space<hbm>> -> memref<320x64xf32, #tpu.memory_space<hbm>>
          %dma_start3A_157 = arith.constant 9600 : i32
          %dma_start3A_158 = arith.constant 0 : i32
          %dma_start3A_159 = tpu.memref_slice %arg10[%dma_start3A_157, %dma_start3A_158] : memref<10000x64xf32, #tpu.memory_space<hbm>> -> memref<320x64xf32, #tpu.memory_space<hbm>>
          %dma_start3A_160 = arith.constant 0 : i32
          %dma_start3A_161 = arith.constant 0 : i32
          %dma_start3A_162 = tpu.memref_slice %arg16[%dma_start3A_160, %dma_start3A_161] : memref<320x64xf32, #tpu.memory_space<vmem>> -> memref<320x64xf32, #tpu.memory_space<vmem>>
          tpu.enqueue_dma source(%dma_start3A_162 : memref<320x64xf32, #tpu.memory_space<vmem>>) target(%dma_start3A_159 : memref<320x64xf32, #tpu.memory_space<hbm>>) target_semaphore(%run_scoped3A : memref<!tpu.dma_semaphore, #tpu.memory_space<semaphore_mem>>)
          %dma_wait3A = arith.constant 0 : i32
          %dma_wait3A_163 = arith.constant 0 : i32
          %dma_wait3A_164 = tpu.memref_slice %arg16[%dma_wait3A, %dma_wait3A_163] : memref<320x64xf32, #tpu.memory_space<vmem>> -> memref<320x64xf32, #tpu.memory_space<vmem>>
          %dma_wait3A_165 = arith.constant 9600 : i32
          %dma_wait3A_166 = arith.constant 0 : i32
          %dma_wait3A_167 = tpu.memref_slice %arg10[%dma_wait3A_165, %dma_wait3A_166] : memref<10000x64xf32, #tpu.memory_space<hbm>> -> memref<320x64xf32, #tpu.memory_space<hbm>>
          %dma_wait3A_168 = arith.constant 9600 : i32
          %dma_wait3A_169 = arith.constant 0 : i32
          %dma_wait3A_170 = tpu.memref_slice %arg10[%dma_wait3A_168, %dma_wait3A_169] : memref<10000x64xf32, #tpu.memory_space<hbm>> -> memref<320x64xf32, #tpu.memory_space<hbm>>
          %dma_wait3A_171 = arith.constant 0 : i32
          %dma_wait3A_172 = arith.constant 0 : i32
          %dma_wait3A_173 = tpu.memref_slice %arg16[%dma_wait3A_171, %dma_wait3A_172] : memref<320x64xf32, #tpu.memory_space<vmem>> -> memref<320x64xf32, #tpu.memory_space<vmem>>
          tpu.wait_dma2 semaphore(%run_scoped3A : memref<!tpu.dma_semaphore, #tpu.memory_space<semaphore_mem>>) src(%dma_wait3A_173 : memref<320x64xf32, #tpu.memory_space<vmem>>) dst(%dma_wait3A_170 : memref<320x64xf32, #tpu.memory_space<hbm>>)
          tpu.yield
        }) : () -> ()
        "tpu.region"() ({
          %run_scoped3A = tpu.sem_alloc : memref<!tpu.dma_semaphore, #tpu.memory_space<semaphore_mem>>
          %dma_start3A = arith.constant 0 : i32
          %dma_start3A_152 = arith.constant 0 : i32
          %dma_start3A_153 = tpu.memref_slice %arg16[%dma_start3A, %dma_start3A_152] : memref<320x64xf32, #tpu.memory_space<vmem>> -> memref<80x64xf32, #tpu.memory_space<vmem>>
          %dma_start3A_154 = arith.constant 9920 : i32
          %dma_start3A_155 = arith.constant 64 : i32
          %dma_start3A_156 = tpu.memref_slice %arg4[%dma_start3A_154, %dma_start3A_155] : memref<10000x128xf32, #tpu.memory_space<hbm>> -> memref<80x64xf32, #tpu.memory_space<hbm>>
          %dma_start3A_157 = arith.constant 0 : i32
          %dma_start3A_158 = arith.constant 0 : i32
          %dma_start3A_159 = tpu.memref_slice %arg16[%dma_start3A_157, %dma_start3A_158] : memref<320x64xf32, #tpu.memory_space<vmem>> -> memref<80x64xf32, #tpu.memory_space<vmem>>
          %dma_start3A_160 = arith.constant 9920 : i32
          %dma_start3A_161 = arith.constant 64 : i32
          %dma_start3A_162 = tpu.memref_slice %arg4[%dma_start3A_160, %dma_start3A_161] : memref<10000x128xf32, #tpu.memory_space<hbm>> -> memref<80x64xf32, #tpu.memory_space<hbm>>
          tpu.enqueue_dma source(%dma_start3A_162 : memref<80x64xf32, #tpu.memory_space<hbm>>) target(%dma_start3A_159 : memref<80x64xf32, #tpu.memory_space<vmem>>) target_semaphore(%run_scoped3A : memref<!tpu.dma_semaphore, #tpu.memory_space<semaphore_mem>>)
          %dma_wait3A = arith.constant 0 : i32
          %dma_wait3A_163 = arith.constant 0 : i32
          %dma_wait3A_164 = tpu.memref_slice %arg16[%dma_wait3A, %dma_wait3A_163] : memref<320x64xf32, #tpu.memory_space<vmem>> -> memref<80x64xf32, #tpu.memory_space<vmem>>
          %dma_wait3A_165 = arith.constant 9920 : i32
          %dma_wait3A_166 = arith.constant 64 : i32
          %dma_wait3A_167 = tpu.memref_slice %arg4[%dma_wait3A_165, %dma_wait3A_166] : memref<10000x128xf32, #tpu.memory_space<hbm>> -> memref<80x64xf32, #tpu.memory_space<hbm>>
          %dma_wait3A_168 = arith.constant 0 : i32
          %dma_wait3A_169 = arith.constant 0 : i32
          %dma_wait3A_170 = tpu.memref_slice %arg16[%dma_wait3A_168, %dma_wait3A_169] : memref<320x64xf32, #tpu.memory_space<vmem>> -> memref<80x64xf32, #tpu.memory_space<vmem>>
          %dma_wait3A_171 = arith.constant 9920 : i32
          %dma_wait3A_172 = arith.constant 64 : i32
          %dma_wait3A_173 = tpu.memref_slice %arg4[%dma_wait3A_171, %dma_wait3A_172] : memref<10000x128xf32, #tpu.memory_space<hbm>> -> memref<80x64xf32, #tpu.memory_space<hbm>>
          tpu.wait_dma2 semaphore(%run_scoped3A : memref<!tpu.dma_semaphore, #tpu.memory_space<semaphore_mem>>) src(%dma_wait3A_173 : memref<80x64xf32, #tpu.memory_space<hbm>>) dst(%dma_wait3A_170 : memref<80x64xf32, #tpu.memory_space<vmem>>)
          tpu.yield
        }) : () -> ()
        %scan3A_145 = arith.constant 0 : i32
        %scan3A_146 = arith.constant 0 : i32
        %scan3A_147 = arith.constant 80 : i32
        %scan3A_148 = arith.addi %scan3A_146, %scan3A_147 : i32
        %scan3A_149 = arith.constant 1 : i32
        %scan3A_150 = scf.for %scan3A_152 = %scan3A_146 to %scan3A_148 step %scan3A_149 iter_args(%scan3A_153 = %scan3A_145) -> (i32)  : i32 {
          %add3A_154 = arith.constant 320 : i32
          %add3A_155 = arith.addi %add3A_154, %scan3A_152 : i32
          %get3A = arith.index_cast %add3A_155 : i32 to index
          %get3A_156 = memref.load %arg18[%get3A] : memref<640xf32, #tpu.memory_space<smem>>
          %broadcast_in_dim3A_157 = vector.broadcast %get3A_156 : f32 to vector<16xf32>
          %get3A_158 = arith.index_cast %scan3A_152 : i32 to index
          %get3A_159 = arith.constant 0 : index
          %get3A_160 = tpu.vector_load %arg16[%get3A_158, %get3A_159] {strides = array<i32>} : memref<320x64xf32, #tpu.memory_space<vmem>>, vector<1x16xf32>,
          %get3A_161 = vector.shape_cast %get3A_160 : vector<1x16xf32> to vector<16xf32>
          %mul3A_162 = arith.mulf %get3A_161, %broadcast_in_dim3A_157 : vector<16xf32>
          %swap3A_163 = arith.index_cast %scan3A_152 : i32 to index
          %swap3A_164 = arith.constant 0 : index
          %swap3A_165 = tpu.vector_load %arg16[%swap3A_163, %swap3A_164] {strides = array<i32>} : memref<320x64xf32, #tpu.memory_space<vmem>>, vector<1x16xf32>,
          %swap3A_166 = vector.shape_cast %swap3A_165 : vector<1x16xf32> to vector<16xf32>
          %swap3A_167 = vector.shape_cast %mul3A_162 : vector<16xf32> to vector<1x16xf32>
          tpu.vector_store %arg16[%swap3A_163, %swap3A_164], %swap3A_167 {strides = array<i32>} : memref<320x64xf32, #tpu.memory_space<vmem>>, vector<1x16xf32>,
          %get3A_168 = arith.index_cast %scan3A_152 : i32 to index
          %get3A_169 = arith.constant 16 : index
          %get3A_170 = tpu.vector_load %arg16[%get3A_168, %get3A_169] {strides = array<i32>} : memref<320x64xf32, #tpu.memory_space<vmem>>, vector<1x16xf32>,
          %get3A_171 = vector.shape_cast %get3A_170 : vector<1x16xf32> to vector<16xf32>
          %mul3A_172 = arith.mulf %get3A_171, %broadcast_in_dim3A_157 : vector<16xf32>
          %swap3A_173 = arith.index_cast %scan3A_152 : i32 to index
          %swap3A_174 = arith.constant 16 : index
          %swap3A_175 = tpu.vector_load %arg16[%swap3A_173, %swap3A_174] {strides = array<i32>} : memref<320x64xf32, #tpu.memory_space<vmem>>, vector<1x16xf32>,
          %swap3A_176 = vector.shape_cast %swap3A_175 : vector<1x16xf32> to vector<16xf32>
          %swap3A_177 = vector.shape_cast %mul3A_172 : vector<16xf32> to vector<1x16xf32>
          tpu.vector_store %arg16[%swap3A_173, %swap3A_174], %swap3A_177 {strides = array<i32>} : memref<320x64xf32, #tpu.memory_space<vmem>>, vector<1x16xf32>,
          %get3A_178 = arith.index_cast %scan3A_152 : i32 to index
          %get3A_179 = arith.constant 32 : index
          %get3A_180 = tpu.vector_load %arg16[%get3A_178, %get3A_179] {strides = array<i32>} : memref<320x64xf32, #tpu.memory_space<vmem>>, vector<1x16xf32>,
          %get3A_181 = vector.shape_cast %get3A_180 : vector<1x16xf32> to vector<16xf32>
          %mul3A_182 = arith.mulf %get3A_181, %broadcast_in_dim3A_157 : vector<16xf32>
          %swap3A_183 = arith.index_cast %scan3A_152 : i32 to index
          %swap3A_184 = arith.constant 32 : index
          %swap3A_185 = tpu.vector_load %arg16[%swap3A_183, %swap3A_184] {strides = array<i32>} : memref<320x64xf32, #tpu.memory_space<vmem>>, vector<1x16xf32>,
          %swap3A_186 = vector.shape_cast %swap3A_185 : vector<1x16xf32> to vector<16xf32>
          %swap3A_187 = vector.shape_cast %mul3A_182 : vector<16xf32> to vector<1x16xf32>
          tpu.vector_store %arg16[%swap3A_183, %swap3A_184], %swap3A_187 {strides = array<i32>} : memref<320x64xf32, #tpu.memory_space<vmem>>, vector<1x16xf32>,
          %get3A_188 = arith.index_cast %scan3A_152 : i32 to index
          %get3A_189 = arith.constant 48 : index
          %get3A_190 = tpu.vector_load %arg16[%get3A_188, %get3A_189] {strides = array<i32>} : memref<320x64xf32, #tpu.memory_space<vmem>>, vector<1x16xf32>,
          %get3A_191 = vector.shape_cast %get3A_190 : vector<1x16xf32> to vector<16xf32>
          %mul3A_192 = arith.mulf %get3A_191, %broadcast_in_dim3A_157 : vector<16xf32>
          %swap3A_193 = arith.index_cast %scan3A_152 : i32 to index
          %swap3A_194 = arith.constant 48 : index
          %swap3A_195 = tpu.vector_load %arg16[%swap3A_193, %swap3A_194] {strides = array<i32>} : memref<320x64xf32, #tpu.memory_space<vmem>>, vector<1x16xf32>,
          %swap3A_196 = vector.shape_cast %swap3A_195 : vector<1x16xf32> to vector<16xf32>
          %swap3A_197 = vector.shape_cast %mul3A_192 : vector<16xf32> to vector<1x16xf32>
          tpu.vector_store %arg16[%swap3A_193, %swap3A_194], %swap3A_197 {strides = array<i32>} : memref<320x64xf32, #tpu.memory_space<vmem>>, vector<1x16xf32>,
          %scan3A_198 = arith.constant 0 : i32
          scf.yield %scan3A_198 : i32
        }
        %scan3A_151 = arith.constant 80 : i32
        "tpu.region"() ({
          %run_scoped3A = tpu.sem_alloc : memref<!tpu.dma_semaphore, #tpu.memory_space<semaphore_mem>>
          %dma_start3A = arith.constant 0 : i32
          %dma_start3A_152 = arith.constant 0 : i32
          %dma_start3A_153 = tpu.memref_slice %arg16[%dma_start3A, %dma_start3A_152] : memref<320x64xf32, #tpu.memory_space<vmem>> -> memref<80x64xf32, #tpu.memory_space<vmem>>
          %dma_start3A_154 = arith.constant 9920 : i32
          %dma_start3A_155 = arith.constant 0 : i32
          %dma_start3A_156 = tpu.memref_slice %arg10[%dma_start3A_154, %dma_start3A_155] : memref<10000x64xf32, #tpu.memory_space<hbm>> -> memref<80x64xf32, #tpu.memory_space<hbm>>
          %dma_start3A_157 = arith.constant 9920 : i32
          %dma_start3A_158 = arith.constant 0 : i32
          %dma_start3A_159 = tpu.memref_slice %arg10[%dma_start3A_157, %dma_start3A_158] : memref<10000x64xf32, #tpu.memory_space<hbm>> -> memref<80x64xf32, #tpu.memory_space<hbm>>
          %dma_start3A_160 = arith.constant 0 : i32
          %dma_start3A_161 = arith.constant 0 : i32
          %dma_start3A_162 = tpu.memref_slice %arg16[%dma_start3A_160, %dma_start3A_161] : memref<320x64xf32, #tpu.memory_space<vmem>> -> memref<80x64xf32, #tpu.memory_space<vmem>>
          tpu.enqueue_dma source(%dma_start3A_162 : memref<80x64xf32, #tpu.memory_space<vmem>>) target(%dma_start3A_159 : memref<80x64xf32, #tpu.memory_space<hbm>>) target_semaphore(%run_scoped3A : memref<!tpu.dma_semaphore, #tpu.memory_space<semaphore_mem>>)
          %dma_wait3A = arith.constant 0 : i32
          %dma_wait3A_163 = arith.constant 0 : i32
          %dma_wait3A_164 = tpu.memref_slice %arg16[%dma_wait3A, %dma_wait3A_163] : memref<320x64xf32, #tpu.memory_space<vmem>> -> memref<80x64xf32, #tpu.memory_space<vmem>>
          %dma_wait3A_165 = arith.constant 9920 : i32
          %dma_wait3A_166 = arith.constant 0 : i32
          %dma_wait3A_167 = tpu.memref_slice %arg10[%dma_wait3A_165, %dma_wait3A_166] : memref<10000x64xf32, #tpu.memory_space<hbm>> -> memref<80x64xf32, #tpu.memory_space<hbm>>
          %dma_wait3A_168 = arith.constant 9920 : i32
          %dma_wait3A_169 = arith.constant 0 : i32
          %dma_wait3A_170 = tpu.memref_slice %arg10[%dma_wait3A_168, %dma_wait3A_169] : memref<10000x64xf32, #tpu.memory_space<hbm>> -> memref<80x64xf32, #tpu.memory_space<hbm>>
          %dma_wait3A_171 = arith.constant 0 : i32
          %dma_wait3A_172 = arith.constant 0 : i32
          %dma_wait3A_173 = tpu.memref_slice %arg16[%dma_wait3A_171, %dma_wait3A_172] : memref<320x64xf32, #tpu.memory_space<vmem>> -> memref<80x64xf32, #tpu.memory_space<vmem>>
          tpu.wait_dma2 semaphore(%run_scoped3A : memref<!tpu.dma_semaphore, #tpu.memory_space<semaphore_mem>>) src(%dma_wait3A_173 : memref<80x64xf32, #tpu.memory_space<vmem>>) dst(%dma_wait3A_170 : memref<80x64xf32, #tpu.memory_space<hbm>>)
          tpu.yield
        }) : () -> ()
      } else {
      }
    } else {
    }
    %barrier3A_100 = arith.constant 0 : index
    tpu.barrier barrier_id(%barrier3A_100)
    %eq3A_101 = arith.constant 0 : i32
    %eq3A_102 = arith.cmpi eq, %arg0, %eq3A_101 : i32
    %convert_element_type3A_103 = arith.extui %eq3A_102 : i1 to i32
    %cond3A_104 = arith.constant 0 : i32
    %cond3A_105 = arith.cmpi ne, %convert_element_type3A_103, %cond3A_104 : i32
    scf.if %cond3A_105 {
      %dma_start3A = arith.constant 0 : i32
      %dma_start3A_128 = arith.constant 0 : i32
      %dma_start3A_129 = tpu.memref_slice %arg11[%dma_start3A, %dma_start3A_128] : memref<250x80xi32, #tpu.memory_space<vmem>> -> memref<1x80xi32, #tpu.memory_space<vmem>>
      %dma_start3A_130 = tpu.memref_squeeze %dma_start3A_129 : memref<1x80xi32, #tpu.memory_space<vmem>> -> memref<80xi32, #tpu.memory_space<vmem>>
      %dma_start3A_131 = arith.constant 0 : i32
      %dma_start3A_132 = arith.constant 0 : i32
      %dma_start3A_133 = tpu.memref_slice %arg9[%dma_start3A_131, %dma_start3A_132] : memref<10000x64xf32, #tpu.memory_space<hbm>> -> memref<10000x64xf32, #tpu.memory_space<hbm>>
      tpu.enqueue_indirect_dma source(%dma_start3A_133 : memref<10000x64xf32, #tpu.memory_space<hbm>>) target(%arg13 : memref<80x64xf32, #tpu.memory_space<vmem>>) offsets(%dma_start3A_130 : memref<80xi32, #tpu.memory_space<vmem>>) semaphore(%arg23 : memref<!tpu.dma_semaphore, #tpu.memory_space<semaphore_mem>>)
    } else {
    }
    %eq3A_106 = arith.constant 1 : i32
    %eq3A_107 = arith.cmpi eq, %arg0, %eq3A_106 : i32
    %convert_element_type3A_108 = arith.extui %eq3A_107 : i1 to i32
    %cond3A_109 = arith.constant 0 : i32
    %cond3A_110 = arith.cmpi ne, %convert_element_type3A_108, %cond3A_109 : i32
    scf.if %cond3A_110 {
      %dma_start3A = arith.constant 0 : i32
      %dma_start3A_128 = arith.constant 0 : i32
      %dma_start3A_129 = tpu.memref_slice %arg11[%dma_start3A, %dma_start3A_128] : memref<250x80xi32, #tpu.memory_space<vmem>> -> memref<1x80xi32, #tpu.memory_space<vmem>>
      %dma_start3A_130 = tpu.memref_squeeze %dma_start3A_129 : memref<1x80xi32, #tpu.memory_space<vmem>> -> memref<80xi32, #tpu.memory_space<vmem>>
      %dma_start3A_131 = arith.constant 0 : i32
      %dma_start3A_132 = arith.constant 0 : i32
      %dma_start3A_133 = tpu.memref_slice %arg10[%dma_start3A_131, %dma_start3A_132] : memref<10000x64xf32, #tpu.memory_space<hbm>> -> memref<10000x64xf32, #tpu.memory_space<hbm>>
      tpu.enqueue_indirect_dma source(%dma_start3A_133 : memref<10000x64xf32, #tpu.memory_space<hbm>>) target(%arg13 : memref<80x64xf32, #tpu.memory_space<vmem>>) offsets(%dma_start3A_130 : memref<80xi32, #tpu.memory_space<vmem>>) semaphore(%arg23 : memref<!tpu.dma_semaphore, #tpu.memory_space<semaphore_mem>>)
    } else {
    }
    %scan3A_111 = arith.constant 0 : i32
    %scan3A_112 = arith.constant 0 : i32
    %scan3A_113 = arith.constant 125 : i32
    %scan3A_114 = arith.addi %scan3A_112, %scan3A_113 : i32
    %scan3A_115 = arith.constant 1 : i32
    %scan3A_116 = scf.for %scan3A_128 = %scan3A_112 to %scan3A_114 step %scan3A_115 iter_args(%scan3A_129 = %scan3A_111) -> (i32)  : i32 {
      %mul3A_130 = arith.constant 2 : i32
      %mul3A_131 = arith.muli %mul3A_130, %scan3A_128 : i32
      %mul3A_132 = arith.constant 2 : i32
      %mul3A_133 = arith.muli %mul3A_132, %scan3A_128 : i32
      %add3A_134 = arith.constant 1 : i32
      %add3A_135 = arith.addi %mul3A_133, %add3A_134 : i32
      %add3A_136 = arith.addi %mul3A_131, %arg0 : i32
      %eq3A_137 = arith.constant 0 : i32
      %eq3A_138 = arith.cmpi eq, %arg0, %eq3A_137 : i32
      %convert_element_type3A_139 = arith.extui %eq3A_138 : i1 to i32
      %cond3A_140 = arith.constant 0 : i32
      %cond3A_141 = arith.cmpi ne, %convert_element_type3A_139, %cond3A_140 : i32
      scf.if %cond3A_141 {
        %dma_start3A_173 = arith.constant 0 : i32
        %dma_start3A_174 = tpu.memref_slice %arg11[%add3A_135, %dma_start3A_173] : memref<250x80xi32, #tpu.memory_space<vmem>> -> memref<1x80xi32, #tpu.memory_space<vmem>>
        %dma_start3A_175 = tpu.memref_squeeze %dma_start3A_174 : memref<1x80xi32, #tpu.memory_space<vmem>> -> memref<80xi32, #tpu.memory_space<vmem>>
        %dma_start3A_176 = arith.constant 0 : i32
        %dma_start3A_177 = arith.constant 0 : i32
        %dma_start3A_178 = tpu.memref_slice %arg9[%dma_start3A_176, %dma_start3A_177] : memref<10000x64xf32, #tpu.memory_space<hbm>> -> memref<10000x64xf32, #tpu.memory_space<hbm>>
        tpu.enqueue_indirect_dma source(%dma_start3A_178 : memref<10000x64xf32, #tpu.memory_space<hbm>>) target(%arg14 : memref<80x64xf32, #tpu.memory_space<vmem>>) offsets(%dma_start3A_175 : memref<80xi32, #tpu.memory_space<vmem>>) semaphore(%arg24 : memref<!tpu.dma_semaphore, #tpu.memory_space<semaphore_mem>>)
      } else {
      }
      %eq3A_142 = arith.constant 1 : i32
      %eq3A_143 = arith.cmpi eq, %arg0, %eq3A_142 : i32
      %convert_element_type3A_144 = arith.extui %eq3A_143 : i1 to i32
      %cond3A_145 = arith.constant 0 : i32
      %cond3A_146 = arith.cmpi ne, %convert_element_type3A_144, %cond3A_145 : i32
      scf.if %cond3A_146 {
        %dma_start3A_173 = arith.constant 0 : i32
        %dma_start3A_174 = tpu.memref_slice %arg11[%add3A_135, %dma_start3A_173] : memref<250x80xi32, #tpu.memory_space<vmem>> -> memref<1x80xi32, #tpu.memory_space<vmem>>
        %dma_start3A_175 = tpu.memref_squeeze %dma_start3A_174 : memref<1x80xi32, #tpu.memory_space<vmem>> -> memref<80xi32, #tpu.memory_space<vmem>>
        %dma_start3A_176 = arith.constant 0 : i32
        %dma_start3A_177 = arith.constant 0 : i32
        %dma_start3A_178 = tpu.memref_slice %arg10[%dma_start3A_176, %dma_start3A_177] : memref<10000x64xf32, #tpu.memory_space<hbm>> -> memref<10000x64xf32, #tpu.memory_space<hbm>>
        tpu.enqueue_indirect_dma source(%dma_start3A_178 : memref<10000x64xf32, #tpu.memory_space<hbm>>) target(%arg14 : memref<80x64xf32, #tpu.memory_space<vmem>>) offsets(%dma_start3A_175 : memref<80xi32, #tpu.memory_space<vmem>>) semaphore(%arg24 : memref<!tpu.dma_semaphore, #tpu.memory_space<semaphore_mem>>)
      } else {
      }
      %dma_start3A = arith.constant 0 : i32
      %dma_start3A_147 = tpu.memref_slice %arg12[%add3A_136, %dma_start3A] : memref<250x80xi32, #tpu.memory_space<vmem>> -> memref<1x80xi32, #tpu.memory_space<vmem>>
      %dma_start3A_148 = tpu.memref_squeeze %dma_start3A_147 : memref<1x80xi32, #tpu.memory_space<vmem>> -> memref<80xi32, #tpu.memory_space<vmem>>
      %dma_start3A_149 = arith.constant 0 : i32
      %dma_start3A_150 = tpu.memref_slice %arg22[%dma_start3A_149] : memref<10240xf32, #tpu.memory_space<vmem_shared>> -> memref<10240xf32, #tpu.memory_space<vmem_shared>>
      tpu.enqueue_indirect_dma source(%dma_start3A_150 : memref<10240xf32, #tpu.memory_space<vmem_shared>>) target(%arg15 : memref<80xf32, #tpu.memory_space<vmem>>) offsets(%dma_start3A_148 : memref<80xi32, #tpu.memory_space<vmem>>) semaphore(%arg25 : memref<!tpu.dma_semaphore, #tpu.memory_space<semaphore_mem>>)
      %dma_wait3A = arith.constant 0 : i32
      %dma_wait3A_151 = tpu.memref_slice %arg11[%mul3A_131, %dma_wait3A] : memref<250x80xi32, #tpu.memory_space<vmem>> -> memref<1x80xi32, #tpu.memory_space<vmem>>
      %dma_wait3A_152 = tpu.memref_squeeze %dma_wait3A_151 : memref<1x80xi32, #tpu.memory_space<vmem>> -> memref<80xi32, #tpu.memory_space<vmem>>
      %dma_wait3A_153 = arith.constant 0 : i32
      %dma_wait3A_154 = arith.constant 0 : i32
      %dma_wait3A_155 = tpu.memref_slice %arg9[%dma_wait3A_153, %dma_wait3A_154] : memref<10000x64xf32, #tpu.memory_space<hbm>> -> memref<10000x64xf32, #tpu.memory_space<hbm>>
      tpu.wait_indirect_dma semaphore(%arg23 : memref<!tpu.dma_semaphore, #tpu.memory_space<semaphore_mem>>) src(%dma_wait3A_155 : memref<10000x64xf32, #tpu.memory_space<hbm>>) dst(%arg13 : memref<80x64xf32, #tpu.memory_space<vmem>>)
      "tpu.region"() ({
        %run_scoped3A = tpu.sem_alloc : memref<!tpu.dma_semaphore, #tpu.memory_space<semaphore_mem>>
        %dma_start3A_173 = arith.constant 0 : i32
        %dma_start3A_174 = tpu.memref_slice %arg12[%mul3A_131, %dma_start3A_173] : memref<250x80xi32, #tpu.memory_space<vmem>> -> memref<1x80xi32, #tpu.memory_space<vmem>>
        %dma_start3A_175 = tpu.memref_squeeze %dma_start3A_174 : memref<1x80xi32, #tpu.memory_space<vmem>> -> memref<80xi32, #tpu.memory_space<vmem>>
        %dma_start3A_176 = arith.constant 0 : i32
        %dma_start3A_177 = arith.constant 0 : i32
        %dma_start3A_178 = tpu.memref_slice %arg19[%dma_start3A_176, %dma_start3A_177] : memref<10008x64xf32, #tpu.memory_space<vmem_shared>> -> memref<10008x64xf32, #tpu.memory_space<vmem_shared>>
        tpu.enqueue_indirect_dma source(%arg13 : memref<80x64xf32, #tpu.memory_space<vmem>>) target(%dma_start3A_178 : memref<10008x64xf32, #tpu.memory_space<vmem_shared>>) offsets(%dma_start3A_175 : memref<80xi32, #tpu.memory_space<vmem>>) semaphore(%run_scoped3A : memref<!tpu.dma_semaphore, #tpu.memory_space<semaphore_mem>>) {add = true}
        %dma_wait3A_179 = arith.constant 0 : i32
        %dma_wait3A_180 = tpu.memref_slice %arg12[%mul3A_131, %dma_wait3A_179] : memref<250x80xi32, #tpu.memory_space<vmem>> -> memref<1x80xi32, #tpu.memory_space<vmem>>
        %dma_wait3A_181 = tpu.memref_squeeze %dma_wait3A_180 : memref<1x80xi32, #tpu.memory_space<vmem>> -> memref<80xi32, #tpu.memory_space<vmem>>
        %dma_wait3A_182 = arith.constant 0 : i32
        %dma_wait3A_183 = arith.constant 0 : i32
        %dma_wait3A_184 = tpu.memref_slice %arg19[%dma_wait3A_182, %dma_wait3A_183] : memref<10008x64xf32, #tpu.memory_space<vmem_shared>> -> memref<10008x64xf32, #tpu.memory_space<vmem_shared>>
        tpu.wait_indirect_dma semaphore(%run_scoped3A : memref<!tpu.dma_semaphore, #tpu.memory_space<semaphore_mem>>) src(%arg13 : memref<80x64xf32, #tpu.memory_space<vmem>>) dst(%dma_wait3A_184 : memref<10008x64xf32, #tpu.memory_space<vmem_shared>>)
        tpu.yield
      }) : () -> ()
      %lt3A_156 = arith.constant 124 : i32
      %lt3A_157 = arith.cmpi slt, %scan3A_128, %lt3A_156 : i32
      %convert_element_type3A_158 = arith.extui %lt3A_157 : i1 to i32
      %cond3A_159 = arith.constant 0 : i32
      %cond3A_160 = arith.cmpi ne, %convert_element_type3A_158, %cond3A_159 : i32
      scf.if %cond3A_160 {
        %add3A_173 = arith.constant 2 : i32
        %add3A_174 = arith.addi %mul3A_131, %add3A_173 : i32
        %eq3A_175 = arith.constant 0 : i32
        %eq3A_176 = arith.cmpi eq, %arg0, %eq3A_175 : i32
        %convert_element_type3A_177 = arith.extui %eq3A_176 : i1 to i32
        %cond3A_178 = arith.constant 0 : i32
        %cond3A_179 = arith.cmpi ne, %convert_element_type3A_177, %cond3A_178 : i32
        scf.if %cond3A_179 {
          %dma_start3A_185 = arith.constant 0 : i32
          %dma_start3A_186 = tpu.memref_slice %arg11[%add3A_174, %dma_start3A_185] : memref<250x80xi32, #tpu.memory_space<vmem>> -> memref<1x80xi32, #tpu.memory_space<vmem>>
          %dma_start3A_187 = tpu.memref_squeeze %dma_start3A_186 : memref<1x80xi32, #tpu.memory_space<vmem>> -> memref<80xi32, #tpu.memory_space<vmem>>
          %dma_start3A_188 = arith.constant 0 : i32
          %dma_start3A_189 = arith.constant 0 : i32
          %dma_start3A_190 = tpu.memref_slice %arg9[%dma_start3A_188, %dma_start3A_189] : memref<10000x64xf32, #tpu.memory_space<hbm>> -> memref<10000x64xf32, #tpu.memory_space<hbm>>
          tpu.enqueue_indirect_dma source(%dma_start3A_190 : memref<10000x64xf32, #tpu.memory_space<hbm>>) target(%arg13 : memref<80x64xf32, #tpu.memory_space<vmem>>) offsets(%dma_start3A_187 : memref<80xi32, #tpu.memory_space<vmem>>) semaphore(%arg23 : memref<!tpu.dma_semaphore, #tpu.memory_space<semaphore_mem>>)
        } else {
        }
        %eq3A_180 = arith.constant 1 : i32
        %eq3A_181 = arith.cmpi eq, %arg0, %eq3A_180 : i32
        %convert_element_type3A_182 = arith.extui %eq3A_181 : i1 to i32
        %cond3A_183 = arith.constant 0 : i32
        %cond3A_184 = arith.cmpi ne, %convert_element_type3A_182, %cond3A_183 : i32
        scf.if %cond3A_184 {
          %dma_start3A_185 = arith.constant 0 : i32
          %dma_start3A_186 = tpu.memref_slice %arg11[%add3A_174, %dma_start3A_185] : memref<250x80xi32, #tpu.memory_space<vmem>> -> memref<1x80xi32, #tpu.memory_space<vmem>>
          %dma_start3A_187 = tpu.memref_squeeze %dma_start3A_186 : memref<1x80xi32, #tpu.memory_space<vmem>> -> memref<80xi32, #tpu.memory_space<vmem>>
          %dma_start3A_188 = arith.constant 0 : i32
          %dma_start3A_189 = arith.constant 0 : i32
          %dma_start3A_190 = tpu.memref_slice %arg10[%dma_start3A_188, %dma_start3A_189] : memref<10000x64xf32, #tpu.memory_space<hbm>> -> memref<10000x64xf32, #tpu.memory_space<hbm>>
          tpu.enqueue_indirect_dma source(%dma_start3A_190 : memref<10000x64xf32, #tpu.memory_space<hbm>>) target(%arg13 : memref<80x64xf32, #tpu.memory_space<vmem>>) offsets(%dma_start3A_187 : memref<80xi32, #tpu.memory_space<vmem>>) semaphore(%arg23 : memref<!tpu.dma_semaphore, #tpu.memory_space<semaphore_mem>>)
        } else {
        }
      } else {
      }
      %dma_wait3A_161 = arith.constant 0 : i32
      %dma_wait3A_162 = tpu.memref_slice %arg11[%add3A_135, %dma_wait3A_161] : memref<250x80xi32, #tpu.memory_space<vmem>> -> memref<1x80xi32, #tpu.memory_space<vmem>>
      %dma_wait3A_163 = tpu.memref_squeeze %dma_wait3A_162 : memref<1x80xi32, #tpu.memory_space<vmem>> -> memref<80xi32, #tpu.memory_space<vmem>>
      %dma_wait3A_164 = arith.constant 0 : i32
      %dma_wait3A_165 = arith.constant 0 : i32
      %dma_wait3A_166 = tpu.memref_slice %arg9[%dma_wait3A_164, %dma_wait3A_165] : memref<10000x64xf32, #tpu.memory_space<hbm>> -> memref<10000x64xf32, #tpu.memory_space<hbm>>
      tpu.wait_indirect_dma semaphore(%arg24 : memref<!tpu.dma_semaphore, #tpu.memory_space<semaphore_mem>>) src(%dma_wait3A_166 : memref<10000x64xf32, #tpu.memory_space<hbm>>) dst(%arg14 : memref<80x64xf32, #tpu.memory_space<vmem>>)
      "tpu.region"() ({
        %run_scoped3A = tpu.sem_alloc : memref<!tpu.dma_semaphore, #tpu.memory_space<semaphore_mem>>
        %dma_start3A_173 = arith.constant 0 : i32
        %dma_start3A_174 = tpu.memref_slice %arg12[%add3A_135, %dma_start3A_173] : memref<250x80xi32, #tpu.memory_space<vmem>> -> memref<1x80xi32, #tpu.memory_space<vmem>>
        %dma_start3A_175 = tpu.memref_squeeze %dma_start3A_174 : memref<1x80xi32, #tpu.memory_space<vmem>> -> memref<80xi32, #tpu.memory_space<vmem>>
        %dma_start3A_176 = arith.constant 0 : i32
        %dma_start3A_177 = arith.constant 0 : i32
        %dma_start3A_178 = tpu.memref_slice %arg19[%dma_start3A_176, %dma_start3A_177] : memref<10008x64xf32, #tpu.memory_space<vmem_shared>> -> memref<10008x64xf32, #tpu.memory_space<vmem_shared>>
        tpu.enqueue_indirect_dma source(%arg14 : memref<80x64xf32, #tpu.memory_space<vmem>>) target(%dma_start3A_178 : memref<10008x64xf32, #tpu.memory_space<vmem_shared>>) offsets(%dma_start3A_175 : memref<80xi32, #tpu.memory_space<vmem>>) semaphore(%run_scoped3A : memref<!tpu.dma_semaphore, #tpu.memory_space<semaphore_mem>>) {add = true}
        %dma_wait3A_179 = arith.constant 0 : i32
        %dma_wait3A_180 = tpu.memref_slice %arg12[%add3A_135, %dma_wait3A_179] : memref<250x80xi32, #tpu.memory_space<vmem>> -> memref<1x80xi32, #tpu.memory_space<vmem>>
        %dma_wait3A_181 = tpu.memref_squeeze %dma_wait3A_180 : memref<1x80xi32, #tpu.memory_space<vmem>> -> memref<80xi32, #tpu.memory_space<vmem>>
        %dma_wait3A_182 = arith.constant 0 : i32
        %dma_wait3A_183 = arith.constant 0 : i32
        %dma_wait3A_184 = tpu.memref_slice %arg19[%dma_wait3A_182, %dma_wait3A_183] : memref<10008x64xf32, #tpu.memory_space<vmem_shared>> -> memref<10008x64xf32, #tpu.memory_space<vmem_shared>>
        tpu.wait_indirect_dma semaphore(%run_scoped3A : memref<!tpu.dma_semaphore, #tpu.memory_space<semaphore_mem>>) src(%arg14 : memref<80x64xf32, #tpu.memory_space<vmem>>) dst(%dma_wait3A_184 : memref<10008x64xf32, #tpu.memory_space<vmem_shared>>)
        tpu.yield
      }) : () -> ()
      %dma_wait3A_167 = arith.constant 0 : i32
      %dma_wait3A_168 = tpu.memref_slice %arg12[%add3A_136, %dma_wait3A_167] : memref<250x80xi32, #tpu.memory_space<vmem>> -> memref<1x80xi32, #tpu.memory_space<vmem>>
      %dma_wait3A_169 = tpu.memref_squeeze %dma_wait3A_168 : memref<1x80xi32, #tpu.memory_space<vmem>> -> memref<80xi32, #tpu.memory_space<vmem>>
      %dma_wait3A_170 = arith.constant 0 : i32
      %dma_wait3A_171 = tpu.memref_slice %arg22[%dma_wait3A_170] : memref<10240xf32, #tpu.memory_space<vmem_shared>> -> memref<10240xf32, #tpu.memory_space<vmem_shared>>
      tpu.wait_indirect_dma semaphore(%arg25 : memref<!tpu.dma_semaphore, #tpu.memory_space<semaphore_mem>>) src(%dma_wait3A_171 : memref<10240xf32, #tpu.memory_space<vmem_shared>>) dst(%arg15 : memref<80xf32, #tpu.memory_space<vmem>>)
      "tpu.region"() ({
        %run_scoped3A = tpu.sem_alloc : memref<!tpu.dma_semaphore, #tpu.memory_space<semaphore_mem>>
        %dma_start3A_173 = arith.constant 0 : i32
        %dma_start3A_174 = tpu.memref_slice %arg11[%add3A_136, %dma_start3A_173] : memref<250x80xi32, #tpu.memory_space<vmem>> -> memref<1x80xi32, #tpu.memory_space<vmem>>
        %dma_start3A_175 = tpu.memref_squeeze %dma_start3A_174 : memref<1x80xi32, #tpu.memory_space<vmem>> -> memref<80xi32, #tpu.memory_space<vmem>>
        %dma_start3A_176 = arith.constant 0 : i32
        %dma_start3A_177 = tpu.memref_slice %arg20[%dma_start3A_176] : memref<10000xf32, #tpu.memory_space<vmem_shared>> -> memref<10000xf32, #tpu.memory_space<vmem_shared>>
        tpu.enqueue_indirect_dma source(%arg15 : memref<80xf32, #tpu.memory_space<vmem>>) target(%dma_start3A_177 : memref<10000xf32, #tpu.memory_space<vmem_shared>>) offsets(%dma_start3A_175 : memref<80xi32, #tpu.memory_space<vmem>>) semaphore(%run_scoped3A : memref<!tpu.dma_semaphore, #tpu.memory_space<semaphore_mem>>) {add = true}
        %dma_wait3A_178 = arith.constant 0 : i32
        %dma_wait3A_179 = tpu.memref_slice %arg11[%add3A_136, %dma_wait3A_178] : memref<250x80xi32, #tpu.memory_space<vmem>> -> memref<1x80xi32, #tpu.memory_space<vmem>>
        %dma_wait3A_180 = tpu.memref_squeeze %dma_wait3A_179 : memref<1x80xi32, #tpu.memory_space<vmem>> -> memref<80xi32, #tpu.memory_space<vmem>>
        %dma_wait3A_181 = arith.constant 0 : i32
        %dma_wait3A_182 = tpu.memref_slice %arg20[%dma_wait3A_181] : memref<10000xf32, #tpu.memory_space<vmem_shared>> -> memref<10000xf32, #tpu.memory_space<vmem_shared>>
        tpu.wait_indirect_dma semaphore(%run_scoped3A : memref<!tpu.dma_semaphore, #tpu.memory_space<semaphore_mem>>) src(%arg15 : memref<80xf32, #tpu.memory_space<vmem>>) dst(%dma_wait3A_182 : memref<10000xf32, #tpu.memory_space<vmem_shared>>)
        tpu.yield
      }) : () -> ()
      %scan3A_172 = arith.constant 0 : i32
      scf.yield %scan3A_172 : i32
    }
    %scan3A_117 = arith.constant 125 : i32
    %barrier3A_118 = arith.constant 0 : index
    tpu.barrier barrier_id(%barrier3A_118)
    %mul3A_119 = arith.constant 625 : i32
    %mul3A_120 = arith.muli %arg1, %mul3A_119 : i32
    %mul3A_121 = arith.constant 625 : i32
    %mul3A_122 = arith.muli %arg1, %mul3A_121 : i32
    "tpu.region"() ({
      %run_scoped3A = tpu.sem_alloc : memref<!tpu.dma_semaphore, #tpu.memory_space<semaphore_mem>>
      %dma_start3A = arith.constant 0 : i32
      %dma_start3A_128 = tpu.memref_slice %arg5[%arg0, %mul3A_122, %dma_start3A] : memref<2x10000x64xf32, #tpu.memory_space<hbm>> -> memref<1x625x64xf32, #tpu.memory_space<hbm>>
      %dma_start3A_129 = tpu.memref_squeeze %dma_start3A_128 : memref<1x625x64xf32, #tpu.memory_space<hbm>> -> memref<625x64xf32, #tpu.memory_space<hbm>>
      %dma_start3A_130 = arith.constant 0 : i32
      %dma_start3A_131 = tpu.memref_slice %arg19[%mul3A_120, %dma_start3A_130] : memref<10008x64xf32, #tpu.memory_space<vmem_shared>> -> memref<625x64xf32, #tpu.memory_space<vmem_shared>>
      tpu.enqueue_dma source(%dma_start3A_131 : memref<625x64xf32, #tpu.memory_space<vmem_shared>>) target(%dma_start3A_129 : memref<625x64xf32, #tpu.memory_space<hbm>>) target_semaphore(%run_scoped3A : memref<!tpu.dma_semaphore, #tpu.memory_space<semaphore_mem>>)
      %dma_wait3A = arith.constant 0 : i32
      %dma_wait3A_132 = tpu.memref_slice %arg5[%arg0, %mul3A_122, %dma_wait3A] : memref<2x10000x64xf32, #tpu.memory_space<hbm>> -> memref<1x625x64xf32, #tpu.memory_space<hbm>>
      %dma_wait3A_133 = tpu.memref_squeeze %dma_wait3A_132 : memref<1x625x64xf32, #tpu.memory_space<hbm>> -> memref<625x64xf32, #tpu.memory_space<hbm>>
      %dma_wait3A_134 = arith.constant 0 : i32
      %dma_wait3A_135 = tpu.memref_slice %arg19[%mul3A_120, %dma_wait3A_134] : memref<10008x64xf32, #tpu.memory_space<vmem_shared>> -> memref<625x64xf32, #tpu.memory_space<vmem_shared>>
      tpu.wait_dma2 semaphore(%run_scoped3A : memref<!tpu.dma_semaphore, #tpu.memory_space<semaphore_mem>>) src(%dma_wait3A_135 : memref<625x64xf32, #tpu.memory_space<vmem_shared>>) dst(%dma_wait3A_133 : memref<625x64xf32, #tpu.memory_space<hbm>>)
      tpu.yield
    }) : () -> ()
    %eq3A_123 = arith.constant 0 : i32
    %eq3A_124 = arith.cmpi eq, %arg1, %eq3A_123 : i32
    %convert_element_type3A_125 = arith.extui %eq3A_124 : i1 to i32
    %cond3A_126 = arith.constant 0 : i32
    %cond3A_127 = arith.cmpi ne, %convert_element_type3A_125, %cond3A_126 : i32
    scf.if %cond3A_127 {
      "tpu.region"() ({
        %run_scoped3A = tpu.sem_alloc : memref<!tpu.dma_semaphore, #tpu.memory_space<semaphore_mem>>
        %dma_start3A = arith.constant 0 : i32
        %dma_start3A_128 = tpu.memref_slice %arg6[%arg0, %dma_start3A] : memref<2x10000xf32, #tpu.memory_space<hbm>> -> memref<1x10000xf32, #tpu.memory_space<hbm>>
        %dma_start3A_129 = tpu.memref_squeeze %dma_start3A_128 : memref<1x10000xf32, #tpu.memory_space<hbm>> -> memref<10000xf32, #tpu.memory_space<hbm>>
        tpu.enqueue_dma source(%arg20 : memref<10000xf32, #tpu.memory_space<vmem_shared>>) target(%dma_start3A_129 : memref<10000xf32, #tpu.memory_space<hbm>>) target_semaphore(%run_scoped3A : memref<!tpu.dma_semaphore, #tpu.memory_space<semaphore_mem>>)
        %dma_wait3A = arith.constant 0 : i32
        %dma_wait3A_130 = tpu.memref_slice %arg6[%arg0, %dma_wait3A] : memref<2x10000xf32, #tpu.memory_space<hbm>> -> memref<1x10000xf32, #tpu.memory_space<hbm>>
        %dma_wait3A_131 = tpu.memref_squeeze %dma_wait3A_130 : memref<1x10000xf32, #tpu.memory_space<hbm>> -> memref<10000xf32, #tpu.memory_space<hbm>>
        tpu.wait_dma2 semaphore(%run_scoped3A : memref<!tpu.dma_semaphore, #tpu.memory_space<semaphore_mem>>) src(%arg20 : memref<10000xf32, #tpu.memory_space<vmem_shared>>) dst(%dma_wait3A_131 : memref<10000xf32, #tpu.memory_space<hbm>>)
        tpu.yield
      }) : () -> ()
    } else {
    }
    return
  }
}

module attributes {stable_mosaic.version = 14 : i64} {
  func.func @_mm_body(%arg0: i32, %arg1: memref<1000x128xf32, #tpu.memory_space<vmem>>, %arg2: memref<128x128xf32, #tpu.memory_space<vmem>>, %arg3: memref<1000x128xf32, #tpu.memory_space<vmem>>) attributes {dimension_semantics = [#tpu.dimension_semantics<arbitrary>], iteration_bounds = array<i64: 10>, scalar_prefetch = 0 : i64, scratch_operands = 0 : i64, tpu.core_type = #tpu.core_type<tc>, window_params = [{transform_indices = @transform_0, window_bounds = array<i64: 1000, 128>}, {pipeline_mode = #tpu.pipeline_mode<synchronous>, transform_indices = @transform_1, window_bounds = array<i64: 128, 128>}, {transform_indices = @transform_2, window_bounds = array<i64: 1000, 128>}]} {
    %get3A = arith.constant 0 : index
    %get3A_0 = arith.constant 0 : index
    %get3A_1 = vector.load %arg1[%get3A, %get3A_0] : memref<1000x128xf32, #tpu.memory_space<vmem>>, vector<1000x128xf32>
    %get3A_2 = arith.constant 0 : index
    %get3A_3 = arith.constant 0 : index
    %get3A_4 = vector.load %arg2[%get3A_2, %get3A_3] : memref<128x128xf32, #tpu.memory_space<vmem>>, vector<128x128xf32>
    %dot_general3A = arith.constant dense<0.000000e+00> : vector<1000x128xf32>
    %dot_general3A_5 = tpu.matmul %get3A_1, %get3A_4, %dot_general3A {dimension_numbers = #tpu.dot_dimension_numbers<[1], [0], [0], [1], [0, 0, 1, 1], [], []>, precision = #tpu.contract_precision<fp32>, transpose_lhs_hint = false} : vector<1000x128xf32>, vector<128x128xf32>, vector<1000x128xf32> -> vector<1000x128xf32>
    %swap3A = arith.constant 0 : index
    %swap3A_6 = arith.constant 0 : index
    %swap3A_7 = vector.load %arg3[%swap3A, %swap3A_6] : memref<1000x128xf32, #tpu.memory_space<vmem>>, vector<1000x128xf32>
    tpu.vector_store %arg3[%swap3A, %swap3A_6], %dot_general3A_5 {strides = array<i32>} : memref<1000x128xf32, #tpu.memory_space<vmem>>, vector<1000x128xf32>,
    return
  }
  func.func @transform_0(%arg0: i32) -> (i32, i32) {
    %c0_i32 = arith.constant 0 : i32
    %c0_i32_0 = arith.constant 0 : i32
    return %arg0, %c0_i32 : i32, i32
  }
  func.func @transform_1(%arg0: i32) -> (i32, i32) {
    %c0_i32 = arith.constant 0 : i32
    %c0_i32_0 = arith.constant 0 : i32
    %c0_i32_1 = arith.constant 0 : i32
    return %c0_i32, %c0_i32_0 : i32, i32
  }
  func.func @transform_2(%arg0: i32) -> (i32, i32) {
    %c0_i32 = arith.constant 0 : i32
    %c0_i32_0 = arith.constant 0 : i32
    return %arg0, %c0_i32 : i32, i32
  }
}

module attributes {stable_mosaic.version = 14 : i64} {
  func.func @_final_body(%arg0: i32, %arg1: memref<2x1000x64xf32, #tpu.memory_space<vmem>>, %arg2: memref<1000x64xf32, #tpu.memory_space<vmem>>, %arg3: memref<1000x64xf32, #tpu.memory_space<vmem>>, %arg4: memref<1000x1xf32, #tpu.memory_space<vmem>>, %arg5: memref<1x1x1000xf32, #tpu.memory_space<vmem>>, %arg6: memref<2x1x1x1000xf32, #tpu.memory_space<vmem>>, %arg7: memref<1x128xf32, #tpu.memory_space<vmem>>, %arg8: memref<128x128xf32, #tpu.memory_space<vmem>>, %arg9: memref<1x128xf32, #tpu.memory_space<vmem>>, %arg10: memref<2x1x64xf32, #tpu.memory_space<vmem>>, %arg11: memref<1x128xf32, #tpu.memory_space<vmem>>) attributes {dimension_semantics = [#tpu.dimension_semantics<arbitrary>], iteration_bounds = array<i64: 10>, scalar_prefetch = 0 : i64, scratch_operands = 0 : i64, tpu.core_type = #tpu.core_type<tc>, window_params = [{transform_indices = @transform_0, window_bounds = array<i64: 2, 1000, 64>}, {transform_indices = @transform_1, window_bounds = array<i64: 1000, 64>}, {transform_indices = @transform_2, window_bounds = array<i64: 1000, 64>}, {transform_indices = @transform_3, window_bounds = array<i64: 1000, 1>}, {transform_indices = @transform_4, window_bounds = array<i64: 1, 1, 1000>}, {transform_indices = @transform_5, window_bounds = array<i64: 2, 1, 1, 1000>}, {pipeline_mode = #tpu.pipeline_mode<synchronous>, transform_indices = @transform_6, window_bounds = array<i64: 1, 128>}, {pipeline_mode = #tpu.pipeline_mode<synchronous>, transform_indices = @transform_7, window_bounds = array<i64: 128, 128>}, {pipeline_mode = #tpu.pipeline_mode<synchronous>, transform_indices = @transform_8, window_bounds = array<i64: 1, 128>}, {pipeline_mode = #tpu.pipeline_mode<synchronous>, transform_indices = @transform_9, window_bounds = array<i64: 2, 1, 64>}, {pipeline_mode = #tpu.pipeline_mode<synchronous>, transform_indices = @transform_10, window_bounds = array<i64: 1, 128>}]} {
    %get3A = arith.constant 0 : index
    %get3A_0 = arith.constant 0 : index
    %get3A_1 = arith.constant 0 : index
    %get3A_2 = vector.load %arg1[%get3A, %get3A_0, %get3A_1] : memref<2x1000x64xf32, #tpu.memory_space<vmem>>, vector<2x1000x64xf32>
    %get3A_3 = arith.constant 0 : index
    %get3A_4 = arith.constant 0 : index
    %get3A_5 = vector.load %arg4[%get3A_3, %get3A_4] : memref<1000x1xf32, #tpu.memory_space<vmem>>, vector<1000x1xf32>
    %get3A_6 = arith.constant 0 : index
    %get3A_7 = arith.constant 0 : index
    %get3A_8 = vector.load %arg7[%get3A_6, %get3A_7] : memref<1x128xf32, #tpu.memory_space<vmem>>, vector<1x128xf32>
    %slice3A = vector.extract_strided_slice %get3A_2 {offsets = [0, 0, 0], sizes = [1, 1000, 64], strides = [1, 1, 1]} : vector<2x1000x64xf32> to vector<1x1000x64xf32>
    %squeeze3A = vector.shape_cast %slice3A : vector<1x1000x64xf32> to vector<1000x64xf32>
    %mul3A = vector.broadcast %get3A_5 : vector<1000x1xf32> to vector<1000x64xf32>
    %mul3A_9 = arith.mulf %mul3A, %squeeze3A : vector<1000x64xf32>
    %get3A_10 = arith.constant 0 : index
    %get3A_11 = arith.constant 0 : index
    %get3A_12 = vector.load %arg2[%get3A_10, %get3A_11] : memref<1000x64xf32, #tpu.memory_space<vmem>>, vector<1000x64xf32>
    %mul3A_13 = vector.broadcast %get3A_5 : vector<1000x1xf32> to vector<1000x64xf32>
    %mul3A_14 = arith.mulf %get3A_12, %mul3A_13 : vector<1000x64xf32>
    %add3A = arith.addf %mul3A_9, %mul3A_14 : vector<1000x64xf32>
    %slice3A_15 = vector.extract_strided_slice %get3A_8 {offsets = [0, 0], sizes = [1, 64], strides = [1, 1]} : vector<1x128xf32> to vector<1x64xf32>
    %add3A_16 = vector.broadcast %slice3A_15 : vector<1x64xf32> to vector<1000x64xf32>
    %add3A_17 = arith.addf %add3A, %add3A_16 : vector<1000x64xf32>
    %max3A = arith.constant 0.000000e+00 : f32
    %max3A_18 = vector.broadcast %max3A : f32 to vector<1000x64xf32>
    %max3A_19 = arith.maximumf %add3A_17, %max3A_18 : vector<1000x64xf32>
    %slice3A_20 = vector.extract_strided_slice %get3A_2 {offsets = [1, 0, 0], sizes = [1, 1000, 64], strides = [1, 1, 1]} : vector<2x1000x64xf32> to vector<1x1000x64xf32>
    %squeeze3A_21 = vector.shape_cast %slice3A_20 : vector<1x1000x64xf32> to vector<1000x64xf32>
    %mul3A_22 = vector.broadcast %get3A_5 : vector<1000x1xf32> to vector<1000x64xf32>
    %mul3A_23 = arith.mulf %mul3A_22, %squeeze3A_21 : vector<1000x64xf32>
    %get3A_24 = arith.constant 0 : index
    %get3A_25 = arith.constant 0 : index
    %get3A_26 = vector.load %arg3[%get3A_24, %get3A_25] : memref<1000x64xf32, #tpu.memory_space<vmem>>, vector<1000x64xf32>
    %mul3A_27 = vector.broadcast %get3A_5 : vector<1000x1xf32> to vector<1000x64xf32>
    %mul3A_28 = arith.mulf %get3A_26, %mul3A_27 : vector<1000x64xf32>
    %add3A_29 = arith.addf %mul3A_23, %mul3A_28 : vector<1000x64xf32>
    %slice3A_30 = vector.extract_strided_slice %get3A_8 {offsets = [0, 64], sizes = [1, 64], strides = [1, 1]} : vector<1x128xf32> to vector<1x64xf32>
    %add3A_31 = vector.broadcast %slice3A_30 : vector<1x64xf32> to vector<1000x64xf32>
    %add3A_32 = arith.addf %add3A_29, %add3A_31 : vector<1000x64xf32>
    %max3A_33 = arith.constant 0.000000e+00 : f32
    %max3A_34 = vector.broadcast %max3A_33 : f32 to vector<1000x64xf32>
    %max3A_35 = arith.maximumf %add3A_32, %max3A_34 : vector<1000x64xf32>
    %get3A_36 = arith.constant 0 : index
    %get3A_37 = arith.constant 0 : index
    %get3A_38 = arith.constant 0 : index
    %get3A_39 = vector.load %arg5[%get3A_36, %get3A_37, %get3A_38] : memref<1x1x1000xf32, #tpu.memory_space<vmem>>, vector<1x1x1000xf32>
    %squeeze3A_40 = vector.shape_cast %get3A_39 : vector<1x1x1000xf32> to vector<1x1000xf32>
    %get3A_41 = arith.constant 0 : index
    %get3A_42 = arith.constant 0 : index
    %get3A_43 = arith.constant 0 : index
    %get3A_44 = arith.constant 0 : index
    %get3A_45 = vector.load %arg6[%get3A_41, %get3A_42, %get3A_43, %get3A_44] : memref<2x1x1x1000xf32, #tpu.memory_space<vmem>>, vector<2x1x1x1000xf32>
    %squeeze3A_46 = vector.shape_cast %get3A_45 : vector<2x1x1x1000xf32> to vector<2x1x1000xf32>
    %slice3A_47 = vector.extract_strided_slice %squeeze3A_46 {offsets = [0, 0, 0], sizes = [1, 1, 1000], strides = [1, 1, 1]} : vector<2x1x1000xf32> to vector<1x1x1000xf32>
    %squeeze3A_48 = vector.shape_cast %slice3A_47 : vector<1x1x1000xf32> to vector<1x1000xf32>
    %slice3A_49 = vector.extract_strided_slice %squeeze3A_46 {offsets = [1, 0, 0], sizes = [1, 1, 1000], strides = [1, 1, 1]} : vector<2x1x1000xf32> to vector<1x1x1000xf32>
    %squeeze3A_50 = vector.shape_cast %slice3A_49 : vector<1x1x1000xf32> to vector<1x1000xf32>
    %add3A_51 = arith.addf %squeeze3A_48, %squeeze3A_50 : vector<1x1000xf32>
    %add3A_52 = arith.addf %add3A_51, %squeeze3A_40 : vector<1x1000xf32>
    %mul3A_53 = arith.mulf %squeeze3A_40, %add3A_52 : vector<1x1000xf32>
    %dot_general3A = arith.constant dense<0.000000e+00> : vector<1x64xf32>
    %dot_general3A_54 = tpu.matmul %mul3A_53, %max3A_19, %dot_general3A {dimension_numbers = #tpu.dot_dimension_numbers<[1], [0], [0], [1], [0, 0, 1, 1], [], []>, precision = #tpu.contract_precision<fp32>, transpose_lhs_hint = false} : vector<1x1000xf32>, vector<1000x64xf32>, vector<1x64xf32> -> vector<1x64xf32>
    %dot_general3A_55 = arith.constant dense<0.000000e+00> : vector<1x64xf32>
    %dot_general3A_56 = tpu.matmul %mul3A_53, %max3A_35, %dot_general3A_55 {dimension_numbers = #tpu.dot_dimension_numbers<[1], [0], [0], [1], [0, 0, 1, 1], [], []>, precision = #tpu.contract_precision<fp32>, transpose_lhs_hint = false} : vector<1x1000xf32>, vector<1000x64xf32>, vector<1x64xf32> -> vector<1x64xf32>
    %eq3A = arith.constant 0 : i32
    %eq3A_57 = arith.cmpi eq, %arg0, %eq3A : i32
    %convert_element_type3A = arith.extui %eq3A_57 : i1 to i32
    %cond3A = arith.constant 0 : i32
    %cond3A_58 = arith.cmpi ne, %convert_element_type3A, %cond3A : i32
    scf.if %cond3A_58 {
      %swap3A = arith.constant 0 : index
      %swap3A_68 = arith.constant 0 : index
      %swap3A_69 = arith.constant 0 : index
      %swap3A_70 = vector.load %arg10[%swap3A, %swap3A_68, %swap3A_69] : memref<2x1x64xf32, #tpu.memory_space<vmem>>, vector<1x1x64xf32>
      %swap3A_71 = vector.shape_cast %swap3A_70 : vector<1x1x64xf32> to vector<1x64xf32>
      %swap3A_72 = vector.shape_cast %dot_general3A_54 : vector<1x64xf32> to vector<1x1x64xf32>
      tpu.vector_store %arg10[%swap3A, %swap3A_68, %swap3A_69], %swap3A_72 {strides = array<i32>} : memref<2x1x64xf32, #tpu.memory_space<vmem>>, vector<1x1x64xf32>,
      %swap3A_73 = arith.constant 1 : index
      %swap3A_74 = arith.constant 0 : index
      %swap3A_75 = arith.constant 0 : index
      %swap3A_76 = vector.load %arg10[%swap3A_73, %swap3A_74, %swap3A_75] : memref<2x1x64xf32, #tpu.memory_space<vmem>>, vector<1x1x64xf32>
      %swap3A_77 = vector.shape_cast %swap3A_76 : vector<1x1x64xf32> to vector<1x64xf32>
      %swap3A_78 = vector.shape_cast %dot_general3A_56 : vector<1x64xf32> to vector<1x1x64xf32>
      tpu.vector_store %arg10[%swap3A_73, %swap3A_74, %swap3A_75], %swap3A_78 {strides = array<i32>} : memref<2x1x64xf32, #tpu.memory_space<vmem>>, vector<1x1x64xf32>,
    } else {
    }
    %gt3A = arith.constant 0 : i32
    %gt3A_59 = arith.cmpi sgt, %arg0, %gt3A : i32
    %convert_element_type3A_60 = arith.extui %gt3A_59 : i1 to i32
    %cond3A_61 = arith.constant 0 : i32
    %cond3A_62 = arith.cmpi ne, %convert_element_type3A_60, %cond3A_61 : i32
    scf.if %cond3A_62 {
      %get3A_68 = arith.constant 0 : index
      %get3A_69 = arith.constant 0 : index
      %get3A_70 = arith.constant 0 : index
      %get3A_71 = vector.load %arg10[%get3A_68, %get3A_69, %get3A_70] : memref<2x1x64xf32, #tpu.memory_space<vmem>>, vector<1x1x64xf32>
      %get3A_72 = vector.shape_cast %get3A_71 : vector<1x1x64xf32> to vector<1x64xf32>
      %add3A_73 = arith.addf %get3A_72, %dot_general3A_54 : vector<1x64xf32>
      %swap3A = arith.constant 0 : index
      %swap3A_74 = arith.constant 0 : index
      %swap3A_75 = arith.constant 0 : index
      %swap3A_76 = vector.load %arg10[%swap3A, %swap3A_74, %swap3A_75] : memref<2x1x64xf32, #tpu.memory_space<vmem>>, vector<1x1x64xf32>
      %swap3A_77 = vector.shape_cast %swap3A_76 : vector<1x1x64xf32> to vector<1x64xf32>
      %swap3A_78 = vector.shape_cast %add3A_73 : vector<1x64xf32> to vector<1x1x64xf32>
      tpu.vector_store %arg10[%swap3A, %swap3A_74, %swap3A_75], %swap3A_78 {strides = array<i32>} : memref<2x1x64xf32, #tpu.memory_space<vmem>>, vector<1x1x64xf32>,
      %get3A_79 = arith.constant 1 : index
      %get3A_80 = arith.constant 0 : index
      %get3A_81 = arith.constant 0 : index
      %get3A_82 = vector.load %arg10[%get3A_79, %get3A_80, %get3A_81] : memref<2x1x64xf32, #tpu.memory_space<vmem>>, vector<1x1x64xf32>
      %get3A_83 = vector.shape_cast %get3A_82 : vector<1x1x64xf32> to vector<1x64xf32>
      %add3A_84 = arith.addf %get3A_83, %dot_general3A_56 : vector<1x64xf32>
      %swap3A_85 = arith.constant 1 : index
      %swap3A_86 = arith.constant 0 : index
      %swap3A_87 = arith.constant 0 : index
      %swap3A_88 = vector.load %arg10[%swap3A_85, %swap3A_86, %swap3A_87] : memref<2x1x64xf32, #tpu.memory_space<vmem>>, vector<1x1x64xf32>
      %swap3A_89 = vector.shape_cast %swap3A_88 : vector<1x1x64xf32> to vector<1x64xf32>
      %swap3A_90 = vector.shape_cast %add3A_84 : vector<1x64xf32> to vector<1x1x64xf32>
      tpu.vector_store %arg10[%swap3A_85, %swap3A_86, %swap3A_87], %swap3A_90 {strides = array<i32>} : memref<2x1x64xf32, #tpu.memory_space<vmem>>, vector<1x1x64xf32>,
    } else {
    }
    %eq3A_63 = arith.constant 9 : i32
    %eq3A_64 = arith.cmpi eq, %arg0, %eq3A_63 : i32
    %convert_element_type3A_65 = arith.extui %eq3A_64 : i1 to i32
    %cond3A_66 = arith.constant 0 : i32
    %cond3A_67 = arith.cmpi ne, %convert_element_type3A_65, %cond3A_66 : i32
    scf.if %cond3A_67 {
      %get3A_68 = arith.constant 0 : index
      %get3A_69 = arith.constant 0 : index
      %get3A_70 = vector.load %arg8[%get3A_68, %get3A_69] : memref<128x128xf32, #tpu.memory_space<vmem>>, vector<128x128xf32>
      %get3A_71 = arith.constant 0 : index
      %get3A_72 = arith.constant 0 : index
      %get3A_73 = arith.constant 0 : index
      %get3A_74 = vector.load %arg10[%get3A_71, %get3A_72, %get3A_73] : memref<2x1x64xf32, #tpu.memory_space<vmem>>, vector<1x1x64xf32>
      %get3A_75 = vector.shape_cast %get3A_74 : vector<1x1x64xf32> to vector<1x64xf32>
      %slice3A_76 = vector.extract_strided_slice %get3A_70 {offsets = [0, 0], sizes = [64, 128], strides = [1, 1]} : vector<128x128xf32> to vector<64x128xf32>
      %dot_general3A_77 = arith.constant dense<0.000000e+00> : vector<1x128xf32>
      %dot_general3A_78 = tpu.matmul %get3A_75, %slice3A_76, %dot_general3A_77 {dimension_numbers = #tpu.dot_dimension_numbers<[1], [0], [0], [1], [0, 0, 1, 1], [], []>, precision = #tpu.contract_precision<fp32>, transpose_lhs_hint = false} : vector<1x64xf32>, vector<64x128xf32>, vector<1x128xf32> -> vector<1x128xf32>
      %get3A_79 = arith.constant 1 : index
      %get3A_80 = arith.constant 0 : index
      %get3A_81 = arith.constant 0 : index
      %get3A_82 = vector.load %arg10[%get3A_79, %get3A_80, %get3A_81] : memref<2x1x64xf32, #tpu.memory_space<vmem>>, vector<1x1x64xf32>
      %get3A_83 = vector.shape_cast %get3A_82 : vector<1x1x64xf32> to vector<1x64xf32>
      %slice3A_84 = vector.extract_strided_slice %get3A_70 {offsets = [64, 0], sizes = [64, 128], strides = [1, 1]} : vector<128x128xf32> to vector<64x128xf32>
      %dot_general3A_85 = arith.constant dense<0.000000e+00> : vector<1x128xf32>
      %dot_general3A_86 = tpu.matmul %get3A_83, %slice3A_84, %dot_general3A_85 {dimension_numbers = #tpu.dot_dimension_numbers<[1], [0], [0], [1], [0, 0, 1, 1], [], []>, precision = #tpu.contract_precision<fp32>, transpose_lhs_hint = false} : vector<1x64xf32>, vector<64x128xf32>, vector<1x128xf32> -> vector<1x128xf32>
      %add3A_87 = arith.addf %dot_general3A_78, %dot_general3A_86 : vector<1x128xf32>
      %mul3A_88 = arith.constant 9.99999974E-5 : f32
      %mul3A_89 = vector.broadcast %mul3A_88 : f32 to vector<1x128xf32>
      %mul3A_90 = arith.mulf %add3A_87, %mul3A_89 : vector<1x128xf32>
      %get3A_91 = arith.constant 0 : index
      %get3A_92 = arith.constant 0 : index
      %get3A_93 = vector.load %arg9[%get3A_91, %get3A_92] : memref<1x128xf32, #tpu.memory_space<vmem>>, vector<1x128xf32>
      %add3A_94 = arith.addf %mul3A_90, %get3A_93 : vector<1x128xf32>
      %swap3A = arith.constant 0 : index
      %swap3A_95 = arith.constant 0 : index
      %swap3A_96 = vector.load %arg11[%swap3A, %swap3A_95] : memref<1x128xf32, #tpu.memory_space<vmem>>, vector<1x128xf32>
      tpu.vector_store %arg11[%swap3A, %swap3A_95], %add3A_94 {strides = array<i32>} : memref<1x128xf32, #tpu.memory_space<vmem>>, vector<1x128xf32>,
    } else {
    }
    return
  }
  func.func @transform_0(%arg0: i32) -> (i32, i32, i32) {
    %c0_i32 = arith.constant 0 : i32
    %c0_i32_0 = arith.constant 0 : i32
    %c0_i32_1 = arith.constant 0 : i32
    return %c0_i32, %arg0, %c0_i32_0 : i32, i32, i32
  }
  func.func @transform_1(%arg0: i32) -> (i32, i32) {
    %c0_i32 = arith.constant 0 : i32
    %c0_i32_0 = arith.constant 0 : i32
    return %arg0, %c0_i32 : i32, i32
  }
  func.func @transform_2(%arg0: i32) -> (i32, i32) {
    %c0_i32 = arith.constant 0 : i32
    %c0_i32_0 = arith.constant 0 : i32
    return %arg0, %c0_i32 : i32, i32
  }
  func.func @transform_3(%arg0: i32) -> (i32, i32) {
    %c0_i32 = arith.constant 0 : i32
    %c0_i32_0 = arith.constant 0 : i32
    return %arg0, %c0_i32 : i32, i32
  }
  func.func @transform_4(%arg0: i32) -> (i32, i32, i32) {
    %c0_i32 = arith.constant 0 : i32
    %c0_i32_0 = arith.constant 0 : i32
    %c0_i32_1 = arith.constant 0 : i32
    return %arg0, %c0_i32, %c0_i32_0 : i32, i32, i32
  }
  func.func @transform_5(%arg0: i32) -> (i32, i32, i32, i32) {
    %c0_i32 = arith.constant 0 : i32
    %c0_i32_0 = arith.constant 0 : i32
    %c0_i32_1 = arith.constant 0 : i32
    %c0_i32_2 = arith.constant 0 : i32
    return %c0_i32, %arg0, %c0_i32_0, %c0_i32_1 : i32, i32, i32, i32
  }
  func.func @transform_6(%arg0: i32) -> (i32, i32) {
    %c0_i32 = arith.constant 0 : i32
    %c0_i32_0 = arith.constant 0 : i32
    %c0_i32_1 = arith.constant 0 : i32
    return %c0_i32, %c0_i32_0 : i32, i32
  }
  func.func @transform_7(%arg0: i32) -> (i32, i32) {
    %c0_i32 = arith.constant 0 : i32
    %c0_i32_0 = arith.constant 0 : i32
    %c0_i32_1 = arith.constant 0 : i32
    return %c0_i32, %c0_i32_0 : i32, i32
  }
  func.func @transform_8(%arg0: i32) -> (i32, i32) {
    %c0_i32 = arith.constant 0 : i32
    %c0_i32_0 = arith.constant 0 : i32
    %c0_i32_1 = arith.constant 0 : i32
    return %c0_i32, %c0_i32_0 : i32, i32
  }
  func.func @transform_9(%arg0: i32) -> (i32, i32, i32) {
    %c0_i32 = arith.constant 0 : i32
    %c0_i32_0 = arith.constant 0 : i32
    %c0_i32_1 = arith.constant 0 : i32
    %c0_i32_2 = arith.constant 0 : i32
    return %c0_i32, %c0_i32_0, %c0_i32_1 : i32, i32, i32
  }
  func.func @transform_10(%arg0: i32) -> (i32, i32) {
    %c0_i32 = arith.constant 0 : i32
    %c0_i32_0 = arith.constant 0 : i32
    %c0_i32_1 = arith.constant 0 : i32
    return %c0_i32, %c0_i32_0 : i32, i32
  }
}

</mosaic_0001>

<sc_bundles>
// kernel: kernel.5.cloned.1.call-start
scs
__scs_entry_jumppad:
0x0: {  	(pc) =	sbr.rel $0x88, $3  }
0x1: {  	(tag) =	ssettag $0x0;
	lr =	simm.s32 $0x1  }
0x2: {  	[smem:$0x3F9B] =	sst lr;
	_ =	strace $0xD0000000  }
0x3: {  	_ = 	snop  }
0x4: {  	_ = 	snop  }
0x5: {  	_ = 	snop  }
0x6: {  	_ = 	snop  }
0x7: {  	_ = 	snop  }
__scs_overlays_trampoline_lowered:
0x8: {  	[smem:$0x3FAA] =	sst s0  }
0x9: {  	[smem:$0x3FAB] =	sst s1  }
0xa: {  	[smem:$0x3FAC] =	sst s2  }
0xb: {  	[smem:$0x3FAD] =	sst s3  }
0xc: {  	[smem:$0x3FAE] =	sst s4  }
0xd: {  	[smem:$0x3FAF] =	sst s5  }
0xe: {  	[smem:$0x3FB0] =	sst s6  }
0xf: {  	[smem:$0x3FB1] =	sst s7  }
0x10: {  	[smem:$0x3FB2] =	sst s8  }
0x11: {  	[smem:$0x3FB3] =	sst s9;
	s0 =	simm.s32 @!p0 $0x0  }
0x12: {  	s1 =	sld [smem:$0x3F99];
	s0 =	simm.s32 @p0 $0x1  }
0x13: {  	[smem:$0x3FB4] =	sst s0;
	s0 =	simm.s32 @!p1 $0x0  }
0x14: {  	s2 =	sld [smem:$0x3F98];
	s0 =	simm.s32 @p1 $0x1  }
0x15: {  	[smem:$0x3FB5] =	sst s0;
	s0 =	simm.s32 @!p2 $0x0  }
0x16: {  	s3 =	sld [smem:$0x3FDB];
	s0 =	simm.s32 @p2 $0x1  }
0x17: {  	s4 =	simm.s32 $0x1BF5;
	[smem:$0x3FB7] =	sst s0  }
0x18: {  	s0 =	sld [smem:$0x3F9A];
	_ =	swait.ge [sflag:s4], $0x0  }
0x19: {  	s7 =	sld [smem:$0x3F9B]  }
0x1a: {  	s8 =	sadd.s32 $0xFFFFE003, lr  }
0x1b: {  	s9 =	sadd.s32 $0xFFFFFEF7, lr;
	s5 =	simm.s32 $0xFFFFFFFF;
	p2 =	slt.u32 s8, $0xFFFFF086  }
0x1c: {  	p1 =	slt.u32 s9, $0xF7A;
	s5 =	simm.s32 @!p2 $0x0  }
0x1d: {  	s5 =	simm.s32 @p1 $0x1;
	p0 =	seq.s32 s7, s2  }
0x1e: {  	s7 =	smul.u32 @!p0 $0xF7A, s2;
	p2 =	seq.s32 @!p0 s5, $0x0  }
0x1f: {  	s9 =	smul.u32 $0xF7A, s1;
	s8 =	simm.s32 @!p0 $0x1BF5;
	p2 =	por !p2, p0  }
0x20: {  	[sflag:s8] =	ssyncset.s32 @!p0 $0xFFFFF086;
	s6 =	sadd.s32 @!p0 s3, s7;
	s7 =	simm.s32 @!p0 $0x108  }
0x21: {  	s3 =	sadd.s32 s3, s9;
	s6 =	sadd.s32 @!p0 $0x88, s6;
	s7 =	simm.s32 @p2 $0x1082  }
0x22: {  	[simem:s7], [sflag:s8] =	dma.local @!p0 [hbm:s6], $0xF7A  }
0x23: {  	s9 =	sor.u32 $0xD0000000, s2;
	s6 =	simm.s32 $0x108;
	_ =	swait.ge @!p0 [sflag:s8], $0x0  }
0x24: {  	s3 =	sadd.s32 $0x88, s3;
	s6 =	simm.s32 @!p1 $0x1082;
	[sflag:s4] =	ssyncset.s32 $0xFFFFF086  }
0x25: {  	[simem:s6], [sflag:s4] =	dma.local [hbm:s3], $0xF7A  }
0x26: {  	[smem:$0x3F9B] =	sst s1;
	(tag) =	ssettag s2;
	_ =	strace s9  }
0x27: {  	s1 =	sld [smem:$0x3FAB]  }
0x28: {  	s2 =	sld [smem:$0x3FAC]  }
0x29: {  	s4 =	sld [smem:$0x3FAE]  }
0x2a: {  	p0 =	seq.s32 s5, $0x0;
	s5 =	sld [smem:$0x3FAF]  }
0x2b: {  	s6 =	sld [smem:$0x3FB0]  }
0x2c: {  	s7 =	sld [smem:$0x3FB1]  }
0x2d: {  	s3 =	simm.s32 $0x108;
	s8 =	sld [smem:$0x3FB2]  }
0x2e: {  	s3 =	simm.s32 @!p0 $0x1082;
	s9 =	sld [smem:$0x3FB3]  }
0x2f: {  	lr =	sadd.s32 s0, s3;
	s0 =	sld [smem:$0x3FAA]  }
0x30: {  	s3 =	sld [smem:$0x3FAD]  }
0x31: {  	[smem:$0x3FB6] =	sst s10  }
0x32: {  	s10 =	sld [smem:$0x3FB4];
	_ =	sdelay $0x3  }
0x33: {  	p0 =	seq.s32 s10, $0x1;
	s10 =	sld [smem:$0x3FB6];
	_ =	sdelay $0x3  }
0x34: {  	[smem:$0x3FB6] =	sst s10  }
0x35: {  	s10 =	sld [smem:$0x3FB5];
	_ =	sdelay $0x3  }
0x36: {  	p1 =	seq.s32 s10, $0x1;
	s10 =	sld [smem:$0x3FB6];
	_ =	sdelay $0x3  }
0x37: {  	[smem:$0x3FB6] =	sst s10  }
0x38: {  	s10 =	sld [smem:$0x3FB7]  }
0x39: {  	_ = 	snop;
	(pc) =	sbr.ind lr, $3  }
0x3a: {  	_ = 	snop  }
0x3b: {  	_ = 	snop  }
0x3c: {  	p2 =	seq.s32 s10, $0x1;
	s10 =	sld [smem:$0x3FB6]  }
0x3d: {  	_ =	shalt  }
0x3e: {  	_ =	shalt  }
0x3f: {  	_ =	shalt  }
0x40: {  	_ =	shalt  }
0x41: {  	_ =	shalt  }
0x42: {  	_ =	shalt  }
0x43: {  	_ =	shalt  }
0x44: {  	_ =	shalt  }
0x45: {  	_ =	shalt  }
0x46: {  	_ =	shalt  }
0x47: {  	_ =	shalt  }
0x48: {  	_ =	shalt  }
0x49: {  	_ =	shalt  }
0x4a: {  	_ =	shalt  }
0x4b: {  	_ =	shalt  }
0x4c: {  	_ =	shalt  }
0x4d: {  	_ =	shalt  }
0x4e: {  	_ =	shalt  }
0x4f: {  	_ =	shalt  }
0x50: {  	_ =	shalt  }
0x51: {  	_ =	shalt  }
0x52: {  	_ =	shalt  }
0x53: {  	_ =	shalt  }
0x54: {  	_ =	shalt  }
0x55: {  	_ =	shalt  }
0x56: {  	_ =	shalt  }
0x57: {  	_ =	shalt  }
0x58: {  	_ =	shalt  }
0x59: {  	_ =	shalt  }
0x5a: {  	_ =	shalt  }
0x5b: {  	_ =	shalt  }
0x5c: {  	_ =	shalt  }
0x5d: {  	_ =	shalt  }
0x5e: {  	_ =	shalt  }
0x5f: {  	_ =	shalt  }
0x60: {  	_ =	shalt  }
0x61: {  	_ =	shalt  }
0x62: {  	_ =	shalt  }
0x63: {  	_ =	shalt  }
0x64: {  	_ =	shalt  }
0x65: {  	_ =	shalt  }
0x66: {  	_ =	shalt  }
0x67: {  	_ =	shalt  }
0x68: {  	_ =	shalt  }
0x69: {  	_ =	shalt  }
0x6a: {  	_ =	shalt  }
0x6b: {  	_ =	shalt  }
0x6c: {  	_ =	shalt  }
0x6d: {  	_ =	shalt  }
0x6e: {  	_ =	shalt  }
0x6f: {  	_ =	shalt  }
0x70: {  	_ =	shalt  }
0x71: {  	_ =	shalt  }
0x72: {  	_ =	shalt  }
0x73: {  	_ =	shalt  }
0x74: {  	_ =	shalt  }
0x75: {  	_ =	shalt  }
0x76: {  	_ =	shalt  }
0x77: {  	_ =	shalt  }
0x78: {  	_ =	shalt  }
0x79: {  	_ =	shalt  }
0x7a: {  	_ =	shalt  }
0x7b: {  	_ =	shalt  }
0x7c: {  	_ =	shalt  }
0x7d: {  	_ =	shalt  }
0x7e: {  	_ =	shalt  }
0x7f: {  	_ =	shalt  }
0x80: {  	_ =	shalt  }
0x81: {  	_ =	shalt  }
0x82: {  	_ =	shalt  }
0x83: {  	_ =	shalt  }
0x84: {  	_ =	shalt  }
0x85: {  	_ =	shalt  }
0x86: {  	_ =	shalt  }
0x87: {  	_ =	shalt  }
.Lfunc_end0:
.L_simem_size_0:
called_computation_lowered:
.L_overlay_start_0:
0x88: {  	s2 =	sld [smem:$0x3FD9]  }
0x89: {  	s3 =	sld [smem:$0x3FFE];
	_ =	sdelay $0x1  }
0x8a: {  	s1 =	srdreg.scid  }
0x8b: {  	s0 =	sand.u32 $0x1, s1  }
0x8c: {  	s16 =	sshll.u32 s0, $0xA;
	s2 =	sadd.s32 s3, s2  }
0x8d: {  	s2 =	sadd.s32 s2, s16  }
0x8e: {  	[smem:$0x3FC2] =	sst s2  }
0x8f: {  	_ = 	snop  }
0x90: {  	(tm) =	ssettm $0x1  }
0x91: {  	s17 =	sld [smem:$0x3FFB];
	_ =	sdelay $0x3  }
0x92: {  	_ =	strace s17  }
0x93: {  	s2 =	sld [smem:$0x3FFC];
	_ =	sdelay $0x3  }
0x94: {  	_ =	strace s2  }
0x95: {  	s2 =	sld [smem:$0x3FFD];
	_ =	sdelay $0x3  }
0x96: {  	_ =	strace s2  }
0x97: {  	_ =	strace $0x8FFFFFFF  }
0x98: {  	s18 =	sld [smem:$0x3FDB];
	_ =	sdelay $0x1  }
0x99: {  	s19 =	simm.s32 $_scs_section_size  }
0x9a: {  	s4 =	simm.s32 $_size__tile_overlayer_lowered;
	s5 =	simm.s32 $_tile_overlayer_lowered  }
0x9b: {  	s22 =	simm.s32 $0x1BFF;
	s21 =	sshll.u32 s5, $0x1;
	s2 =	sadd.s32 s19, s18  }
0x9c: {  	s6 =	simm.s32 $0x0;
	s20 =	sshll.u32 s4, $0x1;
	s4 =	sadd.s32 s21, s2  }
0x9d: {  	[timem:s6], [sflag:s22] =	dma.local [hbm:s4], s20  }
0x9e: {  	_ =	swait.ge [sflag:s22], s20  }
0x9f: {  	s3 =	ssub.s32 $0x0, s20;
	[sflag:s22] =	ssyncset.done $0x0  }
0xa0: {  	[sflag:s22] =	ssyncadd.s32 s3;
	_ =	sdelay $0x1  }
0xa1: {  	s23 =	simm.s32 $0x1B8B  }
0xa2: {  	_ =	swait.ge [sflag:s23], $0x1  }
0xa3: {  	[sflag:s23] =	ssyncset.done $0x0  }
0xa4: {  	s25 =	simm.s32 $0x1B8E;
	s24 =	sld [smem:$0x3FFE];
	[sflag:s23] =	ssyncadd.s32 $0xFFFFFFFF  }
0xa5: {  	s26 =	simm.s32 $execute0_lowered;
	[smem:$0x3FD2] =	sst s25  }
0xa6: {  	s4 =	sshll.u32 s26, $0x1;
	_ =	strace $0x80000046;
	[dreg:$0x1] =	wrdreg $0xFFFFFFFF  }
0xa7: {  	s28 =	simm.s32 $_size_execute0_lowered;
	s2 =	sadd.s32 s2, s4;
	[dreg:$0x0] =	wrdreg $0x0  }
0xa8: {  	s4 =	sshll.u32 s28, $0x1;
	[dreg:$0x2] =	wrdreg s2  }
0xa9: {  	[dreg:$0x3] =	wrdreg s4  }
0xaa: {  	[dreg:$0x4] =	wrdreg $0xC0  }
0xab: {  	_ =	task [dreg:s6], $0x5FFFF  }
0xac: {  	[dreg:$0x1] =	wrdreg $0xFFFFFFFF  }
0xad: {  	[dreg:$0x0] =	wrdreg $0x60  }
0xae: {  	[dreg:$0x2] =	wrdreg s24  }
0xaf: {  	[dreg:$0x3] =	wrdreg $0x117100  }
0xb0: {  	[dreg:$0x4] =	wrdreg $0x1B5E80  }
0xb1: {  	[dreg:$0x5] =	wrdreg $0x1B3700  }
0xb2: {  	[dreg:$0x6] =	wrdreg $0x1B8680  }
0xb3: {  	[dreg:$0x7] =	wrdreg $0x9  }
0xb4: {  	_ =	task.clear_ibuf [dreg:s6], $0x8FFFF;
	_ =	strace $0x90000046  }
0xb5: {  	s29 =	simm.s32 $0x9;
	_ =	strace $0x80000048  }
0xb6: {  	_ =	swait.ge [sflag:s29], $0x1  }
0xb7: {  	[sflag:s29] =	ssyncadd.s32 $0xFFFFFFFF  }
0xb8: {  	_ =	strace $0x90000048  }
0xb9: {  	_ =	sfence  }
0xba: {  	s30 =	sld [smem:$0x0];
	_ =	sdelay $0x2  }
0xbb: {  	s31 =	sshll.u32 s1, $0xD;
	s1 =	sshrl.u32 s1, $0x2  }
0xbc: {  	s3 =	sand.u32 $0x4000, s31;
	s1 =	sadd.s32 s1, s30  }
0xbd: {  	s0 =	sor.u32 s3, s0;
	s1 =	sshll.u32 s1, $0x11  }
0xbe: {  	s0 =	sor.u32 s1, s0  }
0xbf: {  	s0 =	sadd.s32 $0x8F2B, s0  }
0xc0: {  	[sflag:s0] =	ssyncadd.remote.s32 $0x1  }
0xc1: {  	_ =	sfence.sel $0xFFFF  }
0xc2: {  	[dreg:$0x0] =	wrdreg $0xFFFFFFFF;
	(pc) =	sbr.abs _section_cstart, $3  }
0xc3: {  	[dreg:$0x1] =	wrdreg $0xFFFFFFFF  }
0xc4: {  	_ =	task.clear_ibuf [dreg:s6], $0x2FFFF;
	_ =	strace $0x9FFFFFFF  }
0xc5: {  	(tm) =	ssettm $0x7FFFFFFF  }
tec
execute0_lowered:
.L_overlay_start_1:
0x0: {  	(tag) =	ssettag $0x1  }
0x1: {  	s0 =	rddreg [dreg:$0x0]  }
0x2: {  	s1 =	rddreg [dreg:$0x1]  }
0x3: {  	s2 =	rddreg [dreg:$0x2];
	s19 =	stileid.u32  }
0x4: {  	s3 =	rddreg [dreg:$0x3];
	s5 =	smul.u32 $0x9C4, s19  }
0x5: {  	s4 =	rddreg [dreg:$0x4];
	s7 =	smul.u32 $0x9C40, s19  }
0x6: {  	s6 =	srdreg.scid;
	s8 =	simm.s32 $0x0;
	s10 =	smul.u32 $0x280, s19  }
0x7: {  	s6 =	sand.u32 $0x1, s6;
	[smem:$0x7FF] =	sst s8;
	s12 =	smul.u32 $0x27100, s19  }
0x8: {  	s11 =	sadd.s32 $0x15400, s0;
	s31 =	smul.u32 $0x2800, s19;
	s20 =	sadd.s32 $0x15408, s0  }
0x9: {  	s30 =	sadd.s32 $0x77E00, s0;
	p2 =	seq.s32 s19, $0xF;
	s25 =	smul.u32 $0x9C400, s6  }
0xa: {  	p1 =	sne.s32 s19, $0x0;
	_ =	strace $0x80000047;
	s9 =	smul.u32 $0x4E2, s6  }
0xb: {  	s13 =	ssub.s32 $0x2, s6;
	p0 =	seq.s32 s6, $0x0;
	s5 =	sadd.s32 s5, s0  }
0xc: {  	s14 =	sshrl.u32 s10, $0x3;
	s15 =	sshrl.u32 s13, $0x1;
	s18 =	sadd.s32 s31, s20  }
0xd: {  	s12 =	sshrl.u32 s12, $0x2;
	s21 =	sadd.s32 s11, s31;
	[dreg:$0xa] =	wrdreg s18  }
0xe: {  	s16 =	sadd.s32 $0x140, s10;
	s23 =	sadd.s32 s10, s3;
	[dreg:$0xc] =	wrdreg s21  }
0xf: {  	s24 =	sadd.s32 s10, s4;
	s8 =	sadd.s32 s7, s25;
	[dreg:$0x10] =	wrdreg s23  }
0x10: {  	s9 =	sadd.s32 s9, s0;
	s22 =	sadd.s32 $0xB600, s5;
	[dreg:$0x11] =	wrdreg s24  }
0x11: {  	s13 =	ssub.s32 s13, s15;
	s5 =	sadd.s32 $0x1800, s5;
	[dreg:$0xe] =	wrdreg s22  }
0x12: {  	s17 =	sshll.u32 s16, $0x4;
	s15 =	sadd.s32 $0x8AA00, s0;
	[dreg:$0xf] =	wrdreg s5  }
0x13: {  	s25 =	sshll.u32 s16, $0x3;
	s16 =	sadd.s32 $0x3C008, s0;
	[dreg:$0x19] =	wrdreg s15  }
0x14: {  	s12 =	sadd.s32 s12, s1;
	s23 =	sadd.s32 $0x3C000, s0;
	[dreg:$0x1a] =	wrdreg s16  }
0x15: {  	s14 =	sadd.s32 s14, s0;
	s26 =	sadd.s32 $0x1F40, s12;
	[dreg:$0x1e] =	wrdreg s23  }
0x16: {  	s7 =	sadd.s32 s7, s1;
	s28 =	sadd.s32 $0x3E80, s12;
	[dreg:$0x6] =	wrdreg s26  }
0x17: {  	s18 =	sadd.s32 s10, s2;
	s29 =	sadd.s32 $0x5DC0, s12;
	[dreg:$0x7] =	wrdreg s28  }
0x18: {  	s21 =	sadd.s32 $0x64400, s0;
	s12 =	sadd.s32 $0x7D00, s12;
	[dreg:$0x8] =	wrdreg s29  }
0x19: {  	s8 =	sshrl.u32 s8, $0x3;
	s11 =	sadd.s32 s11, s17;
	[dreg:$0x9] =	wrdreg s12  }
0x1a: {  	s5 =	sadd.s32 s21, s25;
	s22 =	sadd.s32 $0x77000, s0;
	[dreg:$0xd] =	wrdreg s11  }
0x1b: {  	s15 =	simm.s32 $0xC490;
	s23 =	simm.s32 $0x11490;
	[dreg:$0x17] =	wrdreg s5  }
0x1c: {  	s16 =	simm.s32 $0x1;
	s12 =	sadd.s32 s17, s20;
	[dreg:$0x1d] =	wrdreg s22  }
0x1d: {  	s8 =	sadd.s32 s8, s0;
	s28 =	sadd.s32 $0x3C600, s14;
	[dreg:$0xb] =	wrdreg s12  }
0x1e: {  	s26 =	smul.u32 $0x1400, s19;
	s29 =	sadd.s32 $0x3CC00, s14;
	[dreg:$0x12] =	wrdreg s28  }
0x1f: {  	s14 =	sadd.s32 $0x3AC08, s0;
	s17 =	sadd.s32 $0x8B400, s0;
	[dreg:$0x13] =	wrdreg s29  }
0x20: {  	s20 =	sadd.s32 $0x3AC00, s0;
	s0 =	sadd.s32 $0x77A00, s0;
	[dreg:$0x18] =	wrdreg s14  }
0x21: {  	s22 =	smov.u32 s30;
	s5 =	simm.s32 $0x3;
	[dreg:$0x1b] =	wrdreg s17  }
0x22: {  	s11 =	simm.s32 $0xC440;
	s19 =	simm.s32 $0x0;
	[dreg:$0x1c] =	wrdreg s20  }
0x23: {  	s12 =	sadd.s32 s30, s25;
	[dreg:$0x1f] =	wrdreg s0;
	s24 =	sadd.s32 $0x3D200, s8  }
0x24: {  	s25 =	smul.u32 $0x50, s6;
	s28 =	smax.u32 s13, $0x1;
	[dreg:$0x16] =	wrdreg s12  }
0x25: {  	s29 =	smul.u32 $0x140, s6;
	s22 =	smov.u32 @p0 s21;
	[smem:$0x7FA] =	sst s24  }
0x26: {  	s13 =	sadd.s32 $0x2580, s3;
	s31 =	sadd.s32 s30, s26;
	[smem:$0x7FC] =	sst s28  }
0x27: {  	s17 =	simm.s32 $0x2;
	s10 =	sadd.s32 s21, s26;
	[dreg:$0x14] =	wrdreg s31  }
0x28: {  	s26 =	sadd.s32 $0x8B800, s9;
	s24 =	simm.s32 $0x50;
	[dreg:$0x15] =	wrdreg s10  }
0x29: {  	s9 =	simm.s32 $0x9C40;
	[smem:$0x7FB] =	sst s26;
	s31 =	sor.u32 $0x4D80, s25  }
0x2a: {  	s0 =	sadd.s32 $0x9BA0, s25;
	s12 =	sshrl.u32 s29, $0x2;
	s25 =	simm.s32 $0x4  }
0x2b: {  	v0 =	vimm.f32 $0.0e+00;
	v1 =	vimm.f32 $1.000000000e+00;
	s10 =	simm.s32 $0xB040;
	[smem:$0x7FD] =	sst s31;
	s14 =	sadd.s32 $0x4E20, s12  }
.LBB2_1:
0x2c: {  	s8 =	simm.s32 $0x100;
	s6 =	simm.s32 $0x0  }
.LBB2_2:
0x2d: {  	p3 =	sne.s32 s8, $0x13F00;
	[tilespmem:s6+$0xC4C0] =	vst v0;
	s20 =	smov.u32 s8;
	s8 =	sadd.s32 $0x100, s8  }
.Ltmp0:
0x2e: {  	[tilespmem:s6+$0xC4B0] =	vst v0;
	(pc) =	sbr.rel @p3 .LBB2_2-.Ltmp0, $3  }
0x2f: {  	[tilespmem:s6+$0xC490] =	vst v0  }
0x30: {  	[tilespmem:s6+$0xC4A0] =	vst v0;
	_ =	sdelay $0x1  }
0x31: {  	s6 =	sshra.s32 s20, $0x2  }
0x32: {  	[tilespmem:s6+$0xC4C0] =	vst v0  }
0x33: {  	[tilespmem:s6+$0xC4B0] =	vst v0  }
0x34: {  	[tilespmem:s6+$0xC490] =	vst v0  }
0x35: {  	[tilespmem:s6+$0xC4A0] =	vst v0  }
0x36: {  	[tilespmem:$0x11490] =	vst v0  }
0x37: {  	[tilespmem:$0x114A0] =	vst v0  }
0x38: {  	[tilespmem:$0x114B0] =	vst v0  }
0x39: {  	[tilespmem:$0x114C0] =	vst v0  }
0x3a: {  	[tilespmem:$0x114D0] =	vst v0  }
0x3b: {  	[tilespmem:$0x114E0] =	vst v0  }
0x3c: {  	[tilespmem:$0x114F0] =	vst v0  }
0x3d: {  	[tilespmem:$0x11500] =	vst v0  }
0x3e: {  	[tilespmem:$0x11510] =	vst v0  }
0x3f: {  	[tilespmem:$0x11520] =	vst v0  }
0x40: {  	[tilespmem:$0x11530] =	vst v0  }
0x41: {  	[tilespmem:$0x11540] =	vst v0  }
0x42: {  	[tilespmem:$0x11550] =	vst v0  }
0x43: {  	[tilespmem:$0x11560] =	vst v0  }
0x44: {  	[tilespmem:$0x11570] =	vst v0  }
0x45: {  	[tilespmem:$0x11580] =	vst v0  }
0x46: {  	[tilespmem:$0x11590] =	vst v0  }
0x47: {  	[tilespmem:$0x115A0] =	vst v0  }
0x48: {  	[tilespmem:$0x115B0] =	vst v0  }
0x49: {  	[tilespmem:$0x115C0] =	vst v0  }
0x4a: {  	[tilespmem:$0x115D0] =	vst v0  }
0x4b: {  	[tilespmem:$0x115E0] =	vst v0  }
0x4c: {  	[tilespmem:$0x115F0] =	vst v0  }
0x4d: {  	[tilespmem:$0x11600] =	vst v0  }
0x4e: {  	[tilespmem:$0x11610] =	vst v0  }
0x4f: {  	[tilespmem:$0x11620] =	vst v0  }
0x50: {  	[tilespmem:$0x11630] =	vst v0  }
0x51: {  	[tilespmem:$0x11640] =	vst v0  }
0x52: {  	[tilespmem:$0x11650] =	vst v0  }
0x53: {  	[tilespmem:$0x11660] =	vst v0  }
0x54: {  	[tilespmem:$0x11670] =	vst v0  }
0x55: {  	[tilespmem:$0x11680] =	vst v0  }
0x56: {  	[tilespmem:$0x11690] =	vst v0  }
0x57: {  	[tilespmem:$0x116A0] =	vst v0  }
0x58: {  	[tilespmem:$0x116B0] =	vst v0  }
0x59: {  	[tilespmem:$0x116C0] =	vst v0  }
0x5a: {  	[tilespmem:$0x116D0] =	vst v0  }
0x5b: {  	[tilespmem:$0x116E0] =	vst v0  }
0x5c: {  	[tilespmem:$0x116F0] =	vst v0  }
0x5d: {  	[tilespmem:$0x11700] =	vst v0  }
0x5e: {  	[spmem:s7] =	stream.linear.scatter [tilespmem:s15], [sflag:$0x4], $0x1F40, $0x38;
	[tilespmem:$0x1BAE8] =	vst v63  }
0x5f: {  	_ =	swait.ge [sflag:s25], $0x1F40  }
0x60: {  	[sflag:s25] =	ssyncset.done $0x0  }
0x61: {  	s31 =	rddreg [dreg:$0x6];
	[sflag:s25] =	ssyncadd.s32 $0xFFFFE0C0  }
0x62: {  	[spmem:s31] =	stream.linear.scatter [tilespmem:s15], [sflag:$0x4], $0x1F40, $0x38;
	[tilespmem:$0x1BAE8] =	vst v63  }
0x63: {  	_ =	swait.ge [sflag:s25], $0x1F40  }
0x64: {  	[sflag:s25] =	ssyncset.done $0x0  }
0x65: {  	s8 =	rddreg [dreg:$0x7];
	[sflag:s25] =	ssyncadd.s32 $0xFFFFE0C0  }
0x66: {  	[spmem:s8] =	stream.linear.scatter [tilespmem:s15], [sflag:$0x4], $0x1F40, $0x38;
	[tilespmem:$0x1BAE8] =	vst v63  }
0x67: {  	_ =	swait.ge [sflag:s25], $0x1F40  }
0x68: {  	[sflag:s25] =	ssyncset.done $0x0  }
0x69: {  	s20 =	rddreg [dreg:$0x8];
	[sflag:s25] =	ssyncadd.s32 $0xFFFFE0C0  }
0x6a: {  	[spmem:s20] =	stream.linear.scatter [tilespmem:s15], [sflag:$0x4], $0x1F40, $0x38;
	[tilespmem:$0x1BAE8] =	vst v63  }
0x6b: {  	_ =	swait.ge [sflag:s25], $0x1F40  }
0x6c: {  	[sflag:s25] =	ssyncset.done $0x0  }
0x6d: {  	s26 =	rddreg [dreg:$0x9];
	[sflag:s25] =	ssyncadd.s32 $0xFFFFE0C0  }
0x6e: {  	[spmem:s26] =	stream.linear.scatter [tilespmem:s15], [sflag:$0x4], $0x1F40, $0x38;
	[tilespmem:$0x1BAE8] =	vst v63  }
0x6f: {  	_ =	swait.ge [sflag:s25], $0x1F40  }
0x70: {  	[sflag:s25] =	ssyncset.done $0x0  }
0x71: {  	[sflag:s25] =	ssyncadd.s32 $0xFFFFE0C0  }
0x72: {  	[spmem:s18] =	stream.linear.scatter [tilespmem:s23], [sflag:$0x4], $0x280, $0x38;
	[tilespmem:$0x1BAE8] =	vst v63  }
0x73: {  	_ =	swait.ge [sflag:s25], $0x280  }
0x74: {  	[sflag:s25] =	ssyncset.done $0x0  }
0x75: {  	s6 =	simm.s32 @p2 $0x11490;
	[sflag:s25] =	ssyncadd.s32 $0xFFFFFD80  }
0x76: {  	[spmem:s13] =	stream.linear.scatter @p2 [tilespmem:s6], [sflag:$0x4], $0x190, $0x38;
	[tilespmem:$0x1BAE8] =	vst v63  }
0x77: {  	s6 =	simm.s32 @p2 $0x4  }
0x78: {  	_ =	swait.ge @p2 [sflag:s6], $0x190  }
0x79: {  	[sflag:s6] =	ssyncset.done @p2 $0x0  }
0x7a: {  	s8 =	rddreg [dreg:$0x10];
	[sflag:s6] =	ssyncadd.s32 @p2 $0xFFFFFE70;
	s6 =	simm.s32 @!p2 $0x11490  }
0x7b: {  	[spmem:s8] =	stream.linear.scatter @!p2 [tilespmem:s6], [sflag:$0x4], $0x280, $0x38;
	[tilespmem:$0x1BAE8] =	vst v63  }
0x7c: {  	s6 =	simm.s32 @!p2 $0x4  }
0x7d: {  	_ =	swait.ge @!p2 [sflag:s6], $0x280  }
0x7e: {  	[sflag:s6] =	ssyncset.done @!p2 $0x0  }
0x7f: {  	[sflag:s6] =	ssyncadd.s32 @!p2 $0xFFFFFD80  }
0x80: {  	[tilespmem:$0x11490] =	vst v1  }
0x81: {  	[tilespmem:$0x114A0] =	vst v1  }
0x82: {  	[tilespmem:$0x114B0] =	vst v1  }
0x83: {  	[tilespmem:$0x114C0] =	vst v1  }
0x84: {  	s28 =	simm.s32 $0x0;
	s29 =	rddreg [dreg:$0xe];
	[tilespmem:$0x114D0] =	vst v1  }
0x85: {  	[tilespmem:s28], [sflag:$0x4] =	stream.linear.gather [hbm4b:s29+s28], $0x4E20, $0x38;
	[tilespmem:$0x1BAE8] =	vst v63  }
0x86: {  	_ =	swait.ge [sflag:s25], $0x4E20  }
0x87: {  	[sflag:s25] =	ssyncset.done $0x0  }
0x88: {  	s20 =	simm.s32 $0x4E20;
	s31 =	rddreg [dreg:$0xf];
	[sflag:s25] =	ssyncadd.s32 $0xFFFFB1E0  }
0x89: {  	[tilespmem:s20], [sflag:$0x4] =	stream.linear.gather [hbm4b:s31+s28], $0x4E20, $0x38;
	[tilespmem:$0x1BAE8] =	vst v63  }
0x8a: {  	_ =	swait.ge [sflag:s25], $0x4E20  }
0x8b: {  	[sflag:s25] =	ssyncset.done $0x0  }
0x8c: {  	[sflag:s25] =	ssyncadd.s32 $0xFFFFB1E0  }
0x8d: {  	s26 =	simm.s32 $0x4E20;
	[bflag:$0x0] =	sbarrier.arrive $0xFFFF  }
0x8e: {  	[spmem:s2] =	stream.indirect.scatter.add.f32 [tilespmem:s23], [sflag:$0x3], $0x1, s26, s24, $0xb8;
	[tilespmem:$0x1BAE8] =	vst v63  }
0x8f: {  	s28 =	simm.s32 $0x4E70  }
0x90: {  	[spmem:s2] =	stream.indirect.scatter.add.f32 [tilespmem:s23], [sflag:$0x3], $0x1, s28, s24, $0xb8;
	[tilespmem:$0x1BAE8] =	vst v63  }
0x91: {  	s29 =	simm.s32 $0x4EC0  }
0x92: {  	[spmem:s2] =	stream.indirect.scatter.add.f32 [tilespmem:s23], [sflag:$0x3], $0x1, s29, s24, $0xb8;
	[tilespmem:$0x1BAE8] =	vst v63  }
0x93: {  	s31 =	simm.s32 $0x4F10  }
0x94: {  	[spmem:s2] =	stream.indirect.scatter.add.f32 [tilespmem:s23], [sflag:$0x3], $0x1, s31, s24, $0xb8;
	[tilespmem:$0x1BAE8] =	vst v63  }
0x95: {  	s8 =	simm.s32 $0x4F60  }
0x96: {  	[spmem:s2] =	stream.indirect.scatter.add.f32 [tilespmem:s23], [sflag:$0x3], $0x1, s8, s24, $0xb8;
	[tilespmem:$0x1BAE8] =	vst v63  }
0x97: {  	s20 =	simm.s32 $0x4FB0  }
0x98: {  	[spmem:s2] =	stream.indirect.scatter.add.f32 [tilespmem:s23], [sflag:$0x3], $0x1, s20, s24, $0xb8;
	[tilespmem:$0x1BAE8] =	vst v63  }
0x99: {  	s26 =	simm.s32 $0x5000  }
0x9a: {  	[spmem:s2] =	stream.indirect.scatter.add.f32 [tilespmem:s23], [sflag:$0x3], $0x1, s26, s24, $0xb8;
	[tilespmem:$0x1BAE8] =	vst v63  }
0x9b: {  	s28 =	simm.s32 $0x5050  }
0x9c: {  	[spmem:s2] =	stream.indirect.scatter.add.f32 [tilespmem:s23], [sflag:$0x3], $0x1, s28, s24, $0xb8;
	[tilespmem:$0x1BAE8] =	vst v63  }
0x9d: {  	s29 =	simm.s32 $0x50A0  }
0x9e: {  	[spmem:s2] =	stream.indirect.scatter.add.f32 [tilespmem:s23], [sflag:$0x3], $0x1, s29, s24, $0xb8;
	[tilespmem:$0x1BAE8] =	vst v63  }
0x9f: {  	s31 =	simm.s32 $0x50F0  }
0xa0: {  	[spmem:s2] =	stream.indirect.scatter.add.f32 [tilespmem:s23], [sflag:$0x3], $0x1, s31, s24, $0xb8;
	[tilespmem:$0x1BAE8] =	vst v63  }
0xa1: {  	_ =	swait.ge [sflag:s5], $0x50  }
0xa2: {  	[sflag:s5] =	ssyncset.done $0x0  }
0xa3: {  	[sflag:s5] =	ssyncadd.s32 $0xFFFFFFB0  }
0xa4: {  	_ =	swait.ge [sflag:s5], $0x50  }
0xa5: {  	[sflag:s5] =	ssyncset.done $0x0  }
0xa6: {  	[sflag:s5] =	ssyncadd.s32 $0xFFFFFFB0  }
0xa7: {  	_ =	swait.ge [sflag:s5], $0x50  }
0xa8: {  	[sflag:s5] =	ssyncset.done $0x0  }
0xa9: {  	[sflag:s5] =	ssyncadd.s32 $0xFFFFFFB0  }
0xaa: {  	_ =	swait.ge [sflag:s5], $0x50  }
0xab: {  	[sflag:s5] =	ssyncset.done $0x0  }
0xac: {  	[sflag:s5] =	ssyncadd.s32 $0xFFFFFFB0  }
0xad: {  	_ =	swait.ge [sflag:s5], $0x50  }
0xae: {  	[sflag:s5] =	ssyncset.done $0x0  }
0xaf: {  	[sflag:s5] =	ssyncadd.s32 $0xFFFFFFB0  }
0xb0: {  	_ =	swait.ge [sflag:s5], $0x50  }
0xb1: {  	[sflag:s5] =	ssyncset.done $0x0  }
0xb2: {  	[sflag:s5] =	ssyncadd.s32 $0xFFFFFFB0  }
0xb3: {  	_ =	swait.ge [sflag:s5], $0x50  }
0xb4: {  	[sflag:s5] =	ssyncset.done $0x0  }
0xb5: {  	[sflag:s5] =	ssyncadd.s32 $0xFFFFFFB0  }
0xb6: {  	_ =	swait.ge [sflag:s5], $0x50  }
0xb7: {  	[sflag:s5] =	ssyncset.done $0x0  }
0xb8: {  	[sflag:s5] =	ssyncadd.s32 $0xFFFFFFB0  }
0xb9: {  	_ =	swait.ge [sflag:s5], $0x50  }
0xba: {  	[sflag:s5] =	ssyncset.done $0x0  }
0xbb: {  	[sflag:s5] =	ssyncadd.s32 $0xFFFFFFB0  }
0xbc: {  	_ =	swait.ge [sflag:s5], $0x50  }
0xbd: {  	s20 =	simm.s32 $0x320;
	s26 =	simm.s32 $0x1900;
	[sflag:s5] =	ssyncset.done $0x0  }
.LBB2_4:
0xbe: {  	s28 =	sadd.s32 $0x4E20, s20  }
0xbf: {  	[sflag:s5] =	ssyncadd.s32 $0xFFFFFFB0;
	s8 =	smov.u32 s26;
	s6 =	sadd.s32 $0xC80, s26  }
0xc0: {  	[spmem:s2] =	stream.indirect.scatter.add.f32 [tilespmem:s23], [sflag:$0x3], $0x1, s28, s24, $0xb8;
	[tilespmem:$0x1BAE8] =	vst v63  }
0xc1: {  	p3 =	sne.s32 s26, $0x12C00;
	s26 =	sadd.s32 $0x4E70, s20  }
0xc2: {  	[spmem:s2] =	stream.indirect.scatter.add.f32 [tilespmem:s23], [sflag:$0x3], $0x1, s26, s24, $0xb8;
	[tilespmem:$0x1BAE8] =	vst v63  }
0xc3: {  	s26 =	sadd.s32 $0x4EC0, s20  }
0xc4: {  	[spmem:s2] =	stream.indirect.scatter.add.f32 [tilespmem:s23], [sflag:$0x3], $0x1, s26, s24, $0xb8;
	[tilespmem:$0x1BAE8] =	vst v63  }
0xc5: {  	s26 =	sadd.s32 $0x4F10, s20  }
0xc6: {  	[spmem:s2] =	stream.indirect.scatter.add.f32 [tilespmem:s23], [sflag:$0x3], $0x1, s26, s24, $0xb8;
	[tilespmem:$0x1BAE8] =	vst v63  }
0xc7: {  	s26 =	sadd.s32 $0x4F60, s20  }
0xc8: {  	[spmem:s2] =	stream.indirect.scatter.add.f32 [tilespmem:s23], [sflag:$0x3], $0x1, s26, s24, $0xb8;
	[tilespmem:$0x1BAE8] =	vst v63  }
0xc9: {  	s26 =	sadd.s32 $0x4FB0, s20  }
0xca: {  	[spmem:s2] =	stream.indirect.scatter.add.f32 [tilespmem:s23], [sflag:$0x3], $0x1, s26, s24, $0xb8;
	[tilespmem:$0x1BAE8] =	vst v63  }
0xcb: {  	s26 =	sadd.s32 $0x5000, s20  }
0xcc: {  	[spmem:s2] =	stream.indirect.scatter.add.f32 [tilespmem:s23], [sflag:$0x3], $0x1, s26, s24, $0xb8;
	[tilespmem:$0x1BAE8] =	vst v63  }
0xcd: {  	s26 =	sadd.s32 $0x5050, s20  }
0xce: {  	[spmem:s2] =	stream.indirect.scatter.add.f32 [tilespmem:s23], [sflag:$0x3], $0x1, s26, s24, $0xb8;
	[tilespmem:$0x1BAE8] =	vst v63  }
0xcf: {  	s26 =	sadd.s32 $0x50A0, s20  }
0xd0: {  	[spmem:s2] =	stream.indirect.scatter.add.f32 [tilespmem:s23], [sflag:$0x3], $0x1, s26, s24, $0xb8;
	[tilespmem:$0x1BAE8] =	vst v63  }
0xd1: {  	s20 =	sadd.s32 $0x50F0, s20  }
0xd2: {  	[spmem:s2] =	stream.indirect.scatter.add.f32 [tilespmem:s23], [sflag:$0x3], $0x1, s20, s24, $0xb8;
	[tilespmem:$0x1BAE8] =	vst v63  }
0xd3: {  	_ =	swait.ge [sflag:s5], $0x50  }
0xd4: {  	[sflag:s5] =	ssyncset.done $0x0  }
0xd5: {  	[sflag:s5] =	ssyncadd.s32 $0xFFFFFFB0  }
0xd6: {  	_ =	swait.ge [sflag:s5], $0x50  }
0xd7: {  	[sflag:s5] =	ssyncset.done $0x0  }
0xd8: {  	[sflag:s5] =	ssyncadd.s32 $0xFFFFFFB0  }
0xd9: {  	_ =	swait.ge [sflag:s5], $0x50  }
0xda: {  	[sflag:s5] =	ssyncset.done $0x0  }
0xdb: {  	[sflag:s5] =	ssyncadd.s32 $0xFFFFFFB0  }
0xdc: {  	_ =	swait.ge [sflag:s5], $0x50  }
0xdd: {  	[sflag:s5] =	ssyncset.done $0x0  }
0xde: {  	[sflag:s5] =	ssyncadd.s32 $0xFFFFFFB0  }
0xdf: {  	_ =	swait.ge [sflag:s5], $0x50  }
0xe0: {  	[sflag:s5] =	ssyncset.done $0x0  }
0xe1: {  	[sflag:s5] =	ssyncadd.s32 $0xFFFFFFB0  }
0xe2: {  	_ =	swait.ge [sflag:s5], $0x50  }
0xe3: {  	[sflag:s5] =	ssyncset.done $0x0  }
0xe4: {  	[sflag:s5] =	ssyncadd.s32 $0xFFFFFFB0  }
0xe5: {  	_ =	swait.ge [sflag:s5], $0x50  }
0xe6: {  	[sflag:s5] =	ssyncset.done $0x0  }
0xe7: {  	[sflag:s5] =	ssyncadd.s32 $0xFFFFFFB0  }
0xe8: {  	_ =	swait.ge [sflag:s5], $0x50  }
0xe9: {  	[sflag:s5] =	ssyncset.done $0x0  }
0xea: {  	[sflag:s5] =	ssyncadd.s32 $0xFFFFFFB0  }
.Ltmp1:
0xeb: {  	_ =	swait.ge [sflag:s5], $0x50;
	(pc) =	sbr.rel @p3 .LBB2_4-.Ltmp1, $4  }
0xec: {  	[sflag:s5] =	ssyncset.done $0x0  }
0xed: {  	[sflag:s5] =	ssyncadd.s32 $0xFFFFFFB0  }
0xee: {  	_ =	swait.ge [sflag:s5], $0x50  }
0xef: {  	s26 =	smov.u32 s6;
	s20 =	sshra.s32 s8, $0x2;
	[sflag:s5] =	ssyncset.done $0x0  }
0xf0: {  	s6 =	sadd.s32 $0x4E20, s20;
	[sflag:s5] =	ssyncadd.s32 $0xFFFFFFB0  }
0xf1: {  	[spmem:s2] =	stream.indirect.scatter.add.f32 [tilespmem:s23], [sflag:$0x3], $0x1, s6, s24, $0xb8;
	[tilespmem:$0x1BAE8] =	vst v63  }
0xf2: {  	s26 =	sadd.s32 $0x4E70, s20  }
0xf3: {  	[spmem:s2] =	stream.indirect.scatter.add.f32 [tilespmem:s23], [sflag:$0x3], $0x1, s26, s24, $0xb8;
	[tilespmem:$0x1BAE8] =	vst v63  }
0xf4: {  	s28 =	sadd.s32 $0x4EC0, s20  }
0xf5: {  	[spmem:s2] =	stream.indirect.scatter.add.f32 [tilespmem:s23], [sflag:$0x3], $0x1, s28, s24, $0xb8;
	[tilespmem:$0x1BAE8] =	vst v63  }
0xf6: {  	s29 =	sadd.s32 $0x4F10, s20  }
0xf7: {  	[spmem:s2] =	stream.indirect.scatter.add.f32 [tilespmem:s23], [sflag:$0x3], $0x1, s29, s24, $0xb8;
	[tilespmem:$0x1BAE8] =	vst v63  }
0xf8: {  	s31 =	sadd.s32 $0x4F60, s20  }
0xf9: {  	[spmem:s2] =	stream.indirect.scatter.add.f32 [tilespmem:s23], [sflag:$0x3], $0x1, s31, s24, $0xb8;
	[tilespmem:$0x1BAE8] =	vst v63  }
0xfa: {  	s8 =	sadd.s32 $0x4FB0, s20  }
0xfb: {  	[spmem:s2] =	stream.indirect.scatter.add.f32 [tilespmem:s23], [sflag:$0x3], $0x1, s8, s24, $0xb8;
	[tilespmem:$0x1BAE8] =	vst v63  }
0xfc: {  	s26 =	sadd.s32 $0x5000, s20  }
0xfd: {  	[spmem:s2] =	stream.indirect.scatter.add.f32 [tilespmem:s23], [sflag:$0x3], $0x1, s26, s24, $0xb8;
	[tilespmem:$0x1BAE8] =	vst v63  }
0xfe: {  	s28 =	sadd.s32 $0x5050, s20  }
0xff: {  	[spmem:s2] =	stream.indirect.scatter.add.f32 [tilespmem:s23], [sflag:$0x3], $0x1, s28, s24, $0xb8;
	[tilespmem:$0x1BAE8] =	vst v63  }
0x100: {  	s29 =	sadd.s32 $0x50A0, s20  }
0x101: {  	[spmem:s2] =	stream.indirect.scatter.add.f32 [tilespmem:s23], [sflag:$0x3], $0x1, s29, s24, $0xb8;
	[tilespmem:$0x1BAE8] =	vst v63  }
0x102: {  	s31 =	sadd.s32 $0x50F0, s20  }
0x103: {  	[spmem:s2] =	stream.indirect.scatter.add.f32 [tilespmem:s23], [sflag:$0x3], $0x1, s31, s24, $0xb8;
	[tilespmem:$0x1BAE8] =	vst v63  }
0x104: {  	_ =	swait.ge [sflag:s5], $0x50  }
0x105: {  	[sflag:s5] =	ssyncset.done $0x0  }
0x106: {  	[sflag:s5] =	ssyncadd.s32 $0xFFFFFFB0  }
0x107: {  	_ =	swait.ge [sflag:s5], $0x50  }
0x108: {  	[sflag:s5] =	ssyncset.done $0x0  }
0x109: {  	[sflag:s5] =	ssyncadd.s32 $0xFFFFFFB0  }
0x10a: {  	_ =	swait.ge [sflag:s5], $0x50  }
0x10b: {  	[sflag:s5] =	ssyncset.done $0x0  }
0x10c: {  	[sflag:s5] =	ssyncadd.s32 $0xFFFFFFB0  }
0x10d: {  	_ =	swait.ge [sflag:s5], $0x50  }
0x10e: {  	[sflag:s5] =	ssyncset.done $0x0  }
0x10f: {  	[sflag:s5] =	ssyncadd.s32 $0xFFFFFFB0  }
0x110: {  	_ =	swait.ge [sflag:s5], $0x50  }
0x111: {  	[sflag:s5] =	ssyncset.done $0x0  }
0x112: {  	[sflag:s5] =	ssyncadd.s32 $0xFFFFFFB0  }
0x113: {  	_ =	swait.ge [sflag:s5], $0x50  }
0x114: {  	[sflag:s5] =	ssyncset.done $0x0  }
0x115: {  	[sflag:s5] =	ssyncadd.s32 $0xFFFFFFB0  }
0x116: {  	_ =	swait.ge [sflag:s5], $0x50  }
0x117: {  	[sflag:s5] =	ssyncset.done $0x0  }
0x118: {  	[sflag:s5] =	ssyncadd.s32 $0xFFFFFFB0  }
0x119: {  	_ =	swait.ge [sflag:s5], $0x50  }
0x11a: {  	[sflag:s5] =	ssyncset.done $0x0  }
0x11b: {  	[sflag:s5] =	ssyncadd.s32 $0xFFFFFFB0  }
0x11c: {  	_ =	swait.ge [sflag:s5], $0x50  }
0x11d: {  	[sflag:s5] =	ssyncset.done $0x0  }
0x11e: {  	[sflag:s5] =	ssyncadd.s32 $0xFFFFFFB0  }
0x11f: {  	_ =	swait.ge [sflag:s5], $0x50  }
0x120: {  	[sflag:s5] =	ssyncset.done $0x0  }
0x121: {  	[sflag:s5] =	ssyncadd.s32 $0xFFFFFFB0  }
0x122: {  	[bflag:$0x0] =	sbarrier.arrive $0xFFFF  }
0x123: {  	[tilespmem:s23], [sflag:$0x4] =	stream.linear.gather [spmem:s18], $0x280, $0x38;
	[tilespmem:$0x1BAE8] =	vst v63  }
0x124: {  	_ =	swait.ge [sflag:s25], $0x280  }
0x125: {  	[sflag:s25] =	ssyncset.done $0x0  }
0x126: {  	s20 =	simm.s32 $0x0;
	[sflag:s25] =	ssyncadd.s32 $0xFFFFFD80  }
0x127: {  	v2 =	vld [tilespmem:s20+$0x11490];
	_ =	sdelay $0x4  }
0x128: {  	v2 =	vadd.f32 $1.000000000e+00, v2;
	_ =	sdelay $0x1  }
0x129: {  	vm0 =	vgt.f32 v2, $2.000000000e+00  }
0x12a: {  	v3 =	vsel vm0, $0x3F000000, v1  }
0x12b: {  	v4 =	vmul.f32 v3, v2;
	_ =	sdelay $0x1  }
0x12c: {  	v4 =	vmul.f32 v4, v3  }
0x12d: {  	v5 =	vmul.f32 $5.000000000e-01, v3  }
0x12e: {  	vm7 =	vgt.f32 v4, $2.000000000e+00  }
0x12f: {  	v3 =	vsel vm7, v5, v3  }
0x130: {  	v4 =	vmul.f32 v3, v2;
	_ =	sdelay $0x1  }
0x131: {  	v4 =	vmul.f32 v4, v3  }
0x132: {  	v5 =	vmul.f32 $5.000000000e-01, v3  }
0x133: {  	vm8 =	vgt.f32 v4, $2.000000000e+00  }
0x134: {  	v3 =	vsel vm8, v5, v3  }
0x135: {  	v4 =	vmul.f32 v3, v2;
	_ =	sdelay $0x1  }
0x136: {  	v4 =	vmul.f32 v4, v3  }
0x137: {  	v5 =	vmul.f32 $5.000000000e-01, v3  }
0x138: {  	vm9 =	vgt.f32 v4, $2.000000000e+00  }
0x139: {  	v3 =	vsel vm9, v5, v3  }
0x13a: {  	v4 =	vmul.f32 v3, v2;
	_ =	sdelay $0x1  }
0x13b: {  	v4 =	vmul.f32 v4, v3  }
0x13c: {  	v5 =	vmul.f32 $5.000000000e-01, v3  }
0x13d: {  	vm10 =	vgt.f32 v4, $2.000000000e+00  }
0x13e: {  	v3 =	vsel vm10, v5, v3  }
0x13f: {  	v4 =	vmul.f32 v3, v2;
	_ =	sdelay $0x1  }
0x140: {  	v4 =	vmul.f32 v4, v3  }
0x141: {  	v5 =	vmul.f32 $5.000000000e-01, v3  }
0x142: {  	vm11 =	vgt.f32 v4, $2.000000000e+00  }
0x143: {  	v3 =	vsel vm11, v5, v3  }
0x144: {  	v4 =	vmul.f32 v3, v2;
	_ =	sdelay $0x1  }
0x145: {  	v4 =	vmul.f32 v4, v3  }
0x146: {  	v5 =	vmul.f32 $5.000000000e-01, v3  }
0x147: {  	vm12 =	vgt.f32 v4, $2.000000000e+00  }
0x148: {  	v3 =	vsel vm12, v5, v3  }
0x149: {  	v4 =	vmul.f32 v3, v2;
	_ =	sdelay $0x1  }
0x14a: {  	v4 =	vmul.f32 v4, v3  }
0x14b: {  	v5 =	vmul.f32 $5.000000000e-01, v3  }
0x14c: {  	vm13 =	vgt.f32 v4, $2.000000000e+00  }
0x14d: {  	v3 =	vsel vm13, v5, v3  }
0x14e: {  	v4 =	vmul.f32 v3, v2;
	_ =	sdelay $0x1  }
0x14f: {  	v4 =	vmul.f32 v4, v3  }
0x150: {  	v5 =	vmul.f32 $5.000000000e-01, v3  }
0x151: {  	vm14 =	vgt.f32 v4, $2.000000000e+00  }
0x152: {  	v3 =	vsel vm14, v5, v3  }
0x153: {  	v4 =	vmul.f32 v3, v2;
	_ =	sdelay $0x1  }
0x154: {  	v4 =	vmul.f32 v4, v3  }
0x155: {  	v5 =	vmul.f32 $5.000000000e-01, v3  }
0x156: {  	v2 =	vmul.f32 $5.000000000e-01, v2;
	vm15 =	vgt.f32 v4, $2.000000000e+00  }
0x157: {  	v3 =	vsel vm15, v5, v3  }
0x158: {  	v4 =	vmul.f32 v3, v2;
	_ =	sdelay $0x1  }
0x159: {  	v4 =	vmul.f32 v4, v3;
	_ =	sdelay $0x1  }
0x15a: {  	v4 =	vsub.f32 $1.500000000e+00, v4;
	_ =	sdelay $0x1  }
0x15b: {  	v3 =	vmul.f32 v4, v3;
	_ =	sdelay $0x1  }
0x15c: {  	v4 =	vmul.f32 v3, v2;
	_ =	sdelay $0x1  }
0x15d: {  	v4 =	vmul.f32 v4, v3;
	_ =	sdelay $0x1  }
0x15e: {  	v4 =	vsub.f32 $1.500000000e+00, v4;
	_ =	sdelay $0x1  }
0x15f: {  	v3 =	vmul.f32 v4, v3;
	_ =	sdelay $0x1  }
0x160: {  	v4 =	vmul.f32 v3, v2;
	_ =	sdelay $0x1  }
0x161: {  	v4 =	vmul.f32 v4, v3;
	_ =	sdelay $0x1  }
0x162: {  	v4 =	vsub.f32 $1.500000000e+00, v4;
	_ =	sdelay $0x1  }
0x163: {  	v3 =	vmul.f32 v4, v3;
	_ =	sdelay $0x1  }
0x164: {  	s6 =	simm.s32 $0x40;
	s8 =	simm.s32 $0x80;
	v4 =	vmul.f32 v3, v2  }
.LBB2_6:
0x165: {  	p3 =	sne.s32 s8, $0x9C0  }
0x166: {  	v4 =	vmul.f32 v4, v3;
	_ =	sdelay $0x1  }
0x167: {  	v4 =	vsub.f32 $1.500000000e+00, v4;
	_ =	sdelay $0x1  }
0x168: {  	v3 =	vmul.f32 v4, v3;
	_ =	sdelay $0x1  }
0x169: {  	v2 =	vmul.f32 v3, v2;
	_ =	sdelay $0x1  }
0x16a: {  	v2 =	vmul.f32 v2, v3;
	_ =	sdelay $0x1  }
0x16b: {  	v2 =	vsub.f32 $1.500000000e+00, v2;
	_ =	sdelay $0x1  }
0x16c: {  	v3 =	vmul.f32 v2, v3;
	_ =	sdelay $0x1  }
0x16d: {  	s26 =	sshra.s32 s6, $0x2;
	s6 =	smov.u32 s8;
	[tilespmem:s20+$0x11490] =	vst v3;
	(v2sf) =	vpush v3, $0x0  }
0x16e: {  	v2 =	vld [tilespmem:s26+$0x11490];
	(v2sf) =	vpush v3, $0x1  }
0x16f: {  	(v2sf) =	vpush v3, $0x2  }
0x170: {  	(v2sf) =	vpush v3, $0x3  }
0x171: {  	(v2sf) =	vpush v3, $0x4  }
0x172: {  	(v2sf) =	vpush v3, $0x5  }
0x173: {  	v2 =	vadd.f32 $1.000000000e+00, v2;
	(v2sf) =	vpush v3, $0x6  }
0x174: {  	(v2sf) =	vpush v3, $0x7  }
0x175: {  	vm0 =	vgt.f32 v2, $2.000000000e+00;
	(v2sf) =	vpush v3, $0x8  }
0x176: {  	v4 =	vsel vm0, $0x3F000000, v1;
	(v2sf) =	vpush v3, $0x9  }
0x177: {  	v5 =	vmul.f32 v4, v2;
	(v2sf) =	vpush v3, $0xA  }
0x178: {  	(v2sf) =	vpush v3, $0xB  }
0x179: {  	v5 =	vmul.f32 v5, v4;
	(v2sf) =	vpush v3, $0xC  }
0x17a: {  	v6 =	vmul.f32 $5.000000000e-01, v4;
	(v2sf) =	vpush v3, $0xD  }
0x17b: {  	vm0 =	vgt.f32 v5, $2.000000000e+00;
	(v2sf) =	vpush v3, $0xE  }
0x17c: {  	v4 =	vsel vm0, v6, v4;
	s28 =	spop (v2sf);
	(v2sf) =	vpush v3, $0xF  }
0x17d: {  	v3 =	vmul.f32 v4, v2;
	[smem:s20] =	sst s28;
	s28 =	sadd.s32 $0x1, s20;
	s29 =	spop (v2sf)  }
0x17e: {  	[smem:s28] =	sst s29;
	s28 =	sadd.s32 $0x2, s20;
	s29 =	spop (v2sf)  }
0x17f: {  	v3 =	vmul.f32 v3, v4;
	[smem:s28] =	sst s29;
	s28 =	sadd.s32 $0x3, s20;
	s29 =	spop (v2sf)  }
0x180: {  	v5 =	vmul.f32 $5.000000000e-01, v4;
	[smem:s28] =	sst s29;
	s28 =	sadd.s32 $0x4, s20;
	s29 =	spop (v2sf)  }
0x181: {  	vm0 =	vgt.f32 v3, $2.000000000e+00;
	[smem:s28] =	sst s29;
	s28 =	sadd.s32 $0x5, s20;
	s29 =	spop (v2sf)  }
0x182: {  	v3 =	vsel vm0, v5, v4;
	[smem:s28] =	sst s29;
	s28 =	sadd.s32 $0x6, s20;
	s29 =	spop (v2sf)  }
0x183: {  	v4 =	vmul.f32 v3, v2;
	[smem:s28] =	sst s29;
	s28 =	sadd.s32 $0x7, s20;
	s29 =	spop (v2sf)  }
0x184: {  	s31 =	sadd.s32 $0x8, s20;
	[smem:s28] =	sst s29;
	s28 =	spop (v2sf)  }
0x185: {  	v4 =	vmul.f32 v4, v3;
	[smem:s31] =	sst s28;
	s28 =	sadd.s32 $0x9, s20;
	s29 =	spop (v2sf)  }
0x186: {  	v5 =	vmul.f32 $5.000000000e-01, v3;
	[smem:s28] =	sst s29;
	s28 =	sadd.s32 $0xA, s20;
	s29 =	spop (v2sf)  }
0x187: {  	vm0 =	vgt.f32 v4, $2.000000000e+00;
	[smem:s28] =	sst s29;
	s28 =	sadd.s32 $0xB, s20;
	s29 =	spop (v2sf)  }
0x188: {  	v3 =	vsel vm0, v5, v3;
	[smem:s28] =	sst s29;
	s28 =	sadd.s32 $0xC, s20;
	s29 =	spop (v2sf)  }
0x189: {  	v4 =	vmul.f32 v3, v2;
	[smem:s28] =	sst s29;
	s28 =	sadd.s32 $0xD, s20;
	s29 =	spop (v2sf)  }
0x18a: {  	[smem:s28] =	sst s29;
	s28 =	sadd.s32 $0xE, s20;
	s29 =	spop (v2sf)  }
0x18b: {  	s20 =	sadd.s32 $0xF, s20;
	v4 =	vmul.f32 v4, v3;
	[smem:s28] =	sst s29;
	s28 =	spop (v2sf)  }
0x18c: {  	v5 =	vmul.f32 $5.000000000e-01, v3;
	[smem:s20] =	sst s28;
	s20 =	smov.u32 s26  }
0x18d: {  	vm0 =	vgt.f32 v4, $2.000000000e+00  }
0x18e: {  	v3 =	vsel vm0, v5, v3  }
0x18f: {  	v4 =	vmul.f32 v3, v2;
	_ =	sdelay $0x1  }
0x190: {  	v4 =	vmul.f32 v4, v3  }
0x191: {  	v5 =	vmul.f32 $5.000000000e-01, v3  }
0x192: {  	vm0 =	vgt.f32 v4, $2.000000000e+00  }
0x193: {  	v3 =	vsel vm0, v5, v3  }
0x194: {  	v4 =	vmul.f32 v3, v2;
	_ =	sdelay $0x1  }
0x195: {  	v4 =	vmul.f32 v4, v3  }
0x196: {  	v5 =	vmul.f32 $5.000000000e-01, v3  }
0x197: {  	vm0 =	vgt.f32 v4, $2.000000000e+00  }
0x198: {  	v3 =	vsel vm0, v5, v3  }
0x199: {  	v4 =	vmul.f32 v3, v2;
	_ =	sdelay $0x1  }
0x19a: {  	v4 =	vmul.f32 v4, v3  }
0x19b: {  	v5 =	vmul.f32 $5.000000000e-01, v3  }
0x19c: {  	vm0 =	vgt.f32 v4, $2.000000000e+00  }
0x19d: {  	v3 =	vsel vm0, v5, v3  }
0x19e: {  	v4 =	vmul.f32 v3, v2;
	_ =	sdelay $0x1  }
0x19f: {  	v4 =	vmul.f32 v4, v3  }
0x1a0: {  	v5 =	vmul.f32 $5.000000000e-01, v3  }
0x1a1: {  	vm0 =	vgt.f32 v4, $2.000000000e+00  }
0x1a2: {  	v3 =	vsel vm0, v5, v3  }
0x1a3: {  	v4 =	vmul.f32 v3, v2;
	_ =	sdelay $0x1  }
0x1a4: {  	v4 =	vmul.f32 v4, v3  }
0x1a5: {  	v5 =	vmul.f32 $5.000000000e-01, v3  }
0x1a6: {  	v2 =	vmul.f32 $5.000000000e-01, v2;
	vm0 =	vgt.f32 v4, $2.000000000e+00  }
0x1a7: {  	v3 =	vsel vm0, v5, v3  }
0x1a8: {  	v4 =	vmul.f32 v3, v2;
	_ =	sdelay $0x1  }
0x1a9: {  	v4 =	vmul.f32 v4, v3;
	_ =	sdelay $0x1  }
0x1aa: {  	v4 =	vsub.f32 $1.500000000e+00, v4;
	_ =	sdelay $0x1  }
0x1ab: {  	v3 =	vmul.f32 v4, v3;
	_ =	sdelay $0x1  }
0x1ac: {  	v4 =	vmul.f32 v3, v2;
	_ =	sdelay $0x1  }
0x1ad: {  	v4 =	vmul.f32 v4, v3;
	_ =	sdelay $0x1  }
0x1ae: {  	v4 =	vsub.f32 $1.500000000e+00, v4;
	_ =	sdelay $0x1  }
0x1af: {  	v3 =	vmul.f32 v4, v3;
	_ =	sdelay $0x1  }
0x1b0: {  	v4 =	vmul.f32 v3, v2;
	_ =	sdelay $0x1  }
0x1b1: {  	v4 =	vmul.f32 v4, v3;
	_ =	sdelay $0x1  }
.Ltmp2:
0x1b2: {  	v4 =	vsub.f32 $1.500000000e+00, v4;
	(pc) =	sbr.rel @p3 .LBB2_6-.Ltmp2, $3  }
0x1b3: {  	_ = 	snop  }
0x1b4: {  	v3 =	vmul.f32 v4, v3;
	_ =	sdelay $0x1  }
0x1b5: {  	s8 =	sadd.s32 $0x40, s8;
	v4 =	vmul.f32 v3, v2  }
0x1b6: {  	_ = 	snop  }
0x1b7: {  	v4 =	vmul.f32 v4, v3;
	_ =	sdelay $0x1  }
0x1b8: {  	v4 =	vsub.f32 $1.500000000e+00, v4;
	_ =	sdelay $0x1  }
0x1b9: {  	v3 =	vmul.f32 v4, v3;
	_ =	sdelay $0x1  }
0x1ba: {  	v2 =	vmul.f32 v3, v2;
	_ =	sdelay $0x1  }
0x1bb: {  	v2 =	vmul.f32 v2, v3;
	_ =	sdelay $0x1  }
0x1bc: {  	v2 =	vsub.f32 $1.500000000e+00, v2;
	_ =	sdelay $0x1  }
0x1bd: {  	v2 =	vmul.f32 v2, v3;
	_ =	sdelay $0x1  }
0x1be: {  	s6 =	sshra.s32 s6, $0x2;
	[tilespmem:s20+$0x11490] =	vst v2  }
0x1bf: {  	v3 =	vld [tilespmem:s6+$0x11490];
	_ =	sdelay $0x4  }
0x1c0: {  	v3 =	vadd.f32 $1.000000000e+00, v3;
	_ =	sdelay $0x1  }
0x1c1: {  	vm0 =	vgt.f32 v3, $2.000000000e+00  }
0x1c2: {  	v54 =	vsel vm0, $0x3F000000, v1  }
0x1c3: {  	v5 =	vmul.f32 v54, v3;
	_ =	sdelay $0x1  }
0x1c4: {  	v5 =	vmul.f32 v5, v54  }
0x1c5: {  	v6 =	vmul.f32 $5.000000000e-01, v54  }
0x1c6: {  	vm7 =	vgt.f32 v5, $2.000000000e+00  }
0x1c7: {  	v4 =	vsel vm7, v6, v54  }
0x1c8: {  	v55 =	vmul.f32 v4, v3;
	_ =	sdelay $0x1  }
0x1c9: {  	v5 =	vmul.f32 v55, v4  }
0x1ca: {  	v6 =	vmul.f32 $5.000000000e-01, v4  }
0x1cb: {  	vm8 =	vgt.f32 v5, $2.000000000e+00  }
0x1cc: {  	v4 =	vsel vm8, v6, v4  }
0x1cd: {  	v56 =	vmul.f32 v4, v3;
	_ =	sdelay $0x1  }
0x1ce: {  	v5 =	vmul.f32 v56, v4  }
0x1cf: {  	v6 =	vmul.f32 $5.000000000e-01, v4  }
0x1d0: {  	vm9 =	vgt.f32 v5, $2.000000000e+00  }
0x1d1: {  	v4 =	vsel vm9, v6, v4  }
0x1d2: {  	v57 =	vmul.f32 v4, v3;
	_ =	sdelay $0x1  }
0x1d3: {  	v5 =	vmul.f32 v57, v4  }
0x1d4: {  	v6 =	vmul.f32 $5.000000000e-01, v4  }
0x1d5: {  	vm10 =	vgt.f32 v5, $2.000000000e+00  }
0x1d6: {  	v4 =	vsel vm10, v6, v4  }
0x1d7: {  	v58 =	vmul.f32 v4, v3;
	_ =	sdelay $0x1  }
0x1d8: {  	v5 =	vmul.f32 v58, v4  }
0x1d9: {  	v6 =	vmul.f32 $5.000000000e-01, v4  }
0x1da: {  	vm11 =	vgt.f32 v5, $2.000000000e+00  }
0x1db: {  	v4 =	vsel vm11, v6, v4  }
0x1dc: {  	v59 =	vmul.f32 v4, v3;
	_ =	sdelay $0x1  }
0x1dd: {  	v5 =	vmul.f32 v59, v4  }
0x1de: {  	v6 =	vmul.f32 $5.000000000e-01, v4  }
0x1df: {  	vm12 =	vgt.f32 v5, $2.000000000e+00  }
0x1e0: {  	v4 =	vsel vm12, v6, v4  }
0x1e1: {  	v60 =	vmul.f32 v4, v3;
	_ =	sdelay $0x1  }
0x1e2: {  	v5 =	vmul.f32 v60, v4  }
0x1e3: {  	v6 =	vmul.f32 $5.000000000e-01, v4  }
0x1e4: {  	vm13 =	vgt.f32 v5, $2.000000000e+00  }
0x1e5: {  	v4 =	vsel vm13, v6, v4  }
0x1e6: {  	v61 =	vmul.f32 v4, v3;
	_ =	sdelay $0x1  }
0x1e7: {  	v5 =	vmul.f32 v61, v4  }
0x1e8: {  	v6 =	vmul.f32 $5.000000000e-01, v4  }
0x1e9: {  	vm14 =	vgt.f32 v5, $2.000000000e+00  }
0x1ea: {  	v4 =	vsel vm14, v6, v4  }
0x1eb: {  	v62 =	vmul.f32 v4, v3;
	_ =	sdelay $0x1  }
0x1ec: {  	v5 =	vmul.f32 v62, v4  }
0x1ed: {  	v6 =	vmul.f32 $5.000000000e-01, v4  }
0x1ee: {  	v3 =	vmul.f32 $5.000000000e-01, v3;
	vm15 =	vgt.f32 v5, $2.000000000e+00  }
0x1ef: {  	v4 =	vsel vm15, v6, v4  }
0x1f0: {  	v63 =	vmul.f32 v4, v3;
	_ =	sdelay $0x1  }
0x1f1: {  	v5 =	vmul.f32 v63, v4;
	_ =	sdelay $0x1  }
0x1f2: {  	v5 =	vsub.f32 $1.500000000e+00, v5;
	_ =	sdelay $0x1  }
0x1f3: {  	v4 =	vmul.f32 v5, v4;
	_ =	sdelay $0x1  }
0x1f4: {  	v5 =	vmul.f32 v4, v3;
	_ =	sdelay $0x1  }
0x1f5: {  	v5 =	vmul.f32 v5, v4;
	_ =	sdelay $0x1  }
0x1f6: {  	v5 =	vsub.f32 $1.500000000e+00, v5;
	_ =	sdelay $0x1  }
0x1f7: {  	v4 =	vmul.f32 v5, v4;
	_ =	sdelay $0x1  }
0x1f8: {  	v5 =	vmul.f32 v4, v3;
	_ =	sdelay $0x1  }
0x1f9: {  	v5 =	vmul.f32 v5, v4;
	_ =	sdelay $0x1  }
0x1fa: {  	v5 =	vsub.f32 $1.500000000e+00, v5;
	_ =	sdelay $0x1  }
0x1fb: {  	v4 =	vmul.f32 v5, v4;
	_ =	sdelay $0x1  }
0x1fc: {  	(v2sf) =	vpush v2, $0x0;
	v5 =	vmul.f32 v4, v3  }
0x1fd: {  	(v2sf) =	vpush v2, $0x1  }
0x1fe: {  	(v2sf) =	vpush v2, $0x2;
	v5 =	vmul.f32 v5, v4  }
0x1ff: {  	(v2sf) =	vpush v2, $0x3  }
0x200: {  	(v2sf) =	vpush v2, $0x4;
	v5 =	vsub.f32 $1.500000000e+00, v5  }
0x201: {  	(v2sf) =	vpush v2, $0x5  }
0x202: {  	(v2sf) =	vpush v2, $0x6;
	v4 =	vmul.f32 v5, v4  }
0x203: {  	(v2sf) =	vpush v2, $0x7  }
0x204: {  	(v2sf) =	vpush v2, $0x8;
	v3 =	vmul.f32 v4, v3  }
0x205: {  	(v2sf) =	vpush v2, $0x9  }
0x206: {  	(v2sf) =	vpush v2, $0xA;
	v3 =	vmul.f32 v3, v4  }
0x207: {  	(v2sf) =	vpush v2, $0xB  }
0x208: {  	(v2sf) =	vpush v2, $0xC;
	v3 =	vsub.f32 $1.500000000e+00, v3  }
0x209: {  	(v2sf) =	vpush v2, $0xD  }
0x20a: {  	(v2sf) =	vpush v2, $0xE;
	v3 =	vmul.f32 v3, v4  }
0x20b: {  	s8 =	spop (v2sf);
	(v2sf) =	vpush v2, $0xF  }
0x20c: {  	s31 =	sadd.s32 $0x1, s20;
	[smem:s20] =	sst s8;
	s26 =	spop (v2sf);
	(v2sf) =	vpush v3, $0x0  }
0x20d: {  	s29 =	sadd.s32 $0x2, s20;
	[smem:s31] =	sst s26;
	s31 =	spop (v2sf);
	(v2sf) =	vpush v3, $0x1  }
0x20e: {  	[smem:s29] =	sst s31;
	s29 =	sadd.s32 $0x3, s20;
	s31 =	spop (v2sf);
	(v2sf) =	vpush v3, $0x2  }
0x20f: {  	[smem:s29] =	sst s31;
	s29 =	sadd.s32 $0x4, s20;
	s31 =	spop (v2sf);
	(v2sf) =	vpush v3, $0x3  }
0x210: {  	[smem:s29] =	sst s31;
	s29 =	sadd.s32 $0x5, s20;
	s31 =	spop (v2sf);
	(v2sf) =	vpush v3, $0x4  }
0x211: {  	[smem:s29] =	sst s31;
	s29 =	sadd.s32 $0x6, s20;
	s31 =	spop (v2sf);
	(v2sf) =	vpush v3, $0x5  }
0x212: {  	[smem:s29] =	sst s31;
	s29 =	sadd.s32 $0x7, s20;
	s31 =	spop (v2sf);
	(v2sf) =	vpush v3, $0x6  }
0x213: {  	s28 =	sadd.s32 $0x8, s20;
	[smem:s29] =	sst s31;
	s26 =	spop (v2sf);
	(v2sf) =	vpush v3, $0x7  }
0x214: {  	s29 =	sadd.s32 $0x9, s20;
	[smem:s28] =	sst s26;
	s31 =	spop (v2sf);
	(v2sf) =	vpush v3, $0x8  }
0x215: {  	[smem:s29] =	sst s31;
	s29 =	sadd.s32 $0xA, s20;
	s31 =	spop (v2sf);
	(v2sf) =	vpush v3, $0x9  }
0x216: {  	[smem:s29] =	sst s31;
	s29 =	sadd.s32 $0xB, s20;
	s31 =	spop (v2sf);
	(v2sf) =	vpush v3, $0xA  }
0x217: {  	[smem:s29] =	sst s31;
	s29 =	sadd.s32 $0xC, s20;
	s31 =	spop (v2sf);
	(v2sf) =	vpush v3, $0xB  }
0x218: {  	[smem:s29] =	sst s31;
	s29 =	sadd.s32 $0xD, s20;
	s31 =	spop (v2sf);
	(v2sf) =	vpush v3, $0xC  }
0x219: {  	[smem:s29] =	sst s31;
	s29 =	sadd.s32 $0xE, s20;
	s31 =	spop (v2sf);
	(v2sf) =	vpush v3, $0xD  }
0x21a: {  	s26 =	sadd.s32 $0xF, s20;
	[smem:s29] =	sst s31;
	s29 =	spop (v2sf);
	(v2sf) =	vpush v3, $0xE  }
0x21b: {  	[smem:s26] =	sst s29;
	s31 =	spop (v2sf)  }
0x21c: {  	s20 =	sadd.s32 $0x1, s6;
	(v2sf) =	vpush v3, $0xF;
	[smem:s6] =	sst s31;
	s26 =	spop (v2sf)  }
0x21d: {  	s29 =	sadd.s32 $0x2, s6;
	[smem:s20] =	sst s26;
	s31 =	spop (v2sf)  }
0x21e: {  	s20 =	sadd.s32 $0x3, s6;
	[smem:s29] =	sst s31;
	s26 =	spop (v2sf)  }
0x21f: {  	s29 =	sadd.s32 $0x4, s6;
	[smem:s20] =	sst s26;
	s31 =	spop (v2sf)  }
0x220: {  	s20 =	sadd.s32 $0x5, s6;
	[smem:s29] =	sst s31;
	s26 =	spop (v2sf)  }
0x221: {  	s29 =	sadd.s32 $0x6, s6;
	[smem:s20] =	sst s26;
	s31 =	spop (v2sf)  }
0x222: {  	s20 =	sadd.s32 $0x7, s6;
	[smem:s29] =	sst s31;
	s26 =	spop (v2sf)  }
0x223: {  	s29 =	sadd.s32 $0x8, s6;
	[smem:s20] =	sst s26;
	s31 =	spop (v2sf)  }
0x224: {  	s20 =	sadd.s32 $0x9, s6;
	[smem:s29] =	sst s31;
	s26 =	spop (v2sf)  }
0x225: {  	s29 =	sadd.s32 $0xA, s6;
	[smem:s20] =	sst s26;
	s31 =	spop (v2sf)  }
0x226: {  	s20 =	sadd.s32 $0xB, s6;
	[smem:s29] =	sst s31;
	s26 =	spop (v2sf)  }
0x227: {  	s29 =	sadd.s32 $0xC, s6;
	[smem:s20] =	sst s26;
	s31 =	spop (v2sf)  }
0x228: {  	s20 =	sadd.s32 $0xD, s6;
	[smem:s29] =	sst s31;
	s26 =	spop (v2sf)  }
0x229: {  	s29 =	sadd.s32 $0xE, s6;
	[smem:s20] =	sst s26;
	s31 =	spop (v2sf)  }
0x22a: {  	[smem:s29] =	sst s31  }
0x22b: {  	s26 =	sadd.s32 $0xF, s6;
	s29 =	spop (v2sf);
	s31 =	rddreg [dreg:$0x11]  }
.Ltmp3:
0x22c: {  	[tilespmem:s6+$0x11490] =	vst v3;
	[smem:s26] =	sst s29;
	(pc) =	sbr.rel @!p0 .LBB2_8-.Ltmp3, $4  }
0x22d: {  	[spmem:s31] =	stream.linear.scatter [tilespmem:s23], [sflag:$0x4], $0x280, $0x38;
	[tilespmem:$0x1BAE8] =	vst v63  }
0x22e: {  	_ =	swait.ge [sflag:s25], $0x280  }
0x22f: {  	[sflag:s25] =	ssyncset.done $0x0  }
0x230: {  	s28 =	simm.s32 $0x0;
	[sflag:s25] =	ssyncadd.s32 $0xFFFFFD80  }
.Ltmp4:
0x231: {  	s6 =	rddreg [dreg:$0x13];
	(pc) =	sbr.rel @!p2 .LBB2_15-.Ltmp4, $4  }
0x232: {  	[hbm4b:s6+s28] =	stream.linear.scatter [tilespmem:s23], [sflag:$0x4], $0x280, $0x38;
	[tilespmem:$0x1BAE8] =	vst v63  }
0x233: {  	_ =	swait.ge [sflag:s25], $0x280  }
0x234: {  	[sflag:s25] =	ssyncset.done $0x0  }
0x235: {  	s29 =	simm.s32 $0x40;
	s31 =	simm.s32 $0x80;
	[sflag:s25] =	ssyncadd.s32 $0xFFFFFD80  }
0x236: {  	s6 =	rddreg [dreg:$0x1c]  }
0x237: {  	[tilespmem:s15], [sflag:$0x4] =	stream.strided.gather [hbm4b:s6+s29], $0x5000, s31, s29, $0x38;
	[tilespmem:$0x1BAE8] =	vst v63  }
0x238: {  	_ =	swait.ge [sflag:s25], $0x5000  }
0x239: {  	[sflag:s25] =	ssyncset.done $0x0  }
0x23a: {  	s8 =	simm.s32 $0xC4B0;
	[sflag:s25] =	ssyncadd.s32 $0xFFFFB000  }
0x23b: {  	v2 =	vld [tilespmem:s8+$0xFFFFFFE0]  }
0x23c: {  	v3 =	vld [tilespmem:s8+$0x0]  }
0x23d: {  	s26 =	simm.s32 $0x4;
	s6 =	simm.s32 $0xC4B0;
	s20 =	sld [smem:$0x0];
	v4 =	vld [tilespmem:s8+$0x10]  }
.LBB2_21:
0x23e: {  	p3 =	sne.s32 s26, $0x4FC;
	v5 =	vld [tilespmem:s8+$0xFFFFFFF0];
	_ =	sdelay $0x1  }
0x23f: {  	v2 =	vmul.f32 s20, v2  }
.Ltmp5:
0x240: {  	v3 =	vmul.f32 s20, v3;
	(pc) =	sbr.rel @p3 .LBB2_21-.Ltmp5, $4  }
0x241: {  	s8 =	sadd.s32 $0x40, s8;
	[tilespmem:s6+$0xFFFFFFE0] =	vst v2;
	v4 =	vmul.f32 s20, v4  }
0x242: {  	v2 =	vld [tilespmem:s8+$0xFFFFFFE0];
	v5 =	vmul.f32 s20, v5;
	[tilespmem:s6+$0x0] =	vst v3  }
0x243: {  	s20 =	sshra.s32 s26, $0x2;
	v3 =	vld [tilespmem:s8+$0x0];
	[tilespmem:s6+$0x10] =	vst v4  }
0x244: {  	s26 =	sadd.s32 $0x4, s26;
	s20 =	sld [smem:s20+$0x0];
	v4 =	vld [tilespmem:s8+$0x10];
	[tilespmem:s6+$0xFFFFFFF0] =	vst v5;
	s6 =	smov.u32 s8  }
0x245: {  	v5 =	vld [tilespmem:s8+$0xFFFFFFF0];
	_ =	sdelay $0x1  }
0x246: {  	v2 =	vmul.f32 s20, v2  }
0x247: {  	v3 =	vmul.f32 s20, v3  }
0x248: {  	[tilespmem:s6+$0xFFFFFFE0] =	vst v2;
	v2 =	vmul.f32 s20, v4  }
0x249: {  	v4 =	vmul.f32 s20, v5;
	[tilespmem:s6+$0x0] =	vst v3  }
0x24a: {  	[tilespmem:s6+$0x10] =	vst v2  }
0x24b: {  	s20 =	rddreg [dreg:$0x1d];
	[tilespmem:s6+$0xFFFFFFF0] =	vst v4;
	s6 =	simm.s32 $0x0  }
0x24c: {  	[hbm4b:s20+s6] =	stream.linear.scatter [tilespmem:s15], [sflag:$0x4], $0x5000, $0x38;
	[tilespmem:$0x1BAE8] =	vst v63  }
0x24d: {  	_ =	swait.ge [sflag:s25], $0x5000  }
0x24e: {  	[sflag:s25] =	ssyncset.done $0x0  }
0x24f: {  	s26 =	rddreg [dreg:$0x1e];
	[sflag:s25] =	ssyncadd.s32 $0xFFFFB000  }
0x250: {  	[tilespmem:s15], [sflag:$0x4] =	stream.strided.gather [hbm4b:s26+s29], $0x1400, s31, s29, $0x38;
	[tilespmem:$0x1BAE8] =	vst v63  }
0x251: {  	_ =	swait.ge [sflag:s25], $0x1400  }
0x252: {  	[sflag:s25] =	ssyncset.done $0x0  }
0x253: {  	s8 =	simm.s32 $0xC4B0;
	[sflag:s25] =	ssyncadd.s32 $0xFFFFEC00  }
0x254: {  	v2 =	vld [tilespmem:s8+$0xFFFFFFE0]  }
0x255: {  	s6 =	sand.u32 $0x7F, s6;
	v3 =	vld [tilespmem:s8+$0x0]  }
0x256: {  	s26 =	simm.s32 $0x1;
	s20 =	sld [smem:s6+$0x140];
	v4 =	vld [tilespmem:s8+$0x10];
	s6 =	simm.s32 $0xC4B0  }
.LBB2_23:
0x257: {  	p3 =	sne.s32 s26, $0x4F;
	v5 =	vld [tilespmem:s8+$0xFFFFFFF0];
	_ =	sdelay $0x1  }
0x258: {  	v2 =	vmul.f32 s20, v2  }
.Ltmp6:
0x259: {  	v3 =	vmul.f32 s20, v3;
	(pc) =	sbr.rel @p3 .LBB2_23-.Ltmp6, $4  }
0x25a: {  	s8 =	sadd.s32 $0x40, s8;
	[tilespmem:s6+$0xFFFFFFE0] =	vst v2;
	v4 =	vmul.f32 s20, v4  }
0x25b: {  	v2 =	vld [tilespmem:s8+$0xFFFFFFE0];
	v5 =	vmul.f32 s20, v5;
	[tilespmem:s6+$0x0] =	vst v3  }
0x25c: {  	s20 =	sand.u32 $0x7F, s26;
	v3 =	vld [tilespmem:s8+$0x0];
	[tilespmem:s6+$0x10] =	vst v4  }
0x25d: {  	s26 =	sadd.s32 $0x1, s26;
	s20 =	sld [smem:s20+$0x140];
	v4 =	vld [tilespmem:s8+$0x10];
	[tilespmem:s6+$0xFFFFFFF0] =	vst v5;
	s6 =	smov.u32 s8  }
0x25e: {  	v5 =	vld [tilespmem:s8+$0xFFFFFFF0];
	_ =	sdelay $0x1  }
0x25f: {  	v2 =	vmul.f32 s20, v2  }
0x260: {  	v3 =	vmul.f32 s20, v3  }
0x261: {  	[tilespmem:s6+$0xFFFFFFE0] =	vst v2;
	v2 =	vmul.f32 s20, v4  }
0x262: {  	v63 =	vmul.f32 s20, v5;
	[tilespmem:s6+$0x0] =	vst v3  }
0x263: {  	[tilespmem:s6+$0x10] =	vst v2  }
.Ltmp7:
0x264: {  	s31 =	rddreg [dreg:$0x1f];
	[tilespmem:s6+$0xFFFFFFF0] =	vst v63;
	(pc) =	sbr.rel .LBB2_30-.Ltmp7, $4  }
0x265: {  	[hbm4b:s31+s28] =	stream.linear.scatter [tilespmem:s15], [sflag:$0x4], $0x1400, $0x38;
	[tilespmem:$0x1BAE8] =	vst v63  }
0x266: {  	_ =	swait.ge [sflag:s25], $0x1400  }
0x267: {  	[sflag:s25] =	ssyncset.done $0x0  }
0x268: {  	s6 =	smov.u32 s21;
	[sflag:s25] =	ssyncadd.s32 $0xFFFFEC00  }
.LBB2_8:
.Ltmp8:
0x269: {  	s6 =	rddreg [dreg:$0x12];
	(pc) =	sbr.rel @!p2 .LBB2_9-.Ltmp8, $4  }
0x26a: {  	[hbm4b:s6+s28] =	stream.linear.scatter [tilespmem:s23], [sflag:$0x4], $0x280, $0x38;
	[tilespmem:$0x1BAE8] =	vst v63  }
0x26b: {  	_ =	swait.ge [sflag:s25], $0x280  }
0x26c: {  	[sflag:s25] =	ssyncset.done $0x0  }
0x26d: {  	s29 =	simm.s32 $0x40;
	s31 =	simm.s32 $0x80;
	[sflag:s25] =	ssyncadd.s32 $0xFFFFFD80  }
0x26e: {  	s6 =	rddreg [dreg:$0x18]  }
0x26f: {  	[tilespmem:s15], [sflag:$0x4] =	stream.strided.gather [hbm4b:s6+s29], $0x5000, s31, s29, $0x38;
	[tilespmem:$0x1BAE8] =	vst v63  }
0x270: {  	_ =	swait.ge [sflag:s25], $0x5000  }
0x271: {  	[sflag:s25] =	ssyncset.done $0x0  }
0x272: {  	s8 =	simm.s32 $0xC4B0;
	[sflag:s25] =	ssyncadd.s32 $0xFFFFB000  }
0x273: {  	v2 =	vld [tilespmem:s8+$0xFFFFFFE0]  }
0x274: {  	v3 =	vld [tilespmem:s8+$0x0]  }
0x275: {  	s26 =	simm.s32 $0x4;
	s6 =	simm.s32 $0xC4B0;
	s20 =	sld [smem:$0x0];
	v4 =	vld [tilespmem:s8+$0x10]  }
.LBB2_26:
0x276: {  	p3 =	sne.s32 s26, $0x4FC;
	v5 =	vld [tilespmem:s8+$0xFFFFFFF0];
	_ =	sdelay $0x1  }
0x277: {  	v2 =	vmul.f32 s20, v2  }
.Ltmp9:
0x278: {  	v3 =	vmul.f32 s20, v3;
	(pc) =	sbr.rel @p3 .LBB2_26-.Ltmp9, $4  }
0x279: {  	s8 =	sadd.s32 $0x40, s8;
	[tilespmem:s6+$0xFFFFFFE0] =	vst v2;
	v4 =	vmul.f32 s20, v4  }
0x27a: {  	v2 =	vld [tilespmem:s8+$0xFFFFFFE0];
	v5 =	vmul.f32 s20, v5;
	[tilespmem:s6+$0x0] =	vst v3  }
0x27b: {  	s20 =	sshra.s32 s26, $0x2;
	v3 =	vld [tilespmem:s8+$0x0];
	[tilespmem:s6+$0x10] =	vst v4  }
0x27c: {  	s26 =	sadd.s32 $0x4, s26;
	s20 =	sld [smem:s20+$0x0];
	v4 =	vld [tilespmem:s8+$0x10];
	[tilespmem:s6+$0xFFFFFFF0] =	vst v5;
	s6 =	smov.u32 s8  }
0x27d: {  	v5 =	vld [tilespmem:s8+$0xFFFFFFF0];
	_ =	sdelay $0x1  }
0x27e: {  	v2 =	vmul.f32 s20, v2  }
0x27f: {  	v3 =	vmul.f32 s20, v3  }
0x280: {  	[tilespmem:s6+$0xFFFFFFE0] =	vst v2;
	v2 =	vmul.f32 s20, v4  }
0x281: {  	v4 =	vmul.f32 s20, v5;
	[tilespmem:s6+$0x0] =	vst v3  }
0x282: {  	[tilespmem:s6+$0x10] =	vst v2  }
0x283: {  	s20 =	rddreg [dreg:$0x19];
	[tilespmem:s6+$0xFFFFFFF0] =	vst v4;
	s6 =	simm.s32 $0x0  }
0x284: {  	[hbm4b:s20+s6] =	stream.linear.scatter [tilespmem:s15], [sflag:$0x4], $0x5000, $0x38;
	[tilespmem:$0x1BAE8] =	vst v63  }
0x285: {  	_ =	swait.ge [sflag:s25], $0x5000  }
0x286: {  	[sflag:s25] =	ssyncset.done $0x0  }
0x287: {  	s26 =	rddreg [dreg:$0x1a];
	[sflag:s25] =	ssyncadd.s32 $0xFFFFB000  }
0x288: {  	[tilespmem:s15], [sflag:$0x4] =	stream.strided.gather [hbm4b:s26+s29], $0x1400, s31, s29, $0x38;
	[tilespmem:$0x1BAE8] =	vst v63  }
0x289: {  	_ =	swait.ge [sflag:s25], $0x1400  }
0x28a: {  	[sflag:s25] =	ssyncset.done $0x0  }
0x28b: {  	s8 =	simm.s32 $0xC4B0;
	[sflag:s25] =	ssyncadd.s32 $0xFFFFEC00  }
0x28c: {  	v2 =	vld [tilespmem:s8+$0xFFFFFFE0]  }
0x28d: {  	s6 =	sand.u32 $0x7F, s6;
	v3 =	vld [tilespmem:s8+$0x0]  }
0x28e: {  	s26 =	simm.s32 $0x1;
	s20 =	sld [smem:s6+$0x140];
	v4 =	vld [tilespmem:s8+$0x10];
	s6 =	simm.s32 $0xC4B0  }
.LBB2_28:
0x28f: {  	p3 =	sne.s32 s26, $0x4F;
	v5 =	vld [tilespmem:s8+$0xFFFFFFF0];
	_ =	sdelay $0x1  }
0x290: {  	v2 =	vmul.f32 s20, v2  }
.Ltmp10:
0x291: {  	v3 =	vmul.f32 s20, v3;
	(pc) =	sbr.rel @p3 .LBB2_28-.Ltmp10, $4  }
0x292: {  	s8 =	sadd.s32 $0x40, s8;
	[tilespmem:s6+$0xFFFFFFE0] =	vst v2;
	v4 =	vmul.f32 s20, v4  }
0x293: {  	v2 =	vld [tilespmem:s8+$0xFFFFFFE0];
	v5 =	vmul.f32 s20, v5;
	[tilespmem:s6+$0x0] =	vst v3  }
0x294: {  	s20 =	sand.u32 $0x7F, s26;
	v3 =	vld [tilespmem:s8+$0x0];
	[tilespmem:s6+$0x10] =	vst v4  }
0x295: {  	s26 =	sadd.s32 $0x1, s26;
	s20 =	sld [smem:s20+$0x140];
	v4 =	vld [tilespmem:s8+$0x10];
	[tilespmem:s6+$0xFFFFFFF0] =	vst v5;
	s6 =	smov.u32 s8  }
0x296: {  	v5 =	vld [tilespmem:s8+$0xFFFFFFF0];
	_ =	sdelay $0x1  }
0x297: {  	v2 =	vmul.f32 s20, v2  }
0x298: {  	v3 =	vmul.f32 s20, v3  }
0x299: {  	[tilespmem:s6+$0xFFFFFFE0] =	vst v2;
	v2 =	vmul.f32 s20, v4  }
0x29a: {  	v63 =	vmul.f32 s20, v5;
	[tilespmem:s6+$0x0] =	vst v3  }
0x29b: {  	[tilespmem:s6+$0x10] =	vst v2  }
.Ltmp11:
0x29c: {  	s31 =	rddreg [dreg:$0x1b];
	[tilespmem:s6+$0xFFFFFFF0] =	vst v63;
	(pc) =	sbr.rel .LBB2_30-.Ltmp11, $4  }
0x29d: {  	[hbm4b:s31+s28] =	stream.linear.scatter [tilespmem:s15], [sflag:$0x4], $0x1400, $0x38;
	[tilespmem:$0x1BAE8] =	vst v63  }
0x29e: {  	_ =	swait.ge [sflag:s25], $0x1400  }
0x29f: {  	[sflag:s25] =	ssyncset.done $0x0  }
0x2a0: {  	s6 =	smov.u32 s30;
	[sflag:s25] =	ssyncadd.s32 $0xFFFFEC00  }
.LBB2_15:
0x2a1: {  	s6 =	rddreg [dreg:$0xc]  }
0x2a2: {  	[tilespmem:s15], [sflag:$0x4] =	stream.strided.gather [hbm4b:s6+s29], $0x5000, s31, s29, $0x38;
	[tilespmem:$0x1BAE8] =	vst v63  }
0x2a3: {  	_ =	swait.ge [sflag:s25], $0x5000  }
0x2a4: {  	[sflag:s25] =	ssyncset.done $0x0  }
0x2a5: {  	s8 =	simm.s32 $0xC4B0;
	[sflag:s25] =	ssyncadd.s32 $0xFFFFB000  }
0x2a6: {  	v2 =	vld [tilespmem:s8+$0xFFFFFFE0]  }
0x2a7: {  	v3 =	vld [tilespmem:s8+$0x0]  }
0x2a8: {  	s26 =	simm.s32 $0x4;
	s6 =	simm.s32 $0xC4B0;
	s20 =	sld [smem:$0x0];
	v4 =	vld [tilespmem:s8+$0x10]  }
.LBB2_16:
0x2a9: {  	p3 =	sne.s32 s26, $0x4FC;
	v5 =	vld [tilespmem:s8+$0xFFFFFFF0];
	_ =	sdelay $0x1  }
0x2aa: {  	v2 =	vmul.f32 s20, v2  }
.Ltmp12:
0x2ab: {  	v3 =	vmul.f32 s20, v3;
	(pc) =	sbr.rel @p3 .LBB2_16-.Ltmp12, $4  }
0x2ac: {  	s8 =	sadd.s32 $0x40, s8;
	[tilespmem:s6+$0xFFFFFFE0] =	vst v2;
	v4 =	vmul.f32 s20, v4  }
0x2ad: {  	v2 =	vld [tilespmem:s8+$0xFFFFFFE0];
	v5 =	vmul.f32 s20, v5;
	[tilespmem:s6+$0x0] =	vst v3  }
0x2ae: {  	s20 =	sshra.s32 s26, $0x2;
	v3 =	vld [tilespmem:s8+$0x0];
	[tilespmem:s6+$0x10] =	vst v4  }
0x2af: {  	s26 =	sadd.s32 $0x4, s26;
	s20 =	sld [smem:s20+$0x0];
	v4 =	vld [tilespmem:s8+$0x10];
	[tilespmem:s6+$0xFFFFFFF0] =	vst v5;
	s6 =	smov.u32 s8  }
0x2b0: {  	v5 =	vld [tilespmem:s8+$0xFFFFFFF0];
	_ =	sdelay $0x1  }
0x2b1: {  	v2 =	vmul.f32 s20, v2  }
0x2b2: {  	v3 =	vmul.f32 s20, v3  }
0x2b3: {  	[tilespmem:s6+$0xFFFFFFE0] =	vst v2;
	v2 =	vmul.f32 s20, v4  }
0x2b4: {  	v4 =	vmul.f32 s20, v5;
	[tilespmem:s6+$0x0] =	vst v3  }
0x2b5: {  	[tilespmem:s6+$0x10] =	vst v2  }
0x2b6: {  	s20 =	rddreg [dreg:$0x15];
	[tilespmem:s6+$0xFFFFFFF0] =	vst v4;
	s6 =	simm.s32 $0x0  }
0x2b7: {  	[hbm4b:s20+s6] =	stream.linear.scatter [tilespmem:s15], [sflag:$0x4], $0x5000, $0x38;
	[tilespmem:$0x1BAE8] =	vst v63  }
0x2b8: {  	_ =	swait.ge [sflag:s25], $0x5000  }
0x2b9: {  	[sflag:s25] =	ssyncset.done $0x0  }
0x2ba: {  	s26 =	rddreg [dreg:$0xd];
	[sflag:s25] =	ssyncadd.s32 $0xFFFFB000  }
0x2bb: {  	[tilespmem:s15], [sflag:$0x4] =	stream.strided.gather [hbm4b:s26+s29], $0x5000, s31, s29, $0x38;
	[tilespmem:$0x1BAE8] =	vst v63  }
0x2bc: {  	_ =	swait.ge [sflag:s25], $0x5000  }
0x2bd: {  	[sflag:s25] =	ssyncset.done $0x0  }
0x2be: {  	s8 =	simm.s32 $0xC4B0;
	[sflag:s25] =	ssyncadd.s32 $0xFFFFB000  }
0x2bf: {  	v2 =	vld [tilespmem:s8+$0xFFFFFFE0]  }
0x2c0: {  	s6 =	sand.u32 $0x1FF, s6;
	v3 =	vld [tilespmem:s8+$0x0]  }
0x2c1: {  	s26 =	simm.s32 $0x1;
	s20 =	sld [smem:s6+$0x140];
	v4 =	vld [tilespmem:s8+$0x10];
	s6 =	simm.s32 $0xC4B0  }
.LBB2_18:
0x2c2: {  	p3 =	sne.s32 s26, $0x13F;
	v5 =	vld [tilespmem:s8+$0xFFFFFFF0];
	_ =	sdelay $0x1  }
0x2c3: {  	v2 =	vmul.f32 s20, v2  }
.Ltmp13:
0x2c4: {  	v3 =	vmul.f32 s20, v3;
	(pc) =	sbr.rel @p3 .LBB2_18-.Ltmp13, $4  }
0x2c5: {  	s8 =	sadd.s32 $0x40, s8;
	[tilespmem:s6+$0xFFFFFFE0] =	vst v2;
	v4 =	vmul.f32 s20, v4  }
0x2c6: {  	v2 =	vld [tilespmem:s8+$0xFFFFFFE0];
	v5 =	vmul.f32 s20, v5;
	[tilespmem:s6+$0x0] =	vst v3  }
0x2c7: {  	s20 =	sand.u32 $0x1FF, s26;
	v3 =	vld [tilespmem:s8+$0x0];
	[tilespmem:s6+$0x10] =	vst v4  }
0x2c8: {  	s26 =	sadd.s32 $0x1, s26;
	s20 =	sld [smem:s20+$0x140];
	v4 =	vld [tilespmem:s8+$0x10];
	[tilespmem:s6+$0xFFFFFFF0] =	vst v5;
	s6 =	smov.u32 s8  }
0x2c9: {  	v5 =	vld [tilespmem:s8+$0xFFFFFFF0];
	_ =	sdelay $0x1  }
0x2ca: {  	v2 =	vmul.f32 s20, v2  }
0x2cb: {  	v3 =	vmul.f32 s20, v3  }
0x2cc: {  	[tilespmem:s6+$0xFFFFFFE0] =	vst v2;
	v2 =	vmul.f32 s20, v4  }
0x2cd: {  	v63 =	vmul.f32 s20, v5;
	[tilespmem:s6+$0x0] =	vst v3  }
0x2ce: {  	[tilespmem:s6+$0x10] =	vst v2  }
.Ltmp14:
0x2cf: {  	s31 =	rddreg [dreg:$0x17];
	[tilespmem:s6+$0xFFFFFFF0] =	vst v63;
	(pc) =	sbr.rel .LBB2_30-.Ltmp14, $4  }
0x2d0: {  	[hbm4b:s31+s28] =	stream.linear.scatter [tilespmem:s15], [sflag:$0x4], $0x5000, $0x38;
	[tilespmem:$0x1BAE8] =	vst v63  }
0x2d1: {  	_ =	swait.ge [sflag:s25], $0x5000  }
0x2d2: {  	[sflag:s25] =	ssyncset.done $0x0  }
0x2d3: {  	s6 =	smov.u32 s21;
	[sflag:s25] =	ssyncadd.s32 $0xFFFFB000  }
.LBB2_9:
0x2d4: {  	s6 =	rddreg [dreg:$0xa]  }
0x2d5: {  	[tilespmem:s15], [sflag:$0x4] =	stream.strided.gather [hbm4b:s6+s29], $0x5000, s31, s29, $0x38;
	[tilespmem:$0x1BAE8] =	vst v63  }
0x2d6: {  	_ =	swait.ge [sflag:s25], $0x5000  }
0x2d7: {  	[sflag:s25] =	ssyncset.done $0x0  }
0x2d8: {  	s8 =	simm.s32 $0xC4B0;
	[sflag:s25] =	ssyncadd.s32 $0xFFFFB000  }
0x2d9: {  	v2 =	vld [tilespmem:s8+$0xFFFFFFE0]  }
0x2da: {  	v3 =	vld [tilespmem:s8+$0x0]  }
0x2db: {  	s26 =	simm.s32 $0x4;
	s6 =	simm.s32 $0xC4B0;
	s20 =	sld [smem:$0x0];
	v4 =	vld [tilespmem:s8+$0x10]  }
.LBB2_10:
0x2dc: {  	p3 =	sne.s32 s26, $0x4FC;
	v5 =	vld [tilespmem:s8+$0xFFFFFFF0];
	_ =	sdelay $0x1  }
0x2dd: {  	v2 =	vmul.f32 s20, v2  }
.Ltmp15:
0x2de: {  	v3 =	vmul.f32 s20, v3;
	(pc) =	sbr.rel @p3 .LBB2_10-.Ltmp15, $4  }
0x2df: {  	s8 =	sadd.s32 $0x40, s8;
	[tilespmem:s6+$0xFFFFFFE0] =	vst v2;
	v4 =	vmul.f32 s20, v4  }
0x2e0: {  	v2 =	vld [tilespmem:s8+$0xFFFFFFE0];
	v5 =	vmul.f32 s20, v5;
	[tilespmem:s6+$0x0] =	vst v3  }
0x2e1: {  	s20 =	sshra.s32 s26, $0x2;
	v3 =	vld [tilespmem:s8+$0x0];
	[tilespmem:s6+$0x10] =	vst v4  }
0x2e2: {  	s26 =	sadd.s32 $0x4, s26;
	s20 =	sld [smem:s20+$0x0];
	v4 =	vld [tilespmem:s8+$0x10];
	[tilespmem:s6+$0xFFFFFFF0] =	vst v5;
	s6 =	smov.u32 s8  }
0x2e3: {  	v5 =	vld [tilespmem:s8+$0xFFFFFFF0];
	_ =	sdelay $0x1  }
0x2e4: {  	v2 =	vmul.f32 s20, v2  }
0x2e5: {  	v3 =	vmul.f32 s20, v3  }
0x2e6: {  	[tilespmem:s6+$0xFFFFFFE0] =	vst v2;
	v2 =	vmul.f32 s20, v4  }
0x2e7: {  	v4 =	vmul.f32 s20, v5;
	[tilespmem:s6+$0x0] =	vst v3  }
0x2e8: {  	[tilespmem:s6+$0x10] =	vst v2  }
0x2e9: {  	s20 =	rddreg [dreg:$0x14];
	[tilespmem:s6+$0xFFFFFFF0] =	vst v4;
	s6 =	simm.s32 $0x0  }
0x2ea: {  	[hbm4b:s20+s6] =	stream.linear.scatter [tilespmem:s15], [sflag:$0x4], $0x5000, $0x38;
	[tilespmem:$0x1BAE8] =	vst v63  }
0x2eb: {  	_ =	swait.ge [sflag:s25], $0x5000  }
0x2ec: {  	[sflag:s25] =	ssyncset.done $0x0  }
0x2ed: {  	s26 =	rddreg [dreg:$0xb];
	[sflag:s25] =	ssyncadd.s32 $0xFFFFB000  }
0x2ee: {  	[tilespmem:s15], [sflag:$0x4] =	stream.strided.gather [hbm4b:s26+s29], $0x5000, s31, s29, $0x38;
	[tilespmem:$0x1BAE8] =	vst v63  }
0x2ef: {  	_ =	swait.ge [sflag:s25], $0x5000  }
0x2f0: {  	[sflag:s25] =	ssyncset.done $0x0  }
0x2f1: {  	s8 =	simm.s32 $0xC4B0;
	[sflag:s25] =	ssyncadd.s32 $0xFFFFB000  }
0x2f2: {  	v2 =	vld [tilespmem:s8+$0xFFFFFFE0]  }
0x2f3: {  	s6 =	sand.u32 $0x1FF, s6;
	v3 =	vld [tilespmem:s8+$0x0]  }
0x2f4: {  	s26 =	simm.s32 $0x1;
	s20 =	sld [smem:s6+$0x140];
	v4 =	vld [tilespmem:s8+$0x10];
	s6 =	simm.s32 $0xC4B0  }
.LBB2_12:
0x2f5: {  	p3 =	sne.s32 s26, $0x13F;
	v5 =	vld [tilespmem:s8+$0xFFFFFFF0];
	_ =	sdelay $0x1  }
0x2f6: {  	v2 =	vmul.f32 s20, v2  }
.Ltmp16:
0x2f7: {  	v3 =	vmul.f32 s20, v3;
	(pc) =	sbr.rel @p3 .LBB2_12-.Ltmp16, $4  }
0x2f8: {  	s8 =	sadd.s32 $0x40, s8;
	[tilespmem:s6+$0xFFFFFFE0] =	vst v2;
	v4 =	vmul.f32 s20, v4  }
0x2f9: {  	v2 =	vld [tilespmem:s8+$0xFFFFFFE0];
	v5 =	vmul.f32 s20, v5;
	[tilespmem:s6+$0x0] =	vst v3  }
0x2fa: {  	s20 =	sand.u32 $0x1FF, s26;
	v3 =	vld [tilespmem:s8+$0x0];
	[tilespmem:s6+$0x10] =	vst v4  }
0x2fb: {  	s26 =	sadd.s32 $0x1, s26;
	s20 =	sld [smem:s20+$0x140];
	v4 =	vld [tilespmem:s8+$0x10];
	[tilespmem:s6+$0xFFFFFFF0] =	vst v5;
	s6 =	smov.u32 s8  }
0x2fc: {  	v5 =	vld [tilespmem:s8+$0xFFFFFFF0];
	_ =	sdelay $0x1  }
0x2fd: {  	v2 =	vmul.f32 s20, v2  }
0x2fe: {  	v3 =	vmul.f32 s20, v3  }
0x2ff: {  	[tilespmem:s6+$0xFFFFFFE0] =	vst v2;
	v2 =	vmul.f32 s20, v4  }
0x300: {  	v63 =	vmul.f32 s20, v5;
	[tilespmem:s6+$0x0] =	vst v3  }
0x301: {  	[tilespmem:s6+$0x10] =	vst v2  }
0x302: {  	s31 =	rddreg [dreg:$0x16];
	[tilespmem:s6+$0xFFFFFFF0] =	vst v63  }
0x303: {  	[hbm4b:s31+s28] =	stream.linear.scatter [tilespmem:s15], [sflag:$0x4], $0x5000, $0x38;
	[tilespmem:$0x1BAE8] =	vst v63  }
0x304: {  	_ =	swait.ge [sflag:s25], $0x5000  }
0x305: {  	[sflag:s25] =	ssyncset.done $0x0  }
0x306: {  	s6 =	smov.u32 s30;
	[sflag:s25] =	ssyncadd.s32 $0xFFFFB000  }
.LBB2_30:
0x307: {  	[bflag:$0x0] =	sbarrier.arrive $0xFFFF;
	s8 =	simm.s32 $0x0  }
0x308: {  	[tilespmem:s9], [sflag:$0x1] =	stream.indirect.gather [hbm4b:s6+s24], $0x40, s8, s24, $0xb8;
	[tilespmem:$0x1BAE8] =	vst v63  }
0x309: {  	s8 =	simm.s32 $0x50  }
0x30a: {  	[tilespmem:s10], [sflag:$0x2] =	stream.indirect.gather [hbm4b:s22+s24], $0x40, s8, s24, $0xb8;
	[tilespmem:$0x1BAE8] =	vst v63  }
0x30b: {  	s20 =	sadd.s32 $0x0, s14  }
0x30c: {  	[tilespmem:s11], [sflag:$0x3] =	stream.indirect.gather [spmem:s4], $0x1, s20, s24, $0xb8;
	[tilespmem:$0x1BAE8] =	vst v63  }
0x30d: {  	_ =	swait.ge [sflag:s16], $0x1400  }
0x30e: {  	[sflag:s16] =	ssyncset.done $0x0  }
0x30f: {  	s26 =	simm.s32 $0x4E20;
	[sflag:s16] =	ssyncadd.s32 $0xFFFFEC00  }
0x310: {  	[spmem:s1] =	stream.indirect.scatter.add.f32 [tilespmem:s9], [sflag:$0x4], $0x40, s26, s24, $0xb8;
	[tilespmem:$0x1BAE8] =	vst v63  }
0x311: {  	_ =	swait.ge [sflag:s25], $0x1400  }
0x312: {  	[sflag:s25] =	ssyncset.done $0x0  }
0x313: {  	s28 =	simm.s32 $0xA0;
	[sflag:s25] =	ssyncadd.s32 $0xFFFFEC00  }
0x314: {  	[tilespmem:s9], [sflag:$0x1] =	stream.indirect.gather [hbm4b:s22+s24], $0x40, s28, s24, $0xb8;
	[tilespmem:$0x1BAE8] =	vst v63  }
0x315: {  	_ =	swait.ge [sflag:s17], $0x1400  }
0x316: {  	[sflag:s17] =	ssyncset.done $0x0  }
0x317: {  	s29 =	simm.s32 $0x4E70;
	[sflag:s17] =	ssyncadd.s32 $0xFFFFEC00  }
0x318: {  	[spmem:s1] =	stream.indirect.scatter.add.f32 [tilespmem:s10], [sflag:$0x4], $0x40, s29, s24, $0xb8;
	[tilespmem:$0x1BAE8] =	vst v63  }
0x319: {  	_ =	swait.ge [sflag:s25], $0x1400  }
0x31a: {  	[sflag:s25] =	ssyncset.done $0x0  }
0x31b: {  	[sflag:s25] =	ssyncadd.s32 $0xFFFFEC00  }
0x31c: {  	_ =	swait.ge [sflag:s5], $0x50  }
0x31d: {  	[sflag:s5] =	ssyncset.done $0x0  }
0x31e: {  	s31 =	sadd.s32 $0x0, s12;
	[sflag:s5] =	ssyncadd.s32 $0xFFFFFFB0  }
0x31f: {  	[spmem:s3] =	stream.indirect.scatter.add.f32 [tilespmem:s11], [sflag:$0x4], $0x1, s31, s24, $0xb8;
	[tilespmem:$0x1BAE8] =	vst v63  }
0x320: {  	_ =	swait.ge [sflag:s25], $0x50  }
0x321: {  	s6 =	simm.s32 $0xA0;
	s8 =	simm.s32 $0x500;
	[sflag:s25] =	ssyncset.done $0x0  }
.LBB2_31:
0x322: {  	s20 =	sadd.s32 $0x50, s6  }
0x323: {  	[sflag:s25] =	ssyncadd.s32 $0xFFFFFFB0;
	s26 =	smov.u32 s8;
	s28 =	sadd.s32 $0x280, s8  }
0x324: {  	[tilespmem:s10], [sflag:$0x2] =	stream.indirect.gather [hbm4b:s22+s24], $0x40, s20, s24, $0xb8;
	[tilespmem:$0x1BAE8] =	vst v63  }
0x325: {  	p3 =	sne.s32 s8, $0x13380;
	s8 =	sadd.s32 s6, s14  }
0x326: {  	[tilespmem:s11], [sflag:$0x3] =	stream.indirect.gather [spmem:s4], $0x1, s8, s24, $0xb8;
	[tilespmem:$0x1BAE8] =	vst v63  }
0x327: {  	_ =	swait.ge [sflag:s16], $0x1400  }
0x328: {  	[sflag:s16] =	ssyncset.done $0x0  }
0x329: {  	s8 =	sadd.s32 $0x4E20, s6;
	[sflag:s16] =	ssyncadd.s32 $0xFFFFEC00  }
0x32a: {  	[spmem:s1] =	stream.indirect.scatter.add.f32 [tilespmem:s9], [sflag:$0x4], $0x40, s8, s24, $0xb8;
	[tilespmem:$0x1BAE8] =	vst v63  }
0x32b: {  	_ =	swait.ge [sflag:s25], $0x1400  }
0x32c: {  	[sflag:s25] =	ssyncset.done $0x0  }
0x32d: {  	s8 =	sadd.s32 $0xA0, s6;
	[sflag:s25] =	ssyncadd.s32 $0xFFFFEC00  }
0x32e: {  	[tilespmem:s9], [sflag:$0x1] =	stream.indirect.gather [hbm4b:s22+s24], $0x40, s8, s24, $0xb8;
	[tilespmem:$0x1BAE8] =	vst v63  }
0x32f: {  	_ =	swait.ge [sflag:s17], $0x1400  }
0x330: {  	[sflag:s17] =	ssyncset.done $0x0  }
0x331: {  	s8 =	sadd.s32 $0x4E70, s6;
	[sflag:s17] =	ssyncadd.s32 $0xFFFFEC00  }
0x332: {  	[spmem:s1] =	stream.indirect.scatter.add.f32 [tilespmem:s10], [sflag:$0x4], $0x40, s8, s24, $0xb8;
	[tilespmem:$0x1BAE8] =	vst v63  }
0x333: {  	_ =	swait.ge [sflag:s25], $0x1400  }
0x334: {  	[sflag:s25] =	ssyncset.done $0x0  }
0x335: {  	[sflag:s25] =	ssyncadd.s32 $0xFFFFEC00  }
0x336: {  	_ =	swait.ge [sflag:s5], $0x50  }
.Ltmp17:
0x337: {  	[sflag:s5] =	ssyncset.done $0x0;
	(pc) =	sbr.rel @p3 .LBB2_31-.Ltmp17, $4  }
0x338: {  	s6 =	sadd.s32 s6, s12;
	[sflag:s5] =	ssyncadd.s32 $0xFFFFFFB0  }
0x339: {  	[spmem:s3] =	stream.indirect.scatter.add.f32 [tilespmem:s11], [sflag:$0x4], $0x1, s6, s24, $0xb8;
	[tilespmem:$0x1BAE8] =	vst v63  }
0x33a: {  	_ =	swait.ge [sflag:s25], $0x50  }
0x33b: {  	s8 =	smov.u32 s28;
	s6 =	sshra.s32 s26, $0x2;
	[sflag:s25] =	ssyncset.done $0x0  }
0x33c: {  	s8 =	sadd.s32 $0x50, s6;
	[sflag:s25] =	ssyncadd.s32 $0xFFFFFFB0  }
0x33d: {  	[tilespmem:s10], [sflag:$0x2] =	stream.indirect.gather [hbm4b:s22+s24], $0x40, s8, s24, $0xb8;
	[tilespmem:$0x1BAE8] =	vst v63  }
0x33e: {  	s31 =	sadd.s32 s6, s14  }
0x33f: {  	[tilespmem:s11], [sflag:$0x3] =	stream.indirect.gather [spmem:s4], $0x1, s31, s24, $0xb8;
	[tilespmem:$0x1BAE8] =	vst v63  }
0x340: {  	_ =	swait.ge [sflag:s16], $0x1400  }
0x341: {  	[sflag:s16] =	ssyncset.done $0x0  }
0x342: {  	s20 =	sadd.s32 $0x4E20, s6;
	[sflag:s16] =	ssyncadd.s32 $0xFFFFEC00  }
0x343: {  	[spmem:s1] =	stream.indirect.scatter.add.f32 [tilespmem:s9], [sflag:$0x4], $0x40, s20, s24, $0xb8;
	[tilespmem:$0x1BAE8] =	vst v63  }
0x344: {  	_ =	swait.ge [sflag:s25], $0x1400  }
0x345: {  	[sflag:s25] =	ssyncset.done $0x0  }
0x346: {  	s26 =	sadd.s32 $0xA0, s6;
	[sflag:s25] =	ssyncadd.s32 $0xFFFFEC00  }
0x347: {  	[tilespmem:s9], [sflag:$0x1] =	stream.indirect.gather [hbm4b:s22+s24], $0x40, s26, s24, $0xb8;
	[tilespmem:$0x1BAE8] =	vst v63  }
0x348: {  	_ =	swait.ge [sflag:s17], $0x1400  }
0x349: {  	[sflag:s17] =	ssyncset.done $0x0  }
0x34a: {  	s28 =	sadd.s32 $0x4E70, s6;
	[sflag:s17] =	ssyncadd.s32 $0xFFFFEC00  }
0x34b: {  	[spmem:s1] =	stream.indirect.scatter.add.f32 [tilespmem:s10], [sflag:$0x4], $0x40, s28, s24, $0xb8;
	[tilespmem:$0x1BAE8] =	vst v63  }
0x34c: {  	_ =	swait.ge [sflag:s25], $0x1400  }
0x34d: {  	[sflag:s25] =	ssyncset.done $0x0  }
0x34e: {  	[sflag:s25] =	ssyncadd.s32 $0xFFFFEC00  }
0x34f: {  	_ =	swait.ge [sflag:s5], $0x50  }
0x350: {  	[sflag:s5] =	ssyncset.done $0x0  }
0x351: {  	s29 =	sadd.s32 s6, s12;
	[sflag:s5] =	ssyncadd.s32 $0xFFFFFFB0  }
0x352: {  	[spmem:s3] =	stream.indirect.scatter.add.f32 [tilespmem:s11], [sflag:$0x4], $0x1, s29, s24, $0xb8;
	[tilespmem:$0x1BAE8] =	vst v63  }
0x353: {  	_ =	swait.ge [sflag:s25], $0x50  }
0x354: {  	s6 =	simm.s32 @p0 $0x50;
	[sflag:s25] =	ssyncset.done $0x0  }
0x355: {  	s8 =	simm.s32 @p0 $0x4DD0;
	s20 =	simm.s32 @p0 $0xB040;
	[sflag:s25] =	ssyncadd.s32 $0xFFFFFFB0  }
0x356: {  	[tilespmem:s20], [sflag:$0x2] =	stream.indirect.gather @p0 [hbm4b:s21+s6], $0x40, s8, s6, $0xb8;
	[tilespmem:$0x1BAE8] =	vst v63  }
0x357: {  	s6 =	simm.s32 @!p0 $0x50;
	s8 =	simm.s32 @!p0 $0x4DD0;
	s20 =	simm.s32 @!p0 $0xB040  }
0x358: {  	[tilespmem:s20], [sflag:$0x2] =	stream.indirect.gather @!p0 [hbm4b:s30+s6], $0x40, s8, s6, $0xb8;
	[tilespmem:$0x1BAE8] =	vst v63  }
0x359: {  	_ = 	snop  }
0x35a: {  	[tilespmem:s11], [sflag:$0x3] =	stream.indirect.gather [spmem:s4], $0x1, s0, s24, $0xb8;
	[tilespmem:$0x1BAE8] =	vst v63  }
0x35b: {  	_ =	swait.ge [sflag:s16], $0x1400  }
0x35c: {  	[sflag:s16] =	ssyncset.done $0x0  }
0x35d: {  	s31 =	simm.s32 $0x9BA0;
	[sflag:s16] =	ssyncadd.s32 $0xFFFFEC00  }
0x35e: {  	[spmem:s1] =	stream.indirect.scatter.add.f32 [tilespmem:s9], [sflag:$0x4], $0x40, s31, s24, $0xb8;
	[tilespmem:$0x1BAE8] =	vst v63  }
0x35f: {  	_ =	swait.ge [sflag:s25], $0x1400  }
0x360: {  	[sflag:s25] =	ssyncset.done $0x0  }
0x361: {  	[sflag:s25] =	ssyncadd.s32 $0xFFFFEC00  }
0x362: {  	_ =	swait.ge [sflag:s17], $0x1400  }
0x363: {  	[sflag:s17] =	ssyncset.done $0x0  }
0x364: {  	s8 =	simm.s32 $0x9BF0;
	[sflag:s17] =	ssyncadd.s32 $0xFFFFEC00  }
0x365: {  	[spmem:s1] =	stream.indirect.scatter.add.f32 [tilespmem:s10], [sflag:$0x4], $0x40, s8, s24, $0xb8;
	[tilespmem:$0x1BAE8] =	vst v63  }
0x366: {  	_ =	swait.ge [sflag:s25], $0x1400  }
0x367: {  	[sflag:s25] =	ssyncset.done $0x0  }
0x368: {  	[sflag:s25] =	ssyncadd.s32 $0xFFFFEC00  }
0x369: {  	_ =	swait.ge [sflag:s5], $0x50  }
0x36a: {  	s20 =	sld [smem:$0x7FD]  }
0x36b: {  	[sflag:s5] =	ssyncset.done $0x0  }
0x36c: {  	[sflag:s5] =	ssyncadd.s32 $0xFFFFFFB0  }
0x36d: {  	[spmem:s3] =	stream.indirect.scatter.add.f32 [tilespmem:s11], [sflag:$0x4], $0x1, s20, s24, $0xb8;
	[tilespmem:$0x1BAE8] =	vst v63  }
0x36e: {  	_ =	swait.ge [sflag:s25], $0x50  }
0x36f: {  	[sflag:s25] =	ssyncset.done $0x0  }
0x370: {  	[sflag:s25] =	ssyncadd.s32 $0xFFFFFFB0  }
0x371: {  	[bflag:$0x0] =	sbarrier.arrive $0xFFFF  }
0x372: {  	s26 =	stileid.u32;
	s29 =	sld [smem:$0x7FA]  }
0x373: {  	s6 =	sshll.u32 s26, $0x6  }
0x374: {  	s28 =	sshrl.u32 s7, $0x3;
	s6 =	sor.u32 $0x1C04, s6  }
0x375: {  	[hbm:s29], [sflag:s6] =	dma.local [spmem:s28], $0x1388  }
0x376: {  	_ =	swait.ge [sflag:s25], $0x1388  }
0x377: {  	s20 =	sld [smem:$0x7FB]  }
0x378: {  	[sflag:s25] =	ssyncset.done $0x0  }
0x379: {  	s8 =	sshrl.u32 @!p1 s3, $0x3;
	[sflag:s25] =	ssyncadd.s32 $0xFFFFEC78  }
0x37a: {  	[hbm:s20], [sflag:s6] =	dma.local @!p1 [spmem:s8], $0x4E2  }
0x37b: {  	s6 =	simm.s32 @!p1 $0x4  }
0x37c: {  	_ =	swait.ge @!p1 [sflag:s6], $0x4E2  }
0x37d: {  	s31 =	sld [smem:$0x7FC];
	_ =	sdelay $0x1  }
0x37e: {  	s19 =	sadd.s32 $0x1, s19  }
0x37f: {  	p3 =	sne.s32 s19, s31  }
.Ltmp18:
0x380: {  	_ = 	snop;
	(pc) =	sbr.rel @p3 .LBB2_1-.Ltmp18, $3  }
0x381: {  	_ =	sdelay $0x1  }
0x382: {  	[sflag:s6] =	ssyncset.done @!p1 $0x0  }
0x383: {  	[sflag:s6] =	ssyncadd.s32 @!p1 $0xFFFFFB1E  }
0x384: {  	_ =	sfence.sel $0x180000  }
0x385: {  	[bflag:$0x0] =	sbarrier.arrive $0xFFFF  }
0x386: {  	_ =	strace $0x90000047  }
0x387: {  	[bflag:$0x2] =	sbarrier.arrive $0xFFFF  }
0x388: {  	s0 =	rddreg [dreg:$0x5]  }
0x389: {  	s0 =	sadd.s32 @!p1 $0x100000, s0  }
0x38a: {  	[sflag:s0] =	ssyncadd.tile.s32 @!p1 $0x1;
	_ =	shalt  }
.Lfunc_end2:
_tile_overlayer_lowered:
.L_overlay_start_2:
0x38b: {  	(tag) =	ssettag $0x2  }
0x38c: {  	s0 =	rddreg [dreg:$0x0];
	s2 =	stileid.u32  }
0x38d: {  	s1 =	rddreg [dreg:$0x1];
	p0 =	sne.s32 s2, $0x0  }
0x38e: {  	s3 =	rddreg [dreg:$0x2];
	[bflag:$0x3] =	sbarrier.arrive $0xFFFF;
	s2 =	simm.s32 @!p0 $0x1C04  }
0x38f: {  	[timem:s3], [sflag:s2] =	dma.local @!p0 [hbm:s0], s1  }
0x390: {  	s0 =	simm.s32 @!p0 $0x4  }
0x391: {  	_ =	swait.ge @!p0 [sflag:s0], s1  }
0x392: {  	s1 =	ssub.s32 @!p0 $0x0, s1;
	[sflag:s0] =	ssyncset.done @!p0 $0x0  }
0x393: {  	[sflag:s0] =	ssyncadd.s32 @!p0 s1  }
0x394: {  	[bflag:$0x3] =	sbarrier.arrive $0xFFFF  }
0x395: {  	_ =	shalt  }

</sc_bundles>
